<compile_context>
chip_gen: v7x
topology: tpu7x:2x2x1
jax: 0.10.2.dev20260603
libtpu: 0.0.44.dev20260713+nightly
codegen_flags: <defaults>
</compile_context>

<pallas_src>
import jax
import jax.numpy as jnp
from jax import lax
from jax.experimental import pallas as pl
from jax.experimental.pallas import tpu as pltpu
from jax.experimental.pallas import tpu_sc as plsc

N = 10000
D = 128
E = 320000

NC = 2
NS = 16
NW = NC * NS
NP = 10112
RPT = NP // NS
B = 128
NCHUNK = 80
EW = NCHUNK * B
EP = NW * EW
DG = 128
PAD_ROW = N + 16

_mesh = plsc.VectorSubcoreMesh(core_axis_name="c", subcore_axis_name="s")


def _fill(ref, val):
    nr, ncols = ref.shape
    v = jnp.full((16,), val, jnp.float32)
    def outer(i, _):
        for j in range(ncols // 16):
            ref[i, pl.ds(j * 16, 16)] = v
        return 0
    lax.fori_loop(0, nr, outer, 0)


def _zero_slab(zsrc, shared, rbase):
    for k in range(4):
        pltpu.sync_copy(zsrc.at[pl.ds(0, B)], shared.at[pl.ds(rbase + k * B, B)])
    pltpu.sync_copy(zsrc.at[pl.ds(0, RPT - 4 * B)],
                    shared.at[pl.ds(rbase + 4 * B, RPT - 4 * B)])


def _sc_deg_body(dst_hbm, deg_hbm, dstv, ones, dacc, sem):
    c = lax.axis_index("c")
    s = lax.axis_index("s")
    w = c * NS + s
    rbase = s * RPT
    _fill(ones, 0.0)
    _zero_slab(ones, dacc, rbase)
    _fill(ones, 1.0)
    plsc.subcore_barrier()
    ebase = w * EW
    def chunk(i, _):
        pltpu.sync_copy(dst_hbm.at[pl.ds(ebase + i * B, B)], dstv)
        pltpu.sync_copy(ones, dacc.at[dstv], add=True)
        return 0
    lax.fori_loop(0, NCHUNK, chunk, 0)
    plsc.subcore_barrier()
    pltpu.sync_copy(dacc.at[pl.ds(rbase, RPT)],
                    deg_hbm.at[pl.ds(c * NP + rbase, RPT)])


_sc_deg = pl.kernel(
    _sc_deg_body,
    out_type=[jax.ShapeDtypeStruct((NC * NP, DG), jnp.float32)],
    mesh=_mesh,
    scratch_types=[
        pltpu.VMEM((B,), jnp.int32),
        pltpu.VMEM((B, DG), jnp.float32),
        pltpu.VMEM_SHARED((NP, DG), jnp.float32),
        pltpu.SemaphoreType.DMA,
    ],
)


CB = 16
NBLK = NCHUNK // CB


def _sc_scatter_body(y_hbm, src_hbm, dst_hbm, out_hbm,
                     sbA, dbA, sbB, dbB, rows0, rows1, acc,
                     gsem0, gsem1, isem):
    c = lax.axis_index("c")
    s = lax.axis_index("s")
    w = c * NS + s
    rbase = s * RPT
    _fill(rows0, 0.0)
    _zero_slab(rows0, acc, rbase)
    plsc.subcore_barrier()
    del sbB, dbB, rows1, gsem1, isem
    cbase = w * NCHUNK
    for p in range(NBLK):
        base = cbase + p * CB
        pltpu.sync_copy(src_hbm.at[pl.ds(base, CB)], sbA)
        pltpu.sync_copy(dst_hbm.at[pl.ds(base, CB)], dbA)
        def body(j, _):
            pltpu.async_copy(y_hbm.at[sbA.at[j]], rows0, gsem0).wait()
            pltpu.sync_copy(rows0, acc.at[dbA.at[j]], add=True)
            return 0
        lax.fori_loop(0, CB, body, 0)

    plsc.subcore_barrier()
    pltpu.sync_copy(acc.at[pl.ds(rbase, RPT)],
                    out_hbm.at[pl.ds(c * NP + rbase, RPT)])


_sc_scatter = pl.kernel(
    _sc_scatter_body,
    out_type=[jax.ShapeDtypeStruct((NC * NP, D), jnp.float32)],
    mesh=_mesh,
    scratch_types=[
        pltpu.VMEM((CB, B), jnp.int32),
        pltpu.VMEM((CB, B), jnp.int32),
        pltpu.VMEM((CB, B), jnp.int32),
        pltpu.VMEM((CB, B), jnp.int32),
        pltpu.VMEM((B, D), jnp.float32),
        pltpu.VMEM((B, D), jnp.float32),
        pltpu.VMEM_SHARED((NP, D), jnp.float32),
        pltpu.SemaphoreType.DMA,
        pltpu.SemaphoreType.DMA,
        pltpu.SemaphoreType.DMA,
    ],
)

RB = 1000


def _mm_body(x_ref, w_ref, o_ref):
    o_ref[...] = jnp.dot(x_ref[...], w_ref[...], preferred_element_type=jnp.float32)


def _matmul(x, W):
    return pl.pallas_call(
        _mm_body,
        grid=(N // RB,),
        in_specs=[pl.BlockSpec((RB, D), lambda i: (i, 0)),
                  pl.BlockSpec((D, D), lambda i: (0, 0))],
        out_specs=pl.BlockSpec((RB, D), lambda i: (i, 0)),
        out_shape=jax.ShapeDtypeStruct((N, D), jnp.float32),
    )(x, W)


def _combine1_body(p_ref, y_ref, d_ref, b_ref, w2_ref, h1_ref, y2_ref):
    ssum = p_ref[0] + p_ref[1]
    deg = d_ref[0, :, 0:1] + d_ref[1, :, 0:1]
    h = (ssum + y_ref[...]) / (deg + 1.0) + b_ref[...]
    h1 = jnp.maximum(h, 0.0)
    h1_ref[...] = h1
    y2_ref[...] = jnp.dot(h1, w2_ref[...], preferred_element_type=jnp.float32)


def _combine1(P, y1, Dg, b1, W2):
    return pl.pallas_call(
        _combine1_body,
        grid=(N // RB,),
        in_specs=[pl.BlockSpec((NC, RB, D), lambda i: (0, i, 0)),
                  pl.BlockSpec((RB, D), lambda i: (i, 0)),
                  pl.BlockSpec((NC, RB, DG), lambda i: (0, i, 0)),
                  pl.BlockSpec((1, D), lambda i: (0, 0)),
                  pl.BlockSpec((D, D), lambda i: (0, 0))],
        out_specs=[pl.BlockSpec((RB, D), lambda i: (i, 0)),
                   pl.BlockSpec((RB, D), lambda i: (i, 0))],
        out_shape=[jax.ShapeDtypeStruct((N, D), jnp.float32),
                   jax.ShapeDtypeStruct((N, D), jnp.float32)],
    )(P, y1, Dg, b1, W2)


def _final_body(q_ref, y_ref, d_ref, b_ref, h2_ref):
    ssum = q_ref[0] + q_ref[1]
    deg = d_ref[0, :, 0:1] + d_ref[1, :, 0:1]
    h2_ref[...] = (ssum + y_ref[...]) / (deg + 1.0) + b_ref[...]


def _final(Q, y2, Dg, b2):
    return pl.pallas_call(
        _final_body,
        grid=(N // RB,),
        in_specs=[pl.BlockSpec((NC, RB, D), lambda i: (0, i, 0)),
                  pl.BlockSpec((RB, D), lambda i: (i, 0)),
                  pl.BlockSpec((NC, RB, DG), lambda i: (0, i, 0)),
                  pl.BlockSpec((1, D), lambda i: (0, 0))],
        out_specs=pl.BlockSpec((RB, D), lambda i: (i, 0)),
        out_shape=jax.ShapeDtypeStruct((N, D), jnp.float32),
    )(Q, y2, Dg, b2)


def kernel(feats, edge_index, W1, b1, W2, b2):
    npad = EP - E
    src = jnp.concatenate([edge_index[0], jnp.zeros((npad,), jnp.int32)])
    dst = jnp.concatenate([edge_index[1], jnp.full((npad,), PAD_ROW, jnp.int32)])
    src2 = src.reshape(EP // B, B)
    dst2 = dst.reshape(EP // B, B)
    y1 = _matmul(feats, W1)
    Dg = _sc_deg(dst)[0].reshape(NC, NP, DG)
    P1 = _sc_scatter(y1, src2, dst2)[0].reshape(NC, NP, D)
    h1, y2 = _combine1(P1, y1, Dg, b1.reshape(1, D), W2)
    P2 = _sc_scatter(y2, src2, dst2)[0].reshape(NC, NP, D)
    h2 = _final(P2, y2, Dg, b2.reshape(1, D))
    return (h1, h2)

# --- scband reference (transcript-rebuilt; emitter-appended) ---
"""Pipeline reference for scband-sage-28776280883867 (READ-ONLY COPY).

The authoritative reference and input builder live on the scoring server;
editing this copy changes nothing except your own understanding.
"""

import jax, jax.numpy as jnp
import numpy as np

N = 10000
E = 320000
D = 128


def _sage_conv_gcn(x, src, dst, W, b):
    # DGL SAGEConv with aggregator_type='gcn':
    # h_neigh = (sum_{j in N(i)} x_j + x_i) / (in_degree(i) + 1); out = h_neigh @ W + b
    agg = jnp.zeros_like(x).at[dst].add(x[src])
    deg = jnp.zeros((x.shape[0],), dtype=x.dtype).at[dst].add(1.0)
    h = (agg + x) / (deg[:, None] + 1.0)
    return h @ W + b


def setup_inputs(seed: int = 0) -> dict:
    key = jax.random.key(seed)
    k1, k2, k3, k4, k5, k6 = jax.random.split(key, 6)
    feats = jax.random.normal(k1, (N, D), dtype=jnp.float32)
    edge_index = jax.random.randint(k2, (2, E), 0, N, dtype=jnp.int32)
    s = 1.0 / np.sqrt(D)
    W1 = jax.random.normal(k3, (D, D), dtype=jnp.float32) * s
    b1 = jnp.zeros((D,), dtype=jnp.float32)
    W2 = jax.random.normal(k4, (D, D), dtype=jnp.float32) * s
    b2 = jnp.zeros((D,), dtype=jnp.float32)
    return {"feats": feats, "edge_index": edge_index, "W1": W1, "b1": b1, "W2": W2, "b2": b2}


def reference(feats, edge_index, W1, b1, W2, b2):
    # SAGE.forward with num_layers=2, activation=relu, norm_type='none', dropout=0.0 (eval)
    src = edge_index[0]
    dst = edge_index[1]
    h = _sage_conv_gcn(feats, src, dst, W1, b1)
    h = jax.nn.relu(h)  # dropout p=0.0 is identity
    h1 = h
    h2 = _sage_conv_gcn(h, src, dst, W2, b2)
    # original returns (h_list, h); h_list = [h1 (post-activation), h2]
    return (h1, h2)

if __name__ == "__main__":
    import jax
    _d = setup_inputs()
    print(jax.jit(kernel)(*tuple(_d.values())))

</pallas_src>

<mosaic_0001>
#map = affine_map<(d0, d1) -> (0, 0)>
module attributes {stable_mosaic.version = 14 : i64} {
  func.func @_sc_scatter_body(%arg0: i32, %arg1: i32, %arg2: memref<10000x128xf32, #tpu.memory_space<hbm>>, %arg3: memref<2560x128xi32, #tpu.memory_space<hbm>>, %arg4: memref<2560x128xi32, #tpu.memory_space<hbm>>, %arg5: memref<20224x128xf32, #tpu.memory_space<hbm>>, %arg6: memref<16x128xi32, #tpu.memory_space<vmem>>, %arg7: memref<16x128xi32, #tpu.memory_space<vmem>>, %arg8: memref<16x128xi32, #tpu.memory_space<vmem>>, %arg9: memref<16x128xi32, #tpu.memory_space<vmem>>, %arg10: memref<128x128xf32, #tpu.memory_space<vmem>>, %arg11: memref<128x128xf32, #tpu.memory_space<vmem>>, %arg12: memref<10112x128xf32, #tpu.memory_space<vmem_shared>>, %arg13: memref<!tpu.dma_semaphore, #tpu.memory_space<semaphore_mem>>, %arg14: memref<!tpu.dma_semaphore, #tpu.memory_space<semaphore_mem>>, %arg15: memref<!tpu.dma_semaphore, #tpu.memory_space<semaphore_mem>>) attributes {dimension_semantics = [#tpu.dimension_semantics<core_parallel>, #tpu.dimension_semantics<subcore_parallel>], iteration_bounds = array<i64: 2, 16>, scalar_prefetch = 0 : i64, scratch_operands = 10 : i64, tpu.core_type = #tpu.core_type<sc_vector_subcore>, window_params = [{transform_indices = #map}, {transform_indices = #map}, {transform_indices = #map}, {transform_indices = #map}]} {
    %mul3A = arith.constant 16 : i32
    %mul3A_0 = arith.muli %arg0, %mul3A : i32
    %add3A = arith.addi %mul3A_0, %arg1 : i32
    %mul3A_1 = arith.constant 632 : i32
    %mul3A_2 = arith.muli %arg1, %mul3A_1 : i32
    %broadcast_in_dim3A = arith.constant 0.000000e+00 : f32
    %broadcast_in_dim3A_3 = vector.broadcast %broadcast_in_dim3A : f32 to vector<16xf32>
    %scan3A = arith.constant 0 : i32
    %scan3A_4 = arith.constant 0 : i32
    %scan3A_5 = arith.constant 128 : i32
    %scan3A_6 = arith.addi %scan3A_4, %scan3A_5 : i32
    %scan3A_7 = arith.constant 1 : i32
    %scan3A_8 = scf.for %scan3A_71 = %scan3A_4 to %scan3A_6 step %scan3A_7 iter_args(%scan3A_72 = %scan3A) -> (i32)  : i32 {
      %swap3A = arith.index_cast %scan3A_71 : i32 to index
      %swap3A_73 = arith.constant 0 : index
      %swap3A_74 = tpu.vector_load %arg10[%swap3A, %swap3A_73] {strides = array<i32>} : memref<128x128xf32, #tpu.memory_space<vmem>>, vector<1x16xf32>,
      %swap3A_75 = vector.shape_cast %swap3A_74 : vector<1x16xf32> to vector<16xf32>
      %swap3A_76 = vector.shape_cast %broadcast_in_dim3A_3 : vector<16xf32> to vector<1x16xf32>
      tpu.vector_store %arg10[%swap3A, %swap3A_73], %swap3A_76 {strides = array<i32>} : memref<128x128xf32, #tpu.memory_space<vmem>>, vector<1x16xf32>,
      %swap3A_77 = arith.index_cast %scan3A_71 : i32 to index
      %swap3A_78 = arith.constant 16 : index
      %swap3A_79 = tpu.vector_load %arg10[%swap3A_77, %swap3A_78] {strides = array<i32>} : memref<128x128xf32, #tpu.memory_space<vmem>>, vector<1x16xf32>,
      %swap3A_80 = vector.shape_cast %swap3A_79 : vector<1x16xf32> to vector<16xf32>
      %swap3A_81 = vector.shape_cast %broadcast_in_dim3A_3 : vector<16xf32> to vector<1x16xf32>
      tpu.vector_store %arg10[%swap3A_77, %swap3A_78], %swap3A_81 {strides = array<i32>} : memref<128x128xf32, #tpu.memory_space<vmem>>, vector<1x16xf32>,
      %swap3A_82 = arith.index_cast %scan3A_71 : i32 to index
      %swap3A_83 = arith.constant 32 : index
      %swap3A_84 = tpu.vector_load %arg10[%swap3A_82, %swap3A_83] {strides = array<i32>} : memref<128x128xf32, #tpu.memory_space<vmem>>, vector<1x16xf32>,
      %swap3A_85 = vector.shape_cast %swap3A_84 : vector<1x16xf32> to vector<16xf32>
      %swap3A_86 = vector.shape_cast %broadcast_in_dim3A_3 : vector<16xf32> to vector<1x16xf32>
      tpu.vector_store %arg10[%swap3A_82, %swap3A_83], %swap3A_86 {strides = array<i32>} : memref<128x128xf32, #tpu.memory_space<vmem>>, vector<1x16xf32>,
      %swap3A_87 = arith.index_cast %scan3A_71 : i32 to index
      %swap3A_88 = arith.constant 48 : index
      %swap3A_89 = tpu.vector_load %arg10[%swap3A_87, %swap3A_88] {strides = array<i32>} : memref<128x128xf32, #tpu.memory_space<vmem>>, vector<1x16xf32>,
      %swap3A_90 = vector.shape_cast %swap3A_89 : vector<1x16xf32> to vector<16xf32>
      %swap3A_91 = vector.shape_cast %broadcast_in_dim3A_3 : vector<16xf32> to vector<1x16xf32>
      tpu.vector_store %arg10[%swap3A_87, %swap3A_88], %swap3A_91 {strides = array<i32>} : memref<128x128xf32, #tpu.memory_space<vmem>>, vector<1x16xf32>,
      %swap3A_92 = arith.index_cast %scan3A_71 : i32 to index
      %swap3A_93 = arith.constant 64 : index
      %swap3A_94 = tpu.vector_load %arg10[%swap3A_92, %swap3A_93] {strides = array<i32>} : memref<128x128xf32, #tpu.memory_space<vmem>>, vector<1x16xf32>,
      %swap3A_95 = vector.shape_cast %swap3A_94 : vector<1x16xf32> to vector<16xf32>
      %swap3A_96 = vector.shape_cast %broadcast_in_dim3A_3 : vector<16xf32> to vector<1x16xf32>
      tpu.vector_store %arg10[%swap3A_92, %swap3A_93], %swap3A_96 {strides = array<i32>} : memref<128x128xf32, #tpu.memory_space<vmem>>, vector<1x16xf32>,
      %swap3A_97 = arith.index_cast %scan3A_71 : i32 to index
      %swap3A_98 = arith.constant 80 : index
      %swap3A_99 = tpu.vector_load %arg10[%swap3A_97, %swap3A_98] {strides = array<i32>} : memref<128x128xf32, #tpu.memory_space<vmem>>, vector<1x16xf32>,
      %swap3A_100 = vector.shape_cast %swap3A_99 : vector<1x16xf32> to vector<16xf32>
      %swap3A_101 = vector.shape_cast %broadcast_in_dim3A_3 : vector<16xf32> to vector<1x16xf32>
      tpu.vector_store %arg10[%swap3A_97, %swap3A_98], %swap3A_101 {strides = array<i32>} : memref<128x128xf32, #tpu.memory_space<vmem>>, vector<1x16xf32>,
      %swap3A_102 = arith.index_cast %scan3A_71 : i32 to index
      %swap3A_103 = arith.constant 96 : index
      %swap3A_104 = tpu.vector_load %arg10[%swap3A_102, %swap3A_103] {strides = array<i32>} : memref<128x128xf32, #tpu.memory_space<vmem>>, vector<1x16xf32>,
      %swap3A_105 = vector.shape_cast %swap3A_104 : vector<1x16xf32> to vector<16xf32>
      %swap3A_106 = vector.shape_cast %broadcast_in_dim3A_3 : vector<16xf32> to vector<1x16xf32>
      tpu.vector_store %arg10[%swap3A_102, %swap3A_103], %swap3A_106 {strides = array<i32>} : memref<128x128xf32, #tpu.memory_space<vmem>>, vector<1x16xf32>,
      %swap3A_107 = arith.index_cast %scan3A_71 : i32 to index
      %swap3A_108 = arith.constant 112 : index
      %swap3A_109 = tpu.vector_load %arg10[%swap3A_107, %swap3A_108] {strides = array<i32>} : memref<128x128xf32, #tpu.memory_space<vmem>>, vector<1x16xf32>,
      %swap3A_110 = vector.shape_cast %swap3A_109 : vector<1x16xf32> to vector<16xf32>
      %swap3A_111 = vector.shape_cast %broadcast_in_dim3A_3 : vector<16xf32> to vector<1x16xf32>
      tpu.vector_store %arg10[%swap3A_107, %swap3A_108], %swap3A_111 {strides = array<i32>} : memref<128x128xf32, #tpu.memory_space<vmem>>, vector<1x16xf32>,
      %scan3A_112 = arith.constant 0 : i32
      scf.yield %scan3A_112 : i32
    }
    %scan3A_9 = arith.constant 128 : i32
    %add3A_10 = arith.constant 0 : i32
    %add3A_11 = arith.addi %mul3A_2, %add3A_10 : i32
    "tpu.region"() ({
      %run_scoped3A = tpu.sem_alloc : memref<!tpu.dma_semaphore, #tpu.memory_space<semaphore_mem>>
      %dma_start3A = arith.constant 0 : i32
      %dma_start3A_71 = arith.constant 0 : i32
      %dma_start3A_72 = tpu.memref_slice %arg10[%dma_start3A, %dma_start3A_71] : memref<128x128xf32, #tpu.memory_space<vmem>> -> memref<128x128xf32, #tpu.memory_space<vmem>>
      %dma_start3A_73 = arith.constant 0 : i32
      %dma_start3A_74 = tpu.memref_slice %arg12[%add3A_11, %dma_start3A_73] : memref<10112x128xf32, #tpu.memory_space<vmem_shared>> -> memref<128x128xf32, #tpu.memory_space<vmem_shared>>
      %dma_start3A_75 = arith.constant 0 : i32
      %dma_start3A_76 = tpu.memref_slice %arg12[%add3A_11, %dma_start3A_75] : memref<10112x128xf32, #tpu.memory_space<vmem_shared>> -> memref<128x128xf32, #tpu.memory_space<vmem_shared>>
      %dma_start3A_77 = arith.constant 0 : i32
      %dma_start3A_78 = arith.constant 0 : i32
      %dma_start3A_79 = tpu.memref_slice %arg10[%dma_start3A_77, %dma_start3A_78] : memref<128x128xf32, #tpu.memory_space<vmem>> -> memref<128x128xf32, #tpu.memory_space<vmem>>
      tpu.enqueue_dma source(%dma_start3A_79 : memref<128x128xf32, #tpu.memory_space<vmem>>) target(%dma_start3A_76 : memref<128x128xf32, #tpu.memory_space<vmem_shared>>) target_semaphore(%run_scoped3A : memref<!tpu.dma_semaphore, #tpu.memory_space<semaphore_mem>>)
      %dma_wait3A = arith.constant 0 : i32
      %dma_wait3A_80 = arith.constant 0 : i32
      %dma_wait3A_81 = tpu.memref_slice %arg10[%dma_wait3A, %dma_wait3A_80] : memref<128x128xf32, #tpu.memory_space<vmem>> -> memref<128x128xf32, #tpu.memory_space<vmem>>
      %dma_wait3A_82 = arith.constant 0 : i32
      %dma_wait3A_83 = tpu.memref_slice %arg12[%add3A_11, %dma_wait3A_82] : memref<10112x128xf32, #tpu.memory_space<vmem_shared>> -> memref<128x128xf32, #tpu.memory_space<vmem_shared>>
      %dma_wait3A_84 = arith.constant 0 : i32
      %dma_wait3A_85 = tpu.memref_slice %arg12[%add3A_11, %dma_wait3A_84] : memref<10112x128xf32, #tpu.memory_space<vmem_shared>> -> memref<128x128xf32, #tpu.memory_space<vmem_shared>>
      %dma_wait3A_86 = arith.constant 0 : i32
      %dma_wait3A_87 = arith.constant 0 : i32
      %dma_wait3A_88 = tpu.memref_slice %arg10[%dma_wait3A_86, %dma_wait3A_87] : memref<128x128xf32, #tpu.memory_space<vmem>> -> memref<128x128xf32, #tpu.memory_space<vmem>>
      tpu.wait_dma2 semaphore(%run_scoped3A : memref<!tpu.dma_semaphore, #tpu.memory_space<semaphore_mem>>) src(%dma_wait3A_88 : memref<128x128xf32, #tpu.memory_space<vmem>>) dst(%dma_wait3A_85 : memref<128x128xf32, #tpu.memory_space<vmem_shared>>)
      tpu.yield
    }) : () -> ()
    %add3A_12 = arith.constant 128 : i32
    %add3A_13 = arith.addi %mul3A_2, %add3A_12 : i32
    "tpu.region"() ({
      %run_scoped3A = tpu.sem_alloc : memref<!tpu.dma_semaphore, #tpu.memory_space<semaphore_mem>>
      %dma_start3A = arith.constant 0 : i32
      %dma_start3A_71 = arith.constant 0 : i32
      %dma_start3A_72 = tpu.memref_slice %arg10[%dma_start3A, %dma_start3A_71] : memref<128x128xf32, #tpu.memory_space<vmem>> -> memref<128x128xf32, #tpu.memory_space<vmem>>
      %dma_start3A_73 = arith.constant 0 : i32
      %dma_start3A_74 = tpu.memref_slice %arg12[%add3A_13, %dma_start3A_73] : memref<10112x128xf32, #tpu.memory_space<vmem_shared>> -> memref<128x128xf32, #tpu.memory_space<vmem_shared>>
      %dma_start3A_75 = arith.constant 0 : i32
      %dma_start3A_76 = tpu.memref_slice %arg12[%add3A_13, %dma_start3A_75] : memref<10112x128xf32, #tpu.memory_space<vmem_shared>> -> memref<128x128xf32, #tpu.memory_space<vmem_shared>>
      %dma_start3A_77 = arith.constant 0 : i32
      %dma_start3A_78 = arith.constant 0 : i32
      %dma_start3A_79 = tpu.memref_slice %arg10[%dma_start3A_77, %dma_start3A_78] : memref<128x128xf32, #tpu.memory_space<vmem>> -> memref<128x128xf32, #tpu.memory_space<vmem>>
      tpu.enqueue_dma source(%dma_start3A_79 : memref<128x128xf32, #tpu.memory_space<vmem>>) target(%dma_start3A_76 : memref<128x128xf32, #tpu.memory_space<vmem_shared>>) target_semaphore(%run_scoped3A : memref<!tpu.dma_semaphore, #tpu.memory_space<semaphore_mem>>)
      %dma_wait3A = arith.constant 0 : i32
      %dma_wait3A_80 = arith.constant 0 : i32
      %dma_wait3A_81 = tpu.memref_slice %arg10[%dma_wait3A, %dma_wait3A_80] : memref<128x128xf32, #tpu.memory_space<vmem>> -> memref<128x128xf32, #tpu.memory_space<vmem>>
      %dma_wait3A_82 = arith.constant 0 : i32
      %dma_wait3A_83 = tpu.memref_slice %arg12[%add3A_13, %dma_wait3A_82] : memref<10112x128xf32, #tpu.memory_space<vmem_shared>> -> memref<128x128xf32, #tpu.memory_space<vmem_shared>>
      %dma_wait3A_84 = arith.constant 0 : i32
      %dma_wait3A_85 = tpu.memref_slice %arg12[%add3A_13, %dma_wait3A_84] : memref<10112x128xf32, #tpu.memory_space<vmem_shared>> -> memref<128x128xf32, #tpu.memory_space<vmem_shared>>
      %dma_wait3A_86 = arith.constant 0 : i32
      %dma_wait3A_87 = arith.constant 0 : i32
      %dma_wait3A_88 = tpu.memref_slice %arg10[%dma_wait3A_86, %dma_wait3A_87] : memref<128x128xf32, #tpu.memory_space<vmem>> -> memref<128x128xf32, #tpu.memory_space<vmem>>
      tpu.wait_dma2 semaphore(%run_scoped3A : memref<!tpu.dma_semaphore, #tpu.memory_space<semaphore_mem>>) src(%dma_wait3A_88 : memref<128x128xf32, #tpu.memory_space<vmem>>) dst(%dma_wait3A_85 : memref<128x128xf32, #tpu.memory_space<vmem_shared>>)
      tpu.yield
    }) : () -> ()
    %add3A_14 = arith.constant 256 : i32
    %add3A_15 = arith.addi %mul3A_2, %add3A_14 : i32
    "tpu.region"() ({
      %run_scoped3A = tpu.sem_alloc : memref<!tpu.dma_semaphore, #tpu.memory_space<semaphore_mem>>
      %dma_start3A = arith.constant 0 : i32
      %dma_start3A_71 = arith.constant 0 : i32
      %dma_start3A_72 = tpu.memref_slice %arg10[%dma_start3A, %dma_start3A_71] : memref<128x128xf32, #tpu.memory_space<vmem>> -> memref<128x128xf32, #tpu.memory_space<vmem>>
      %dma_start3A_73 = arith.constant 0 : i32
      %dma_start3A_74 = tpu.memref_slice %arg12[%add3A_15, %dma_start3A_73] : memref<10112x128xf32, #tpu.memory_space<vmem_shared>> -> memref<128x128xf32, #tpu.memory_space<vmem_shared>>
      %dma_start3A_75 = arith.constant 0 : i32
      %dma_start3A_76 = tpu.memref_slice %arg12[%add3A_15, %dma_start3A_75] : memref<10112x128xf32, #tpu.memory_space<vmem_shared>> -> memref<128x128xf32, #tpu.memory_space<vmem_shared>>
      %dma_start3A_77 = arith.constant 0 : i32
      %dma_start3A_78 = arith.constant 0 : i32
      %dma_start3A_79 = tpu.memref_slice %arg10[%dma_start3A_77, %dma_start3A_78] : memref<128x128xf32, #tpu.memory_space<vmem>> -> memref<128x128xf32, #tpu.memory_space<vmem>>
      tpu.enqueue_dma source(%dma_start3A_79 : memref<128x128xf32, #tpu.memory_space<vmem>>) target(%dma_start3A_76 : memref<128x128xf32, #tpu.memory_space<vmem_shared>>) target_semaphore(%run_scoped3A : memref<!tpu.dma_semaphore, #tpu.memory_space<semaphore_mem>>)
      %dma_wait3A = arith.constant 0 : i32
      %dma_wait3A_80 = arith.constant 0 : i32
      %dma_wait3A_81 = tpu.memref_slice %arg10[%dma_wait3A, %dma_wait3A_80] : memref<128x128xf32, #tpu.memory_space<vmem>> -> memref<128x128xf32, #tpu.memory_space<vmem>>
      %dma_wait3A_82 = arith.constant 0 : i32
      %dma_wait3A_83 = tpu.memref_slice %arg12[%add3A_15, %dma_wait3A_82] : memref<10112x128xf32, #tpu.memory_space<vmem_shared>> -> memref<128x128xf32, #tpu.memory_space<vmem_shared>>
      %dma_wait3A_84 = arith.constant 0 : i32
      %dma_wait3A_85 = tpu.memref_slice %arg12[%add3A_15, %dma_wait3A_84] : memref<10112x128xf32, #tpu.memory_space<vmem_shared>> -> memref<128x128xf32, #tpu.memory_space<vmem_shared>>
      %dma_wait3A_86 = arith.constant 0 : i32
      %dma_wait3A_87 = arith.constant 0 : i32
      %dma_wait3A_88 = tpu.memref_slice %arg10[%dma_wait3A_86, %dma_wait3A_87] : memref<128x128xf32, #tpu.memory_space<vmem>> -> memref<128x128xf32, #tpu.memory_space<vmem>>
      tpu.wait_dma2 semaphore(%run_scoped3A : memref<!tpu.dma_semaphore, #tpu.memory_space<semaphore_mem>>) src(%dma_wait3A_88 : memref<128x128xf32, #tpu.memory_space<vmem>>) dst(%dma_wait3A_85 : memref<128x128xf32, #tpu.memory_space<vmem_shared>>)
      tpu.yield
    }) : () -> ()
    %add3A_16 = arith.constant 384 : i32
    %add3A_17 = arith.addi %mul3A_2, %add3A_16 : i32
    "tpu.region"() ({
      %run_scoped3A = tpu.sem_alloc : memref<!tpu.dma_semaphore, #tpu.memory_space<semaphore_mem>>
      %dma_start3A = arith.constant 0 : i32
      %dma_start3A_71 = arith.constant 0 : i32
      %dma_start3A_72 = tpu.memref_slice %arg10[%dma_start3A, %dma_start3A_71] : memref<128x128xf32, #tpu.memory_space<vmem>> -> memref<128x128xf32, #tpu.memory_space<vmem>>
      %dma_start3A_73 = arith.constant 0 : i32
      %dma_start3A_74 = tpu.memref_slice %arg12[%add3A_17, %dma_start3A_73] : memref<10112x128xf32, #tpu.memory_space<vmem_shared>> -> memref<128x128xf32, #tpu.memory_space<vmem_shared>>
      %dma_start3A_75 = arith.constant 0 : i32
      %dma_start3A_76 = tpu.memref_slice %arg12[%add3A_17, %dma_start3A_75] : memref<10112x128xf32, #tpu.memory_space<vmem_shared>> -> memref<128x128xf32, #tpu.memory_space<vmem_shared>>
      %dma_start3A_77 = arith.constant 0 : i32
      %dma_start3A_78 = arith.constant 0 : i32
      %dma_start3A_79 = tpu.memref_slice %arg10[%dma_start3A_77, %dma_start3A_78] : memref<128x128xf32, #tpu.memory_space<vmem>> -> memref<128x128xf32, #tpu.memory_space<vmem>>
      tpu.enqueue_dma source(%dma_start3A_79 : memref<128x128xf32, #tpu.memory_space<vmem>>) target(%dma_start3A_76 : memref<128x128xf32, #tpu.memory_space<vmem_shared>>) target_semaphore(%run_scoped3A : memref<!tpu.dma_semaphore, #tpu.memory_space<semaphore_mem>>)
      %dma_wait3A = arith.constant 0 : i32
      %dma_wait3A_80 = arith.constant 0 : i32
      %dma_wait3A_81 = tpu.memref_slice %arg10[%dma_wait3A, %dma_wait3A_80] : memref<128x128xf32, #tpu.memory_space<vmem>> -> memref<128x128xf32, #tpu.memory_space<vmem>>
      %dma_wait3A_82 = arith.constant 0 : i32
      %dma_wait3A_83 = tpu.memref_slice %arg12[%add3A_17, %dma_wait3A_82] : memref<10112x128xf32, #tpu.memory_space<vmem_shared>> -> memref<128x128xf32, #tpu.memory_space<vmem_shared>>
      %dma_wait3A_84 = arith.constant 0 : i32
      %dma_wait3A_85 = tpu.memref_slice %arg12[%add3A_17, %dma_wait3A_84] : memref<10112x128xf32, #tpu.memory_space<vmem_shared>> -> memref<128x128xf32, #tpu.memory_space<vmem_shared>>
      %dma_wait3A_86 = arith.constant 0 : i32
      %dma_wait3A_87 = arith.constant 0 : i32
      %dma_wait3A_88 = tpu.memref_slice %arg10[%dma_wait3A_86, %dma_wait3A_87] : memref<128x128xf32, #tpu.memory_space<vmem>> -> memref<128x128xf32, #tpu.memory_space<vmem>>
      tpu.wait_dma2 semaphore(%run_scoped3A : memref<!tpu.dma_semaphore, #tpu.memory_space<semaphore_mem>>) src(%dma_wait3A_88 : memref<128x128xf32, #tpu.memory_space<vmem>>) dst(%dma_wait3A_85 : memref<128x128xf32, #tpu.memory_space<vmem_shared>>)
      tpu.yield
    }) : () -> ()
    %add3A_18 = arith.constant 512 : i32
    %add3A_19 = arith.addi %mul3A_2, %add3A_18 : i32
    "tpu.region"() ({
      %run_scoped3A = tpu.sem_alloc : memref<!tpu.dma_semaphore, #tpu.memory_space<semaphore_mem>>
      %dma_start3A = arith.constant 0 : i32
      %dma_start3A_71 = arith.constant 0 : i32
      %dma_start3A_72 = tpu.memref_slice %arg10[%dma_start3A, %dma_start3A_71] : memref<128x128xf32, #tpu.memory_space<vmem>> -> memref<120x128xf32, #tpu.memory_space<vmem>>
      %dma_start3A_73 = arith.constant 0 : i32
      %dma_start3A_74 = tpu.memref_slice %arg12[%add3A_19, %dma_start3A_73] : memref<10112x128xf32, #tpu.memory_space<vmem_shared>> -> memref<120x128xf32, #tpu.memory_space<vmem_shared>>
      %dma_start3A_75 = arith.constant 0 : i32
      %dma_start3A_76 = tpu.memref_slice %arg12[%add3A_19, %dma_start3A_75] : memref<10112x128xf32, #tpu.memory_space<vmem_shared>> -> memref<120x128xf32, #tpu.memory_space<vmem_shared>>
      %dma_start3A_77 = arith.constant 0 : i32
      %dma_start3A_78 = arith.constant 0 : i32
      %dma_start3A_79 = tpu.memref_slice %arg10[%dma_start3A_77, %dma_start3A_78] : memref<128x128xf32, #tpu.memory_space<vmem>> -> memref<120x128xf32, #tpu.memory_space<vmem>>
      tpu.enqueue_dma source(%dma_start3A_79 : memref<120x128xf32, #tpu.memory_space<vmem>>) target(%dma_start3A_76 : memref<120x128xf32, #tpu.memory_space<vmem_shared>>) target_semaphore(%run_scoped3A : memref<!tpu.dma_semaphore, #tpu.memory_space<semaphore_mem>>)
      %dma_wait3A = arith.constant 0 : i32
      %dma_wait3A_80 = arith.constant 0 : i32
      %dma_wait3A_81 = tpu.memref_slice %arg10[%dma_wait3A, %dma_wait3A_80] : memref<128x128xf32, #tpu.memory_space<vmem>> -> memref<120x128xf32, #tpu.memory_space<vmem>>
      %dma_wait3A_82 = arith.constant 0 : i32
      %dma_wait3A_83 = tpu.memref_slice %arg12[%add3A_19, %dma_wait3A_82] : memref<10112x128xf32, #tpu.memory_space<vmem_shared>> -> memref<120x128xf32, #tpu.memory_space<vmem_shared>>
      %dma_wait3A_84 = arith.constant 0 : i32
      %dma_wait3A_85 = tpu.memref_slice %arg12[%add3A_19, %dma_wait3A_84] : memref<10112x128xf32, #tpu.memory_space<vmem_shared>> -> memref<120x128xf32, #tpu.memory_space<vmem_shared>>
      %dma_wait3A_86 = arith.constant 0 : i32
      %dma_wait3A_87 = arith.constant 0 : i32
      %dma_wait3A_88 = tpu.memref_slice %arg10[%dma_wait3A_86, %dma_wait3A_87] : memref<128x128xf32, #tpu.memory_space<vmem>> -> memref<120x128xf32, #tpu.memory_space<vmem>>
      tpu.wait_dma2 semaphore(%run_scoped3A : memref<!tpu.dma_semaphore, #tpu.memory_space<semaphore_mem>>) src(%dma_wait3A_88 : memref<120x128xf32, #tpu.memory_space<vmem>>) dst(%dma_wait3A_85 : memref<120x128xf32, #tpu.memory_space<vmem_shared>>)
      tpu.yield
    }) : () -> ()
    %barrier3A = arith.constant 0 : index
    tpu.barrier barrier_id(%barrier3A)
    %mul3A_20 = arith.constant 80 : i32
    %mul3A_21 = arith.muli %add3A, %mul3A_20 : i32
    %add3A_22 = arith.constant 0 : i32
    %add3A_23 = arith.addi %mul3A_21, %add3A_22 : i32
    "tpu.region"() ({
      %run_scoped3A = tpu.sem_alloc : memref<!tpu.dma_semaphore, #tpu.memory_space<semaphore_mem>>
      %dma_start3A = arith.constant 0 : i32
      %dma_start3A_71 = tpu.memref_slice %arg3[%add3A_23, %dma_start3A] : memref<2560x128xi32, #tpu.memory_space<hbm>> -> memref<16x128xi32, #tpu.memory_space<hbm>>
      %dma_start3A_72 = arith.constant 0 : i32
      %dma_start3A_73 = tpu.memref_slice %arg3[%add3A_23, %dma_start3A_72] : memref<2560x128xi32, #tpu.memory_space<hbm>> -> memref<16x128xi32, #tpu.memory_space<hbm>>
      tpu.enqueue_dma source(%dma_start3A_73 : memref<16x128xi32, #tpu.memory_space<hbm>>) target(%arg6 : memref<16x128xi32, #tpu.memory_space<vmem>>) target_semaphore(%run_scoped3A : memref<!tpu.dma_semaphore, #tpu.memory_space<semaphore_mem>>)
      %dma_wait3A = arith.constant 0 : i32
      %dma_wait3A_74 = tpu.memref_slice %arg3[%add3A_23, %dma_wait3A] : memref<2560x128xi32, #tpu.memory_space<hbm>> -> memref<16x128xi32, #tpu.memory_space<hbm>>
      %dma_wait3A_75 = arith.constant 0 : i32
      %dma_wait3A_76 = tpu.memref_slice %arg3[%add3A_23, %dma_wait3A_75] : memref<2560x128xi32, #tpu.memory_space<hbm>> -> memref<16x128xi32, #tpu.memory_space<hbm>>
      tpu.wait_dma2 semaphore(%run_scoped3A : memref<!tpu.dma_semaphore, #tpu.memory_space<semaphore_mem>>) src(%dma_wait3A_76 : memref<16x128xi32, #tpu.memory_space<hbm>>) dst(%arg6 : memref<16x128xi32, #tpu.memory_space<vmem>>)
      tpu.yield
    }) : () -> ()
    "tpu.region"() ({
      %run_scoped3A = tpu.sem_alloc : memref<!tpu.dma_semaphore, #tpu.memory_space<semaphore_mem>>
      %dma_start3A = arith.constant 0 : i32
      %dma_start3A_71 = tpu.memref_slice %arg4[%add3A_23, %dma_start3A] : memref<2560x128xi32, #tpu.memory_space<hbm>> -> memref<16x128xi32, #tpu.memory_space<hbm>>
      %dma_start3A_72 = arith.constant 0 : i32
      %dma_start3A_73 = tpu.memref_slice %arg4[%add3A_23, %dma_start3A_72] : memref<2560x128xi32, #tpu.memory_space<hbm>> -> memref<16x128xi32, #tpu.memory_space<hbm>>
      tpu.enqueue_dma source(%dma_start3A_73 : memref<16x128xi32, #tpu.memory_space<hbm>>) target(%arg7 : memref<16x128xi32, #tpu.memory_space<vmem>>) target_semaphore(%run_scoped3A : memref<!tpu.dma_semaphore, #tpu.memory_space<semaphore_mem>>)
      %dma_wait3A = arith.constant 0 : i32
      %dma_wait3A_74 = tpu.memref_slice %arg4[%add3A_23, %dma_wait3A] : memref<2560x128xi32, #tpu.memory_space<hbm>> -> memref<16x128xi32, #tpu.memory_space<hbm>>
      %dma_wait3A_75 = arith.constant 0 : i32
      %dma_wait3A_76 = tpu.memref_slice %arg4[%add3A_23, %dma_wait3A_75] : memref<2560x128xi32, #tpu.memory_space<hbm>> -> memref<16x128xi32, #tpu.memory_space<hbm>>
      tpu.wait_dma2 semaphore(%run_scoped3A : memref<!tpu.dma_semaphore, #tpu.memory_space<semaphore_mem>>) src(%dma_wait3A_76 : memref<16x128xi32, #tpu.memory_space<hbm>>) dst(%arg7 : memref<16x128xi32, #tpu.memory_space<vmem>>)
      tpu.yield
    }) : () -> ()
    %scan3A_24 = arith.constant 0 : i32
    %scan3A_25 = arith.constant 0 : i32
    %scan3A_26 = arith.constant 16 : i32
    %scan3A_27 = arith.addi %scan3A_25, %scan3A_26 : i32
    %scan3A_28 = arith.constant 1 : i32
    %scan3A_29 = scf.for %scan3A_71 = %scan3A_25 to %scan3A_27 step %scan3A_28 iter_args(%scan3A_72 = %scan3A_24) -> (i32)  : i32 {
      %dma_start3A = arith.constant 0 : i32
      %dma_start3A_73 = tpu.memref_slice %arg6[%scan3A_71, %dma_start3A] : memref<16x128xi32, #tpu.memory_space<vmem>> -> memref<1x128xi32, #tpu.memory_space<vmem>>
      %dma_start3A_74 = tpu.memref_squeeze %dma_start3A_73 : memref<1x128xi32, #tpu.memory_space<vmem>> -> memref<128xi32, #tpu.memory_space<vmem>>
      %dma_start3A_75 = arith.constant 0 : i32
      %dma_start3A_76 = arith.constant 0 : i32
      %dma_start3A_77 = tpu.memref_slice %arg2[%dma_start3A_75, %dma_start3A_76] : memref<10000x128xf32, #tpu.memory_space<hbm>> -> memref<10000x128xf32, #tpu.memory_space<hbm>>
      tpu.enqueue_indirect_dma source(%dma_start3A_77 : memref<10000x128xf32, #tpu.memory_space<hbm>>) target(%arg10 : memref<128x128xf32, #tpu.memory_space<vmem>>) offsets(%dma_start3A_74 : memref<128xi32, #tpu.memory_space<vmem>>) semaphore(%arg13 : memref<!tpu.dma_semaphore, #tpu.memory_space<semaphore_mem>>)
      %dma_wait3A = arith.constant 0 : i32
      %dma_wait3A_78 = tpu.memref_slice %arg6[%scan3A_71, %dma_wait3A] : memref<16x128xi32, #tpu.memory_space<vmem>> -> memref<1x128xi32, #tpu.memory_space<vmem>>
      %dma_wait3A_79 = tpu.memref_squeeze %dma_wait3A_78 : memref<1x128xi32, #tpu.memory_space<vmem>> -> memref<128xi32, #tpu.memory_space<vmem>>
      %dma_wait3A_80 = arith.constant 0 : i32
      %dma_wait3A_81 = arith.constant 0 : i32
      %dma_wait3A_82 = tpu.memref_slice %arg2[%dma_wait3A_80, %dma_wait3A_81] : memref<10000x128xf32, #tpu.memory_space<hbm>> -> memref<10000x128xf32, #tpu.memory_space<hbm>>
      tpu.wait_indirect_dma semaphore(%arg13 : memref<!tpu.dma_semaphore, #tpu.memory_space<semaphore_mem>>) src(%dma_wait3A_82 : memref<10000x128xf32, #tpu.memory_space<hbm>>) dst(%arg10 : memref<128x128xf32, #tpu.memory_space<vmem>>)
      "tpu.region"() ({
        %run_scoped3A = tpu.sem_alloc : memref<!tpu.dma_semaphore, #tpu.memory_space<semaphore_mem>>
        %dma_start3A_84 = arith.constant 0 : i32
        %dma_start3A_85 = tpu.memref_slice %arg7[%scan3A_71, %dma_start3A_84] : memref<16x128xi32, #tpu.memory_space<vmem>> -> memref<1x128xi32, #tpu.memory_space<vmem>>
        %dma_start3A_86 = tpu.memref_squeeze %dma_start3A_85 : memref<1x128xi32, #tpu.memory_space<vmem>> -> memref<128xi32, #tpu.memory_space<vmem>>
        %dma_start3A_87 = arith.constant 0 : i32
        %dma_start3A_88 = arith.constant 0 : i32
        %dma_start3A_89 = tpu.memref_slice %arg12[%dma_start3A_87, %dma_start3A_88] : memref<10112x128xf32, #tpu.memory_space<vmem_shared>> -> memref<10112x128xf32, #tpu.memory_space<vmem_shared>>
        tpu.enqueue_indirect_dma source(%arg10 : memref<128x128xf32, #tpu.memory_space<vmem>>) target(%dma_start3A_89 : memref<10112x128xf32, #tpu.memory_space<vmem_shared>>) offsets(%dma_start3A_86 : memref<128xi32, #tpu.memory_space<vmem>>) semaphore(%run_scoped3A : memref<!tpu.dma_semaphore, #tpu.memory_space<semaphore_mem>>) {add = true}
        %dma_wait3A_90 = arith.constant 0 : i32
        %dma_wait3A_91 = tpu.memref_slice %arg7[%scan3A_71, %dma_wait3A_90] : memref<16x128xi32, #tpu.memory_space<vmem>> -> memref<1x128xi32, #tpu.memory_space<vmem>>
        %dma_wait3A_92 = tpu.memref_squeeze %dma_wait3A_91 : memref<1x128xi32, #tpu.memory_space<vmem>> -> memref<128xi32, #tpu.memory_space<vmem>>
        %dma_wait3A_93 = arith.constant 0 : i32
        %dma_wait3A_94 = arith.constant 0 : i32
        %dma_wait3A_95 = tpu.memref_slice %arg12[%dma_wait3A_93, %dma_wait3A_94] : memref<10112x128xf32, #tpu.memory_space<vmem_shared>> -> memref<10112x128xf32, #tpu.memory_space<vmem_shared>>
        tpu.wait_indirect_dma semaphore(%run_scoped3A : memref<!tpu.dma_semaphore, #tpu.memory_space<semaphore_mem>>) src(%arg10 : memref<128x128xf32, #tpu.memory_space<vmem>>) dst(%dma_wait3A_95 : memref<10112x128xf32, #tpu.memory_space<vmem_shared>>)
        tpu.yield
      }) : () -> ()
      %scan3A_83 = arith.constant 0 : i32
      scf.yield %scan3A_83 : i32
    }
    %scan3A_30 = arith.constant 16 : i32
    %add3A_31 = arith.constant 16 : i32
    %add3A_32 = arith.addi %mul3A_21, %add3A_31 : i32
    "tpu.region"() ({
      %run_scoped3A = tpu.sem_alloc : memref<!tpu.dma_semaphore, #tpu.memory_space<semaphore_mem>>
      %dma_start3A = arith.constant 0 : i32
      %dma_start3A_71 = tpu.memref_slice %arg3[%add3A_32, %dma_start3A] : memref<2560x128xi32, #tpu.memory_space<hbm>> -> memref<16x128xi32, #tpu.memory_space<hbm>>
      %dma_start3A_72 = arith.constant 0 : i32
      %dma_start3A_73 = tpu.memref_slice %arg3[%add3A_32, %dma_start3A_72] : memref<2560x128xi32, #tpu.memory_space<hbm>> -> memref<16x128xi32, #tpu.memory_space<hbm>>
      tpu.enqueue_dma source(%dma_start3A_73 : memref<16x128xi32, #tpu.memory_space<hbm>>) target(%arg6 : memref<16x128xi32, #tpu.memory_space<vmem>>) target_semaphore(%run_scoped3A : memref<!tpu.dma_semaphore, #tpu.memory_space<semaphore_mem>>)
      %dma_wait3A = arith.constant 0 : i32
      %dma_wait3A_74 = tpu.memref_slice %arg3[%add3A_32, %dma_wait3A] : memref<2560x128xi32, #tpu.memory_space<hbm>> -> memref<16x128xi32, #tpu.memory_space<hbm>>
      %dma_wait3A_75 = arith.constant 0 : i32
      %dma_wait3A_76 = tpu.memref_slice %arg3[%add3A_32, %dma_wait3A_75] : memref<2560x128xi32, #tpu.memory_space<hbm>> -> memref<16x128xi32, #tpu.memory_space<hbm>>
      tpu.wait_dma2 semaphore(%run_scoped3A : memref<!tpu.dma_semaphore, #tpu.memory_space<semaphore_mem>>) src(%dma_wait3A_76 : memref<16x128xi32, #tpu.memory_space<hbm>>) dst(%arg6 : memref<16x128xi32, #tpu.memory_space<vmem>>)
      tpu.yield
    }) : () -> ()
    "tpu.region"() ({
      %run_scoped3A = tpu.sem_alloc : memref<!tpu.dma_semaphore, #tpu.memory_space<semaphore_mem>>
      %dma_start3A = arith.constant 0 : i32
      %dma_start3A_71 = tpu.memref_slice %arg4[%add3A_32, %dma_start3A] : memref<2560x128xi32, #tpu.memory_space<hbm>> -> memref<16x128xi32, #tpu.memory_space<hbm>>
      %dma_start3A_72 = arith.constant 0 : i32
      %dma_start3A_73 = tpu.memref_slice %arg4[%add3A_32, %dma_start3A_72] : memref<2560x128xi32, #tpu.memory_space<hbm>> -> memref<16x128xi32, #tpu.memory_space<hbm>>
      tpu.enqueue_dma source(%dma_start3A_73 : memref<16x128xi32, #tpu.memory_space<hbm>>) target(%arg7 : memref<16x128xi32, #tpu.memory_space<vmem>>) target_semaphore(%run_scoped3A : memref<!tpu.dma_semaphore, #tpu.memory_space<semaphore_mem>>)
      %dma_wait3A = arith.constant 0 : i32
      %dma_wait3A_74 = tpu.memref_slice %arg4[%add3A_32, %dma_wait3A] : memref<2560x128xi32, #tpu.memory_space<hbm>> -> memref<16x128xi32, #tpu.memory_space<hbm>>
      %dma_wait3A_75 = arith.constant 0 : i32
      %dma_wait3A_76 = tpu.memref_slice %arg4[%add3A_32, %dma_wait3A_75] : memref<2560x128xi32, #tpu.memory_space<hbm>> -> memref<16x128xi32, #tpu.memory_space<hbm>>
      tpu.wait_dma2 semaphore(%run_scoped3A : memref<!tpu.dma_semaphore, #tpu.memory_space<semaphore_mem>>) src(%dma_wait3A_76 : memref<16x128xi32, #tpu.memory_space<hbm>>) dst(%arg7 : memref<16x128xi32, #tpu.memory_space<vmem>>)
      tpu.yield
    }) : () -> ()
    %scan3A_33 = arith.constant 0 : i32
    %scan3A_34 = arith.constant 0 : i32
    %scan3A_35 = arith.constant 16 : i32
    %scan3A_36 = arith.addi %scan3A_34, %scan3A_35 : i32
    %scan3A_37 = arith.constant 1 : i32
    %scan3A_38 = scf.for %scan3A_71 = %scan3A_34 to %scan3A_36 step %scan3A_37 iter_args(%scan3A_72 = %scan3A_33) -> (i32)  : i32 {
      %dma_start3A = arith.constant 0 : i32
      %dma_start3A_73 = tpu.memref_slice %arg6[%scan3A_71, %dma_start3A] : memref<16x128xi32, #tpu.memory_space<vmem>> -> memref<1x128xi32, #tpu.memory_space<vmem>>
      %dma_start3A_74 = tpu.memref_squeeze %dma_start3A_73 : memref<1x128xi32, #tpu.memory_space<vmem>> -> memref<128xi32, #tpu.memory_space<vmem>>
      %dma_start3A_75 = arith.constant 0 : i32
      %dma_start3A_76 = arith.constant 0 : i32
      %dma_start3A_77 = tpu.memref_slice %arg2[%dma_start3A_75, %dma_start3A_76] : memref<10000x128xf32, #tpu.memory_space<hbm>> -> memref<10000x128xf32, #tpu.memory_space<hbm>>
      tpu.enqueue_indirect_dma source(%dma_start3A_77 : memref<10000x128xf32, #tpu.memory_space<hbm>>) target(%arg10 : memref<128x128xf32, #tpu.memory_space<vmem>>) offsets(%dma_start3A_74 : memref<128xi32, #tpu.memory_space<vmem>>) semaphore(%arg13 : memref<!tpu.dma_semaphore, #tpu.memory_space<semaphore_mem>>)
      %dma_wait3A = arith.constant 0 : i32
      %dma_wait3A_78 = tpu.memref_slice %arg6[%scan3A_71, %dma_wait3A] : memref<16x128xi32, #tpu.memory_space<vmem>> -> memref<1x128xi32, #tpu.memory_space<vmem>>
      %dma_wait3A_79 = tpu.memref_squeeze %dma_wait3A_78 : memref<1x128xi32, #tpu.memory_space<vmem>> -> memref<128xi32, #tpu.memory_space<vmem>>
      %dma_wait3A_80 = arith.constant 0 : i32
      %dma_wait3A_81 = arith.constant 0 : i32
      %dma_wait3A_82 = tpu.memref_slice %arg2[%dma_wait3A_80, %dma_wait3A_81] : memref<10000x128xf32, #tpu.memory_space<hbm>> -> memref<10000x128xf32, #tpu.memory_space<hbm>>
      tpu.wait_indirect_dma semaphore(%arg13 : memref<!tpu.dma_semaphore, #tpu.memory_space<semaphore_mem>>) src(%dma_wait3A_82 : memref<10000x128xf32, #tpu.memory_space<hbm>>) dst(%arg10 : memref<128x128xf32, #tpu.memory_space<vmem>>)
      "tpu.region"() ({
        %run_scoped3A = tpu.sem_alloc : memref<!tpu.dma_semaphore, #tpu.memory_space<semaphore_mem>>
        %dma_start3A_84 = arith.constant 0 : i32
        %dma_start3A_85 = tpu.memref_slice %arg7[%scan3A_71, %dma_start3A_84] : memref<16x128xi32, #tpu.memory_space<vmem>> -> memref<1x128xi32, #tpu.memory_space<vmem>>
        %dma_start3A_86 = tpu.memref_squeeze %dma_start3A_85 : memref<1x128xi32, #tpu.memory_space<vmem>> -> memref<128xi32, #tpu.memory_space<vmem>>
        %dma_start3A_87 = arith.constant 0 : i32
        %dma_start3A_88 = arith.constant 0 : i32
        %dma_start3A_89 = tpu.memref_slice %arg12[%dma_start3A_87, %dma_start3A_88] : memref<10112x128xf32, #tpu.memory_space<vmem_shared>> -> memref<10112x128xf32, #tpu.memory_space<vmem_shared>>
        tpu.enqueue_indirect_dma source(%arg10 : memref<128x128xf32, #tpu.memory_space<vmem>>) target(%dma_start3A_89 : memref<10112x128xf32, #tpu.memory_space<vmem_shared>>) offsets(%dma_start3A_86 : memref<128xi32, #tpu.memory_space<vmem>>) semaphore(%run_scoped3A : memref<!tpu.dma_semaphore, #tpu.memory_space<semaphore_mem>>) {add = true}
        %dma_wait3A_90 = arith.constant 0 : i32
        %dma_wait3A_91 = tpu.memref_slice %arg7[%scan3A_71, %dma_wait3A_90] : memref<16x128xi32, #tpu.memory_space<vmem>> -> memref<1x128xi32, #tpu.memory_space<vmem>>
        %dma_wait3A_92 = tpu.memref_squeeze %dma_wait3A_91 : memref<1x128xi32, #tpu.memory_space<vmem>> -> memref<128xi32, #tpu.memory_space<vmem>>
        %dma_wait3A_93 = arith.constant 0 : i32
        %dma_wait3A_94 = arith.constant 0 : i32
        %dma_wait3A_95 = tpu.memref_slice %arg12[%dma_wait3A_93, %dma_wait3A_94] : memref<10112x128xf32, #tpu.memory_space<vmem_shared>> -> memref<10112x128xf32, #tpu.memory_space<vmem_shared>>
        tpu.wait_indirect_dma semaphore(%run_scoped3A : memref<!tpu.dma_semaphore, #tpu.memory_space<semaphore_mem>>) src(%arg10 : memref<128x128xf32, #tpu.memory_space<vmem>>) dst(%dma_wait3A_95 : memref<10112x128xf32, #tpu.memory_space<vmem_shared>>)
        tpu.yield
      }) : () -> ()
      %scan3A_83 = arith.constant 0 : i32
      scf.yield %scan3A_83 : i32
    }
    %scan3A_39 = arith.constant 16 : i32
    %add3A_40 = arith.constant 32 : i32
    %add3A_41 = arith.addi %mul3A_21, %add3A_40 : i32
    "tpu.region"() ({
      %run_scoped3A = tpu.sem_alloc : memref<!tpu.dma_semaphore, #tpu.memory_space<semaphore_mem>>
      %dma_start3A = arith.constant 0 : i32
      %dma_start3A_71 = tpu.memref_slice %arg3[%add3A_41, %dma_start3A] : memref<2560x128xi32, #tpu.memory_space<hbm>> -> memref<16x128xi32, #tpu.memory_space<hbm>>
      %dma_start3A_72 = arith.constant 0 : i32
      %dma_start3A_73 = tpu.memref_slice %arg3[%add3A_41, %dma_start3A_72] : memref<2560x128xi32, #tpu.memory_space<hbm>> -> memref<16x128xi32, #tpu.memory_space<hbm>>
      tpu.enqueue_dma source(%dma_start3A_73 : memref<16x128xi32, #tpu.memory_space<hbm>>) target(%arg6 : memref<16x128xi32, #tpu.memory_space<vmem>>) target_semaphore(%run_scoped3A : memref<!tpu.dma_semaphore, #tpu.memory_space<semaphore_mem>>)
      %dma_wait3A = arith.constant 0 : i32
      %dma_wait3A_74 = tpu.memref_slice %arg3[%add3A_41, %dma_wait3A] : memref<2560x128xi32, #tpu.memory_space<hbm>> -> memref<16x128xi32, #tpu.memory_space<hbm>>
      %dma_wait3A_75 = arith.constant 0 : i32
      %dma_wait3A_76 = tpu.memref_slice %arg3[%add3A_41, %dma_wait3A_75] : memref<2560x128xi32, #tpu.memory_space<hbm>> -> memref<16x128xi32, #tpu.memory_space<hbm>>
      tpu.wait_dma2 semaphore(%run_scoped3A : memref<!tpu.dma_semaphore, #tpu.memory_space<semaphore_mem>>) src(%dma_wait3A_76 : memref<16x128xi32, #tpu.memory_space<hbm>>) dst(%arg6 : memref<16x128xi32, #tpu.memory_space<vmem>>)
      tpu.yield
    }) : () -> ()
    "tpu.region"() ({
      %run_scoped3A = tpu.sem_alloc : memref<!tpu.dma_semaphore, #tpu.memory_space<semaphore_mem>>
      %dma_start3A = arith.constant 0 : i32
      %dma_start3A_71 = tpu.memref_slice %arg4[%add3A_41, %dma_start3A] : memref<2560x128xi32, #tpu.memory_space<hbm>> -> memref<16x128xi32, #tpu.memory_space<hbm>>
      %dma_start3A_72 = arith.constant 0 : i32
      %dma_start3A_73 = tpu.memref_slice %arg4[%add3A_41, %dma_start3A_72] : memref<2560x128xi32, #tpu.memory_space<hbm>> -> memref<16x128xi32, #tpu.memory_space<hbm>>
      tpu.enqueue_dma source(%dma_start3A_73 : memref<16x128xi32, #tpu.memory_space<hbm>>) target(%arg7 : memref<16x128xi32, #tpu.memory_space<vmem>>) target_semaphore(%run_scoped3A : memref<!tpu.dma_semaphore, #tpu.memory_space<semaphore_mem>>)
      %dma_wait3A = arith.constant 0 : i32
      %dma_wait3A_74 = tpu.memref_slice %arg4[%add3A_41, %dma_wait3A] : memref<2560x128xi32, #tpu.memory_space<hbm>> -> memref<16x128xi32, #tpu.memory_space<hbm>>
      %dma_wait3A_75 = arith.constant 0 : i32
      %dma_wait3A_76 = tpu.memref_slice %arg4[%add3A_41, %dma_wait3A_75] : memref<2560x128xi32, #tpu.memory_space<hbm>> -> memref<16x128xi32, #tpu.memory_space<hbm>>
      tpu.wait_dma2 semaphore(%run_scoped3A : memref<!tpu.dma_semaphore, #tpu.memory_space<semaphore_mem>>) src(%dma_wait3A_76 : memref<16x128xi32, #tpu.memory_space<hbm>>) dst(%arg7 : memref<16x128xi32, #tpu.memory_space<vmem>>)
      tpu.yield
    }) : () -> ()
    %scan3A_42 = arith.constant 0 : i32
    %scan3A_43 = arith.constant 0 : i32
    %scan3A_44 = arith.constant 16 : i32
    %scan3A_45 = arith.addi %scan3A_43, %scan3A_44 : i32
    %scan3A_46 = arith.constant 1 : i32
    %scan3A_47 = scf.for %scan3A_71 = %scan3A_43 to %scan3A_45 step %scan3A_46 iter_args(%scan3A_72 = %scan3A_42) -> (i32)  : i32 {
      %dma_start3A = arith.constant 0 : i32
      %dma_start3A_73 = tpu.memref_slice %arg6[%scan3A_71, %dma_start3A] : memref<16x128xi32, #tpu.memory_space<vmem>> -> memref<1x128xi32, #tpu.memory_space<vmem>>
      %dma_start3A_74 = tpu.memref_squeeze %dma_start3A_73 : memref<1x128xi32, #tpu.memory_space<vmem>> -> memref<128xi32, #tpu.memory_space<vmem>>
      %dma_start3A_75 = arith.constant 0 : i32
      %dma_start3A_76 = arith.constant 0 : i32
      %dma_start3A_77 = tpu.memref_slice %arg2[%dma_start3A_75, %dma_start3A_76] : memref<10000x128xf32, #tpu.memory_space<hbm>> -> memref<10000x128xf32, #tpu.memory_space<hbm>>
      tpu.enqueue_indirect_dma source(%dma_start3A_77 : memref<10000x128xf32, #tpu.memory_space<hbm>>) target(%arg10 : memref<128x128xf32, #tpu.memory_space<vmem>>) offsets(%dma_start3A_74 : memref<128xi32, #tpu.memory_space<vmem>>) semaphore(%arg13 : memref<!tpu.dma_semaphore, #tpu.memory_space<semaphore_mem>>)
      %dma_wait3A = arith.constant 0 : i32
      %dma_wait3A_78 = tpu.memref_slice %arg6[%scan3A_71, %dma_wait3A] : memref<16x128xi32, #tpu.memory_space<vmem>> -> memref<1x128xi32, #tpu.memory_space<vmem>>
      %dma_wait3A_79 = tpu.memref_squeeze %dma_wait3A_78 : memref<1x128xi32, #tpu.memory_space<vmem>> -> memref<128xi32, #tpu.memory_space<vmem>>
      %dma_wait3A_80 = arith.constant 0 : i32
      %dma_wait3A_81 = arith.constant 0 : i32
      %dma_wait3A_82 = tpu.memref_slice %arg2[%dma_wait3A_80, %dma_wait3A_81] : memref<10000x128xf32, #tpu.memory_space<hbm>> -> memref<10000x128xf32, #tpu.memory_space<hbm>>
      tpu.wait_indirect_dma semaphore(%arg13 : memref<!tpu.dma_semaphore, #tpu.memory_space<semaphore_mem>>) src(%dma_wait3A_82 : memref<10000x128xf32, #tpu.memory_space<hbm>>) dst(%arg10 : memref<128x128xf32, #tpu.memory_space<vmem>>)
      "tpu.region"() ({
        %run_scoped3A = tpu.sem_alloc : memref<!tpu.dma_semaphore, #tpu.memory_space<semaphore_mem>>
        %dma_start3A_84 = arith.constant 0 : i32
        %dma_start3A_85 = tpu.memref_slice %arg7[%scan3A_71, %dma_start3A_84] : memref<16x128xi32, #tpu.memory_space<vmem>> -> memref<1x128xi32, #tpu.memory_space<vmem>>
        %dma_start3A_86 = tpu.memref_squeeze %dma_start3A_85 : memref<1x128xi32, #tpu.memory_space<vmem>> -> memref<128xi32, #tpu.memory_space<vmem>>
        %dma_start3A_87 = arith.constant 0 : i32
        %dma_start3A_88 = arith.constant 0 : i32
        %dma_start3A_89 = tpu.memref_slice %arg12[%dma_start3A_87, %dma_start3A_88] : memref<10112x128xf32, #tpu.memory_space<vmem_shared>> -> memref<10112x128xf32, #tpu.memory_space<vmem_shared>>
        tpu.enqueue_indirect_dma source(%arg10 : memref<128x128xf32, #tpu.memory_space<vmem>>) target(%dma_start3A_89 : memref<10112x128xf32, #tpu.memory_space<vmem_shared>>) offsets(%dma_start3A_86 : memref<128xi32, #tpu.memory_space<vmem>>) semaphore(%run_scoped3A : memref<!tpu.dma_semaphore, #tpu.memory_space<semaphore_mem>>) {add = true}
        %dma_wait3A_90 = arith.constant 0 : i32
        %dma_wait3A_91 = tpu.memref_slice %arg7[%scan3A_71, %dma_wait3A_90] : memref<16x128xi32, #tpu.memory_space<vmem>> -> memref<1x128xi32, #tpu.memory_space<vmem>>
        %dma_wait3A_92 = tpu.memref_squeeze %dma_wait3A_91 : memref<1x128xi32, #tpu.memory_space<vmem>> -> memref<128xi32, #tpu.memory_space<vmem>>
        %dma_wait3A_93 = arith.constant 0 : i32
        %dma_wait3A_94 = arith.constant 0 : i32
        %dma_wait3A_95 = tpu.memref_slice %arg12[%dma_wait3A_93, %dma_wait3A_94] : memref<10112x128xf32, #tpu.memory_space<vmem_shared>> -> memref<10112x128xf32, #tpu.memory_space<vmem_shared>>
        tpu.wait_indirect_dma semaphore(%run_scoped3A : memref<!tpu.dma_semaphore, #tpu.memory_space<semaphore_mem>>) src(%arg10 : memref<128x128xf32, #tpu.memory_space<vmem>>) dst(%dma_wait3A_95 : memref<10112x128xf32, #tpu.memory_space<vmem_shared>>)
        tpu.yield
      }) : () -> ()
      %scan3A_83 = arith.constant 0 : i32
      scf.yield %scan3A_83 : i32
    }
    %scan3A_48 = arith.constant 16 : i32
    %add3A_49 = arith.constant 48 : i32
    %add3A_50 = arith.addi %mul3A_21, %add3A_49 : i32
    "tpu.region"() ({
      %run_scoped3A = tpu.sem_alloc : memref<!tpu.dma_semaphore, #tpu.memory_space<semaphore_mem>>
      %dma_start3A = arith.constant 0 : i32
      %dma_start3A_71 = tpu.memref_slice %arg3[%add3A_50, %dma_start3A] : memref<2560x128xi32, #tpu.memory_space<hbm>> -> memref<16x128xi32, #tpu.memory_space<hbm>>
      %dma_start3A_72 = arith.constant 0 : i32
      %dma_start3A_73 = tpu.memref_slice %arg3[%add3A_50, %dma_start3A_72] : memref<2560x128xi32, #tpu.memory_space<hbm>> -> memref<16x128xi32, #tpu.memory_space<hbm>>
      tpu.enqueue_dma source(%dma_start3A_73 : memref<16x128xi32, #tpu.memory_space<hbm>>) target(%arg6 : memref<16x128xi32, #tpu.memory_space<vmem>>) target_semaphore(%run_scoped3A : memref<!tpu.dma_semaphore, #tpu.memory_space<semaphore_mem>>)
      %dma_wait3A = arith.constant 0 : i32
      %dma_wait3A_74 = tpu.memref_slice %arg3[%add3A_50, %dma_wait3A] : memref<2560x128xi32, #tpu.memory_space<hbm>> -> memref<16x128xi32, #tpu.memory_space<hbm>>
      %dma_wait3A_75 = arith.constant 0 : i32
      %dma_wait3A_76 = tpu.memref_slice %arg3[%add3A_50, %dma_wait3A_75] : memref<2560x128xi32, #tpu.memory_space<hbm>> -> memref<16x128xi32, #tpu.memory_space<hbm>>
      tpu.wait_dma2 semaphore(%run_scoped3A : memref<!tpu.dma_semaphore, #tpu.memory_space<semaphore_mem>>) src(%dma_wait3A_76 : memref<16x128xi32, #tpu.memory_space<hbm>>) dst(%arg6 : memref<16x128xi32, #tpu.memory_space<vmem>>)
      tpu.yield
    }) : () -> ()
    "tpu.region"() ({
      %run_scoped3A = tpu.sem_alloc : memref<!tpu.dma_semaphore, #tpu.memory_space<semaphore_mem>>
      %dma_start3A = arith.constant 0 : i32
      %dma_start3A_71 = tpu.memref_slice %arg4[%add3A_50, %dma_start3A] : memref<2560x128xi32, #tpu.memory_space<hbm>> -> memref<16x128xi32, #tpu.memory_space<hbm>>
      %dma_start3A_72 = arith.constant 0 : i32
      %dma_start3A_73 = tpu.memref_slice %arg4[%add3A_50, %dma_start3A_72] : memref<2560x128xi32, #tpu.memory_space<hbm>> -> memref<16x128xi32, #tpu.memory_space<hbm>>
      tpu.enqueue_dma source(%dma_start3A_73 : memref<16x128xi32, #tpu.memory_space<hbm>>) target(%arg7 : memref<16x128xi32, #tpu.memory_space<vmem>>) target_semaphore(%run_scoped3A : memref<!tpu.dma_semaphore, #tpu.memory_space<semaphore_mem>>)
      %dma_wait3A = arith.constant 0 : i32
      %dma_wait3A_74 = tpu.memref_slice %arg4[%add3A_50, %dma_wait3A] : memref<2560x128xi32, #tpu.memory_space<hbm>> -> memref<16x128xi32, #tpu.memory_space<hbm>>
      %dma_wait3A_75 = arith.constant 0 : i32
      %dma_wait3A_76 = tpu.memref_slice %arg4[%add3A_50, %dma_wait3A_75] : memref<2560x128xi32, #tpu.memory_space<hbm>> -> memref<16x128xi32, #tpu.memory_space<hbm>>
      tpu.wait_dma2 semaphore(%run_scoped3A : memref<!tpu.dma_semaphore, #tpu.memory_space<semaphore_mem>>) src(%dma_wait3A_76 : memref<16x128xi32, #tpu.memory_space<hbm>>) dst(%arg7 : memref<16x128xi32, #tpu.memory_space<vmem>>)
      tpu.yield
    }) : () -> ()
    %scan3A_51 = arith.constant 0 : i32
    %scan3A_52 = arith.constant 0 : i32
    %scan3A_53 = arith.constant 16 : i32
    %scan3A_54 = arith.addi %scan3A_52, %scan3A_53 : i32
    %scan3A_55 = arith.constant 1 : i32
    %scan3A_56 = scf.for %scan3A_71 = %scan3A_52 to %scan3A_54 step %scan3A_55 iter_args(%scan3A_72 = %scan3A_51) -> (i32)  : i32 {
      %dma_start3A = arith.constant 0 : i32
      %dma_start3A_73 = tpu.memref_slice %arg6[%scan3A_71, %dma_start3A] : memref<16x128xi32, #tpu.memory_space<vmem>> -> memref<1x128xi32, #tpu.memory_space<vmem>>
      %dma_start3A_74 = tpu.memref_squeeze %dma_start3A_73 : memref<1x128xi32, #tpu.memory_space<vmem>> -> memref<128xi32, #tpu.memory_space<vmem>>
      %dma_start3A_75 = arith.constant 0 : i32
      %dma_start3A_76 = arith.constant 0 : i32
      %dma_start3A_77 = tpu.memref_slice %arg2[%dma_start3A_75, %dma_start3A_76] : memref<10000x128xf32, #tpu.memory_space<hbm>> -> memref<10000x128xf32, #tpu.memory_space<hbm>>
      tpu.enqueue_indirect_dma source(%dma_start3A_77 : memref<10000x128xf32, #tpu.memory_space<hbm>>) target(%arg10 : memref<128x128xf32, #tpu.memory_space<vmem>>) offsets(%dma_start3A_74 : memref<128xi32, #tpu.memory_space<vmem>>) semaphore(%arg13 : memref<!tpu.dma_semaphore, #tpu.memory_space<semaphore_mem>>)
      %dma_wait3A = arith.constant 0 : i32
      %dma_wait3A_78 = tpu.memref_slice %arg6[%scan3A_71, %dma_wait3A] : memref<16x128xi32, #tpu.memory_space<vmem>> -> memref<1x128xi32, #tpu.memory_space<vmem>>
      %dma_wait3A_79 = tpu.memref_squeeze %dma_wait3A_78 : memref<1x128xi32, #tpu.memory_space<vmem>> -> memref<128xi32, #tpu.memory_space<vmem>>
      %dma_wait3A_80 = arith.constant 0 : i32
      %dma_wait3A_81 = arith.constant 0 : i32
      %dma_wait3A_82 = tpu.memref_slice %arg2[%dma_wait3A_80, %dma_wait3A_81] : memref<10000x128xf32, #tpu.memory_space<hbm>> -> memref<10000x128xf32, #tpu.memory_space<hbm>>
      tpu.wait_indirect_dma semaphore(%arg13 : memref<!tpu.dma_semaphore, #tpu.memory_space<semaphore_mem>>) src(%dma_wait3A_82 : memref<10000x128xf32, #tpu.memory_space<hbm>>) dst(%arg10 : memref<128x128xf32, #tpu.memory_space<vmem>>)
      "tpu.region"() ({
        %run_scoped3A = tpu.sem_alloc : memref<!tpu.dma_semaphore, #tpu.memory_space<semaphore_mem>>
        %dma_start3A_84 = arith.constant 0 : i32
        %dma_start3A_85 = tpu.memref_slice %arg7[%scan3A_71, %dma_start3A_84] : memref<16x128xi32, #tpu.memory_space<vmem>> -> memref<1x128xi32, #tpu.memory_space<vmem>>
        %dma_start3A_86 = tpu.memref_squeeze %dma_start3A_85 : memref<1x128xi32, #tpu.memory_space<vmem>> -> memref<128xi32, #tpu.memory_space<vmem>>
        %dma_start3A_87 = arith.constant 0 : i32
        %dma_start3A_88 = arith.constant 0 : i32
        %dma_start3A_89 = tpu.memref_slice %arg12[%dma_start3A_87, %dma_start3A_88] : memref<10112x128xf32, #tpu.memory_space<vmem_shared>> -> memref<10112x128xf32, #tpu.memory_space<vmem_shared>>
        tpu.enqueue_indirect_dma source(%arg10 : memref<128x128xf32, #tpu.memory_space<vmem>>) target(%dma_start3A_89 : memref<10112x128xf32, #tpu.memory_space<vmem_shared>>) offsets(%dma_start3A_86 : memref<128xi32, #tpu.memory_space<vmem>>) semaphore(%run_scoped3A : memref<!tpu.dma_semaphore, #tpu.memory_space<semaphore_mem>>) {add = true}
        %dma_wait3A_90 = arith.constant 0 : i32
        %dma_wait3A_91 = tpu.memref_slice %arg7[%scan3A_71, %dma_wait3A_90] : memref<16x128xi32, #tpu.memory_space<vmem>> -> memref<1x128xi32, #tpu.memory_space<vmem>>
        %dma_wait3A_92 = tpu.memref_squeeze %dma_wait3A_91 : memref<1x128xi32, #tpu.memory_space<vmem>> -> memref<128xi32, #tpu.memory_space<vmem>>
        %dma_wait3A_93 = arith.constant 0 : i32
        %dma_wait3A_94 = arith.constant 0 : i32
        %dma_wait3A_95 = tpu.memref_slice %arg12[%dma_wait3A_93, %dma_wait3A_94] : memref<10112x128xf32, #tpu.memory_space<vmem_shared>> -> memref<10112x128xf32, #tpu.memory_space<vmem_shared>>
        tpu.wait_indirect_dma semaphore(%run_scoped3A : memref<!tpu.dma_semaphore, #tpu.memory_space<semaphore_mem>>) src(%arg10 : memref<128x128xf32, #tpu.memory_space<vmem>>) dst(%dma_wait3A_95 : memref<10112x128xf32, #tpu.memory_space<vmem_shared>>)
        tpu.yield
      }) : () -> ()
      %scan3A_83 = arith.constant 0 : i32
      scf.yield %scan3A_83 : i32
    }
    %scan3A_57 = arith.constant 16 : i32
    %add3A_58 = arith.constant 64 : i32
    %add3A_59 = arith.addi %mul3A_21, %add3A_58 : i32
    "tpu.region"() ({
      %run_scoped3A = tpu.sem_alloc : memref<!tpu.dma_semaphore, #tpu.memory_space<semaphore_mem>>
      %dma_start3A = arith.constant 0 : i32
      %dma_start3A_71 = tpu.memref_slice %arg3[%add3A_59, %dma_start3A] : memref<2560x128xi32, #tpu.memory_space<hbm>> -> memref<16x128xi32, #tpu.memory_space<hbm>>
      %dma_start3A_72 = arith.constant 0 : i32
      %dma_start3A_73 = tpu.memref_slice %arg3[%add3A_59, %dma_start3A_72] : memref<2560x128xi32, #tpu.memory_space<hbm>> -> memref<16x128xi32, #tpu.memory_space<hbm>>
      tpu.enqueue_dma source(%dma_start3A_73 : memref<16x128xi32, #tpu.memory_space<hbm>>) target(%arg6 : memref<16x128xi32, #tpu.memory_space<vmem>>) target_semaphore(%run_scoped3A : memref<!tpu.dma_semaphore, #tpu.memory_space<semaphore_mem>>)
      %dma_wait3A = arith.constant 0 : i32
      %dma_wait3A_74 = tpu.memref_slice %arg3[%add3A_59, %dma_wait3A] : memref<2560x128xi32, #tpu.memory_space<hbm>> -> memref<16x128xi32, #tpu.memory_space<hbm>>
      %dma_wait3A_75 = arith.constant 0 : i32
      %dma_wait3A_76 = tpu.memref_slice %arg3[%add3A_59, %dma_wait3A_75] : memref<2560x128xi32, #tpu.memory_space<hbm>> -> memref<16x128xi32, #tpu.memory_space<hbm>>
      tpu.wait_dma2 semaphore(%run_scoped3A : memref<!tpu.dma_semaphore, #tpu.memory_space<semaphore_mem>>) src(%dma_wait3A_76 : memref<16x128xi32, #tpu.memory_space<hbm>>) dst(%arg6 : memref<16x128xi32, #tpu.memory_space<vmem>>)
      tpu.yield
    }) : () -> ()
    "tpu.region"() ({
      %run_scoped3A = tpu.sem_alloc : memref<!tpu.dma_semaphore, #tpu.memory_space<semaphore_mem>>
      %dma_start3A = arith.constant 0 : i32
      %dma_start3A_71 = tpu.memref_slice %arg4[%add3A_59, %dma_start3A] : memref<2560x128xi32, #tpu.memory_space<hbm>> -> memref<16x128xi32, #tpu.memory_space<hbm>>
      %dma_start3A_72 = arith.constant 0 : i32
      %dma_start3A_73 = tpu.memref_slice %arg4[%add3A_59, %dma_start3A_72] : memref<2560x128xi32, #tpu.memory_space<hbm>> -> memref<16x128xi32, #tpu.memory_space<hbm>>
      tpu.enqueue_dma source(%dma_start3A_73 : memref<16x128xi32, #tpu.memory_space<hbm>>) target(%arg7 : memref<16x128xi32, #tpu.memory_space<vmem>>) target_semaphore(%run_scoped3A : memref<!tpu.dma_semaphore, #tpu.memory_space<semaphore_mem>>)
      %dma_wait3A = arith.constant 0 : i32
      %dma_wait3A_74 = tpu.memref_slice %arg4[%add3A_59, %dma_wait3A] : memref<2560x128xi32, #tpu.memory_space<hbm>> -> memref<16x128xi32, #tpu.memory_space<hbm>>
      %dma_wait3A_75 = arith.constant 0 : i32
      %dma_wait3A_76 = tpu.memref_slice %arg4[%add3A_59, %dma_wait3A_75] : memref<2560x128xi32, #tpu.memory_space<hbm>> -> memref<16x128xi32, #tpu.memory_space<hbm>>
      tpu.wait_dma2 semaphore(%run_scoped3A : memref<!tpu.dma_semaphore, #tpu.memory_space<semaphore_mem>>) src(%dma_wait3A_76 : memref<16x128xi32, #tpu.memory_space<hbm>>) dst(%arg7 : memref<16x128xi32, #tpu.memory_space<vmem>>)
      tpu.yield
    }) : () -> ()
    %scan3A_60 = arith.constant 0 : i32
    %scan3A_61 = arith.constant 0 : i32
    %scan3A_62 = arith.constant 16 : i32
    %scan3A_63 = arith.addi %scan3A_61, %scan3A_62 : i32
    %scan3A_64 = arith.constant 1 : i32
    %scan3A_65 = scf.for %scan3A_71 = %scan3A_61 to %scan3A_63 step %scan3A_64 iter_args(%scan3A_72 = %scan3A_60) -> (i32)  : i32 {
      %dma_start3A = arith.constant 0 : i32
      %dma_start3A_73 = tpu.memref_slice %arg6[%scan3A_71, %dma_start3A] : memref<16x128xi32, #tpu.memory_space<vmem>> -> memref<1x128xi32, #tpu.memory_space<vmem>>
      %dma_start3A_74 = tpu.memref_squeeze %dma_start3A_73 : memref<1x128xi32, #tpu.memory_space<vmem>> -> memref<128xi32, #tpu.memory_space<vmem>>
      %dma_start3A_75 = arith.constant 0 : i32
      %dma_start3A_76 = arith.constant 0 : i32
      %dma_start3A_77 = tpu.memref_slice %arg2[%dma_start3A_75, %dma_start3A_76] : memref<10000x128xf32, #tpu.memory_space<hbm>> -> memref<10000x128xf32, #tpu.memory_space<hbm>>
      tpu.enqueue_indirect_dma source(%dma_start3A_77 : memref<10000x128xf32, #tpu.memory_space<hbm>>) target(%arg10 : memref<128x128xf32, #tpu.memory_space<vmem>>) offsets(%dma_start3A_74 : memref<128xi32, #tpu.memory_space<vmem>>) semaphore(%arg13 : memref<!tpu.dma_semaphore, #tpu.memory_space<semaphore_mem>>)
      %dma_wait3A = arith.constant 0 : i32
      %dma_wait3A_78 = tpu.memref_slice %arg6[%scan3A_71, %dma_wait3A] : memref<16x128xi32, #tpu.memory_space<vmem>> -> memref<1x128xi32, #tpu.memory_space<vmem>>
      %dma_wait3A_79 = tpu.memref_squeeze %dma_wait3A_78 : memref<1x128xi32, #tpu.memory_space<vmem>> -> memref<128xi32, #tpu.memory_space<vmem>>
      %dma_wait3A_80 = arith.constant 0 : i32
      %dma_wait3A_81 = arith.constant 0 : i32
      %dma_wait3A_82 = tpu.memref_slice %arg2[%dma_wait3A_80, %dma_wait3A_81] : memref<10000x128xf32, #tpu.memory_space<hbm>> -> memref<10000x128xf32, #tpu.memory_space<hbm>>
      tpu.wait_indirect_dma semaphore(%arg13 : memref<!tpu.dma_semaphore, #tpu.memory_space<semaphore_mem>>) src(%dma_wait3A_82 : memref<10000x128xf32, #tpu.memory_space<hbm>>) dst(%arg10 : memref<128x128xf32, #tpu.memory_space<vmem>>)
      "tpu.region"() ({
        %run_scoped3A = tpu.sem_alloc : memref<!tpu.dma_semaphore, #tpu.memory_space<semaphore_mem>>
        %dma_start3A_84 = arith.constant 0 : i32
        %dma_start3A_85 = tpu.memref_slice %arg7[%scan3A_71, %dma_start3A_84] : memref<16x128xi32, #tpu.memory_space<vmem>> -> memref<1x128xi32, #tpu.memory_space<vmem>>
        %dma_start3A_86 = tpu.memref_squeeze %dma_start3A_85 : memref<1x128xi32, #tpu.memory_space<vmem>> -> memref<128xi32, #tpu.memory_space<vmem>>
        %dma_start3A_87 = arith.constant 0 : i32
        %dma_start3A_88 = arith.constant 0 : i32
        %dma_start3A_89 = tpu.memref_slice %arg12[%dma_start3A_87, %dma_start3A_88] : memref<10112x128xf32, #tpu.memory_space<vmem_shared>> -> memref<10112x128xf32, #tpu.memory_space<vmem_shared>>
        tpu.enqueue_indirect_dma source(%arg10 : memref<128x128xf32, #tpu.memory_space<vmem>>) target(%dma_start3A_89 : memref<10112x128xf32, #tpu.memory_space<vmem_shared>>) offsets(%dma_start3A_86 : memref<128xi32, #tpu.memory_space<vmem>>) semaphore(%run_scoped3A : memref<!tpu.dma_semaphore, #tpu.memory_space<semaphore_mem>>) {add = true}
        %dma_wait3A_90 = arith.constant 0 : i32
        %dma_wait3A_91 = tpu.memref_slice %arg7[%scan3A_71, %dma_wait3A_90] : memref<16x128xi32, #tpu.memory_space<vmem>> -> memref<1x128xi32, #tpu.memory_space<vmem>>
        %dma_wait3A_92 = tpu.memref_squeeze %dma_wait3A_91 : memref<1x128xi32, #tpu.memory_space<vmem>> -> memref<128xi32, #tpu.memory_space<vmem>>
        %dma_wait3A_93 = arith.constant 0 : i32
        %dma_wait3A_94 = arith.constant 0 : i32
        %dma_wait3A_95 = tpu.memref_slice %arg12[%dma_wait3A_93, %dma_wait3A_94] : memref<10112x128xf32, #tpu.memory_space<vmem_shared>> -> memref<10112x128xf32, #tpu.memory_space<vmem_shared>>
        tpu.wait_indirect_dma semaphore(%run_scoped3A : memref<!tpu.dma_semaphore, #tpu.memory_space<semaphore_mem>>) src(%arg10 : memref<128x128xf32, #tpu.memory_space<vmem>>) dst(%dma_wait3A_95 : memref<10112x128xf32, #tpu.memory_space<vmem_shared>>)
        tpu.yield
      }) : () -> ()
      %scan3A_83 = arith.constant 0 : i32
      scf.yield %scan3A_83 : i32
    }
    %scan3A_66 = arith.constant 16 : i32
    %barrier3A_67 = arith.constant 0 : index
    tpu.barrier barrier_id(%barrier3A_67)
    %mul3A_68 = arith.constant 10112 : i32
    %mul3A_69 = arith.muli %arg0, %mul3A_68 : i32
    %add3A_70 = arith.addi %mul3A_69, %mul3A_2 : i32
    "tpu.region"() ({
      %run_scoped3A = tpu.sem_alloc : memref<!tpu.dma_semaphore, #tpu.memory_space<semaphore_mem>>
      %dma_start3A = arith.constant 0 : i32
      %dma_start3A_71 = tpu.memref_slice %arg5[%add3A_70, %dma_start3A] : memref<20224x128xf32, #tpu.memory_space<hbm>> -> memref<632x128xf32, #tpu.memory_space<hbm>>
      %dma_start3A_72 = arith.constant 0 : i32
      %dma_start3A_73 = tpu.memref_slice %arg12[%mul3A_2, %dma_start3A_72] : memref<10112x128xf32, #tpu.memory_space<vmem_shared>> -> memref<632x128xf32, #tpu.memory_space<vmem_shared>>
      tpu.enqueue_dma source(%dma_start3A_73 : memref<632x128xf32, #tpu.memory_space<vmem_shared>>) target(%dma_start3A_71 : memref<632x128xf32, #tpu.memory_space<hbm>>) target_semaphore(%run_scoped3A : memref<!tpu.dma_semaphore, #tpu.memory_space<semaphore_mem>>)
      %dma_wait3A = arith.constant 0 : i32
      %dma_wait3A_74 = tpu.memref_slice %arg5[%add3A_70, %dma_wait3A] : memref<20224x128xf32, #tpu.memory_space<hbm>> -> memref<632x128xf32, #tpu.memory_space<hbm>>
      %dma_wait3A_75 = arith.constant 0 : i32
      %dma_wait3A_76 = tpu.memref_slice %arg12[%mul3A_2, %dma_wait3A_75] : memref<10112x128xf32, #tpu.memory_space<vmem_shared>> -> memref<632x128xf32, #tpu.memory_space<vmem_shared>>
      tpu.wait_dma2 semaphore(%run_scoped3A : memref<!tpu.dma_semaphore, #tpu.memory_space<semaphore_mem>>) src(%dma_wait3A_76 : memref<632x128xf32, #tpu.memory_space<vmem_shared>>) dst(%dma_wait3A_74 : memref<632x128xf32, #tpu.memory_space<hbm>>)
      tpu.yield
    }) : () -> ()
    return
  }
}

#map = affine_map<(d0, d1) -> (0)>
#map1 = affine_map<(d0, d1) -> (0, 0)>
module attributes {stable_mosaic.version = 14 : i64} {
  func.func @_sc_deg_body(%arg0: i32, %arg1: i32, %arg2: memref<327680xi32, #tpu.memory_space<hbm>>, %arg3: memref<20224x128xf32, #tpu.memory_space<hbm>>, %arg4: memref<128xi32, #tpu.memory_space<vmem>>, %arg5: memref<128x128xf32, #tpu.memory_space<vmem>>, %arg6: memref<10112x128xf32, #tpu.memory_space<vmem_shared>>, %arg7: memref<!tpu.dma_semaphore, #tpu.memory_space<semaphore_mem>>) attributes {dimension_semantics = [#tpu.dimension_semantics<core_parallel>, #tpu.dimension_semantics<subcore_parallel>], iteration_bounds = array<i64: 2, 16>, scalar_prefetch = 0 : i64, scratch_operands = 4 : i64, tpu.core_type = #tpu.core_type<sc_vector_subcore>, window_params = [{transform_indices = #map}, {transform_indices = #map1}]} {
    %mul3A = arith.constant 16 : i32
    %mul3A_0 = arith.muli %arg0, %mul3A : i32
    %add3A = arith.addi %mul3A_0, %arg1 : i32
    %mul3A_1 = arith.constant 632 : i32
    %mul3A_2 = arith.muli %arg1, %mul3A_1 : i32
    %broadcast_in_dim3A = arith.constant 0.000000e+00 : f32
    %broadcast_in_dim3A_3 = vector.broadcast %broadcast_in_dim3A : f32 to vector<16xf32>
    %scan3A = arith.constant 0 : i32
    %scan3A_4 = arith.constant 0 : i32
    %scan3A_5 = arith.constant 128 : i32
    %scan3A_6 = arith.addi %scan3A_4, %scan3A_5 : i32
    %scan3A_7 = arith.constant 1 : i32
    %scan3A_8 = scf.for %scan3A_42 = %scan3A_4 to %scan3A_6 step %scan3A_7 iter_args(%scan3A_43 = %scan3A) -> (i32)  : i32 {
      %swap3A = arith.index_cast %scan3A_42 : i32 to index
      %swap3A_44 = arith.constant 0 : index
      %swap3A_45 = tpu.vector_load %arg5[%swap3A, %swap3A_44] {strides = array<i32>} : memref<128x128xf32, #tpu.memory_space<vmem>>, vector<1x16xf32>,
      %swap3A_46 = vector.shape_cast %swap3A_45 : vector<1x16xf32> to vector<16xf32>
      %swap3A_47 = vector.shape_cast %broadcast_in_dim3A_3 : vector<16xf32> to vector<1x16xf32>
      tpu.vector_store %arg5[%swap3A, %swap3A_44], %swap3A_47 {strides = array<i32>} : memref<128x128xf32, #tpu.memory_space<vmem>>, vector<1x16xf32>,
      %swap3A_48 = arith.index_cast %scan3A_42 : i32 to index
      %swap3A_49 = arith.constant 16 : index
      %swap3A_50 = tpu.vector_load %arg5[%swap3A_48, %swap3A_49] {strides = array<i32>} : memref<128x128xf32, #tpu.memory_space<vmem>>, vector<1x16xf32>,
      %swap3A_51 = vector.shape_cast %swap3A_50 : vector<1x16xf32> to vector<16xf32>
      %swap3A_52 = vector.shape_cast %broadcast_in_dim3A_3 : vector<16xf32> to vector<1x16xf32>
      tpu.vector_store %arg5[%swap3A_48, %swap3A_49], %swap3A_52 {strides = array<i32>} : memref<128x128xf32, #tpu.memory_space<vmem>>, vector<1x16xf32>,
      %swap3A_53 = arith.index_cast %scan3A_42 : i32 to index
      %swap3A_54 = arith.constant 32 : index
      %swap3A_55 = tpu.vector_load %arg5[%swap3A_53, %swap3A_54] {strides = array<i32>} : memref<128x128xf32, #tpu.memory_space<vmem>>, vector<1x16xf32>,
      %swap3A_56 = vector.shape_cast %swap3A_55 : vector<1x16xf32> to vector<16xf32>
      %swap3A_57 = vector.shape_cast %broadcast_in_dim3A_3 : vector<16xf32> to vector<1x16xf32>
      tpu.vector_store %arg5[%swap3A_53, %swap3A_54], %swap3A_57 {strides = array<i32>} : memref<128x128xf32, #tpu.memory_space<vmem>>, vector<1x16xf32>,
      %swap3A_58 = arith.index_cast %scan3A_42 : i32 to index
      %swap3A_59 = arith.constant 48 : index
      %swap3A_60 = tpu.vector_load %arg5[%swap3A_58, %swap3A_59] {strides = array<i32>} : memref<128x128xf32, #tpu.memory_space<vmem>>, vector<1x16xf32>,
      %swap3A_61 = vector.shape_cast %swap3A_60 : vector<1x16xf32> to vector<16xf32>
      %swap3A_62 = vector.shape_cast %broadcast_in_dim3A_3 : vector<16xf32> to vector<1x16xf32>
      tpu.vector_store %arg5[%swap3A_58, %swap3A_59], %swap3A_62 {strides = array<i32>} : memref<128x128xf32, #tpu.memory_space<vmem>>, vector<1x16xf32>,
      %swap3A_63 = arith.index_cast %scan3A_42 : i32 to index
      %swap3A_64 = arith.constant 64 : index
      %swap3A_65 = tpu.vector_load %arg5[%swap3A_63, %swap3A_64] {strides = array<i32>} : memref<128x128xf32, #tpu.memory_space<vmem>>, vector<1x16xf32>,
      %swap3A_66 = vector.shape_cast %swap3A_65 : vector<1x16xf32> to vector<16xf32>
      %swap3A_67 = vector.shape_cast %broadcast_in_dim3A_3 : vector<16xf32> to vector<1x16xf32>
      tpu.vector_store %arg5[%swap3A_63, %swap3A_64], %swap3A_67 {strides = array<i32>} : memref<128x128xf32, #tpu.memory_space<vmem>>, vector<1x16xf32>,
      %swap3A_68 = arith.index_cast %scan3A_42 : i32 to index
      %swap3A_69 = arith.constant 80 : index
      %swap3A_70 = tpu.vector_load %arg5[%swap3A_68, %swap3A_69] {strides = array<i32>} : memref<128x128xf32, #tpu.memory_space<vmem>>, vector<1x16xf32>,
      %swap3A_71 = vector.shape_cast %swap3A_70 : vector<1x16xf32> to vector<16xf32>
      %swap3A_72 = vector.shape_cast %broadcast_in_dim3A_3 : vector<16xf32> to vector<1x16xf32>
      tpu.vector_store %arg5[%swap3A_68, %swap3A_69], %swap3A_72 {strides = array<i32>} : memref<128x128xf32, #tpu.memory_space<vmem>>, vector<1x16xf32>,
      %swap3A_73 = arith.index_cast %scan3A_42 : i32 to index
      %swap3A_74 = arith.constant 96 : index
      %swap3A_75 = tpu.vector_load %arg5[%swap3A_73, %swap3A_74] {strides = array<i32>} : memref<128x128xf32, #tpu.memory_space<vmem>>, vector<1x16xf32>,
      %swap3A_76 = vector.shape_cast %swap3A_75 : vector<1x16xf32> to vector<16xf32>
      %swap3A_77 = vector.shape_cast %broadcast_in_dim3A_3 : vector<16xf32> to vector<1x16xf32>
      tpu.vector_store %arg5[%swap3A_73, %swap3A_74], %swap3A_77 {strides = array<i32>} : memref<128x128xf32, #tpu.memory_space<vmem>>, vector<1x16xf32>,
      %swap3A_78 = arith.index_cast %scan3A_42 : i32 to index
      %swap3A_79 = arith.constant 112 : index
      %swap3A_80 = tpu.vector_load %arg5[%swap3A_78, %swap3A_79] {strides = array<i32>} : memref<128x128xf32, #tpu.memory_space<vmem>>, vector<1x16xf32>,
      %swap3A_81 = vector.shape_cast %swap3A_80 : vector<1x16xf32> to vector<16xf32>
      %swap3A_82 = vector.shape_cast %broadcast_in_dim3A_3 : vector<16xf32> to vector<1x16xf32>
      tpu.vector_store %arg5[%swap3A_78, %swap3A_79], %swap3A_82 {strides = array<i32>} : memref<128x128xf32, #tpu.memory_space<vmem>>, vector<1x16xf32>,
      %scan3A_83 = arith.constant 0 : i32
      scf.yield %scan3A_83 : i32
    }
    %scan3A_9 = arith.constant 128 : i32
    %add3A_10 = arith.constant 0 : i32
    %add3A_11 = arith.addi %mul3A_2, %add3A_10 : i32
    "tpu.region"() ({
      %run_scoped3A = tpu.sem_alloc : memref<!tpu.dma_semaphore, #tpu.memory_space<semaphore_mem>>
      %dma_start3A = arith.constant 0 : i32
      %dma_start3A_42 = arith.constant 0 : i32
      %dma_start3A_43 = tpu.memref_slice %arg5[%dma_start3A, %dma_start3A_42] : memref<128x128xf32, #tpu.memory_space<vmem>> -> memref<128x128xf32, #tpu.memory_space<vmem>>
      %dma_start3A_44 = arith.constant 0 : i32
      %dma_start3A_45 = tpu.memref_slice %arg6[%add3A_11, %dma_start3A_44] : memref<10112x128xf32, #tpu.memory_space<vmem_shared>> -> memref<128x128xf32, #tpu.memory_space<vmem_shared>>
      %dma_start3A_46 = arith.constant 0 : i32
      %dma_start3A_47 = tpu.memref_slice %arg6[%add3A_11, %dma_start3A_46] : memref<10112x128xf32, #tpu.memory_space<vmem_shared>> -> memref<128x128xf32, #tpu.memory_space<vmem_shared>>
      %dma_start3A_48 = arith.constant 0 : i32
      %dma_start3A_49 = arith.constant 0 : i32
      %dma_start3A_50 = tpu.memref_slice %arg5[%dma_start3A_48, %dma_start3A_49] : memref<128x128xf32, #tpu.memory_space<vmem>> -> memref<128x128xf32, #tpu.memory_space<vmem>>
      tpu.enqueue_dma source(%dma_start3A_50 : memref<128x128xf32, #tpu.memory_space<vmem>>) target(%dma_start3A_47 : memref<128x128xf32, #tpu.memory_space<vmem_shared>>) target_semaphore(%run_scoped3A : memref<!tpu.dma_semaphore, #tpu.memory_space<semaphore_mem>>)
      %dma_wait3A = arith.constant 0 : i32
      %dma_wait3A_51 = arith.constant 0 : i32
      %dma_wait3A_52 = tpu.memref_slice %arg5[%dma_wait3A, %dma_wait3A_51] : memref<128x128xf32, #tpu.memory_space<vmem>> -> memref<128x128xf32, #tpu.memory_space<vmem>>
      %dma_wait3A_53 = arith.constant 0 : i32
      %dma_wait3A_54 = tpu.memref_slice %arg6[%add3A_11, %dma_wait3A_53] : memref<10112x128xf32, #tpu.memory_space<vmem_shared>> -> memref<128x128xf32, #tpu.memory_space<vmem_shared>>
      %dma_wait3A_55 = arith.constant 0 : i32
      %dma_wait3A_56 = tpu.memref_slice %arg6[%add3A_11, %dma_wait3A_55] : memref<10112x128xf32, #tpu.memory_space<vmem_shared>> -> memref<128x128xf32, #tpu.memory_space<vmem_shared>>
      %dma_wait3A_57 = arith.constant 0 : i32
      %dma_wait3A_58 = arith.constant 0 : i32
      %dma_wait3A_59 = tpu.memref_slice %arg5[%dma_wait3A_57, %dma_wait3A_58] : memref<128x128xf32, #tpu.memory_space<vmem>> -> memref<128x128xf32, #tpu.memory_space<vmem>>
      tpu.wait_dma2 semaphore(%run_scoped3A : memref<!tpu.dma_semaphore, #tpu.memory_space<semaphore_mem>>) src(%dma_wait3A_59 : memref<128x128xf32, #tpu.memory_space<vmem>>) dst(%dma_wait3A_56 : memref<128x128xf32, #tpu.memory_space<vmem_shared>>)
      tpu.yield
    }) : () -> ()
    %add3A_12 = arith.constant 128 : i32
    %add3A_13 = arith.addi %mul3A_2, %add3A_12 : i32
    "tpu.region"() ({
      %run_scoped3A = tpu.sem_alloc : memref<!tpu.dma_semaphore, #tpu.memory_space<semaphore_mem>>
      %dma_start3A = arith.constant 0 : i32
      %dma_start3A_42 = arith.constant 0 : i32
      %dma_start3A_43 = tpu.memref_slice %arg5[%dma_start3A, %dma_start3A_42] : memref<128x128xf32, #tpu.memory_space<vmem>> -> memref<128x128xf32, #tpu.memory_space<vmem>>
      %dma_start3A_44 = arith.constant 0 : i32
      %dma_start3A_45 = tpu.memref_slice %arg6[%add3A_13, %dma_start3A_44] : memref<10112x128xf32, #tpu.memory_space<vmem_shared>> -> memref<128x128xf32, #tpu.memory_space<vmem_shared>>
      %dma_start3A_46 = arith.constant 0 : i32
      %dma_start3A_47 = tpu.memref_slice %arg6[%add3A_13, %dma_start3A_46] : memref<10112x128xf32, #tpu.memory_space<vmem_shared>> -> memref<128x128xf32, #tpu.memory_space<vmem_shared>>
      %dma_start3A_48 = arith.constant 0 : i32
      %dma_start3A_49 = arith.constant 0 : i32
      %dma_start3A_50 = tpu.memref_slice %arg5[%dma_start3A_48, %dma_start3A_49] : memref<128x128xf32, #tpu.memory_space<vmem>> -> memref<128x128xf32, #tpu.memory_space<vmem>>
      tpu.enqueue_dma source(%dma_start3A_50 : memref<128x128xf32, #tpu.memory_space<vmem>>) target(%dma_start3A_47 : memref<128x128xf32, #tpu.memory_space<vmem_shared>>) target_semaphore(%run_scoped3A : memref<!tpu.dma_semaphore, #tpu.memory_space<semaphore_mem>>)
      %dma_wait3A = arith.constant 0 : i32
      %dma_wait3A_51 = arith.constant 0 : i32
      %dma_wait3A_52 = tpu.memref_slice %arg5[%dma_wait3A, %dma_wait3A_51] : memref<128x128xf32, #tpu.memory_space<vmem>> -> memref<128x128xf32, #tpu.memory_space<vmem>>
      %dma_wait3A_53 = arith.constant 0 : i32
      %dma_wait3A_54 = tpu.memref_slice %arg6[%add3A_13, %dma_wait3A_53] : memref<10112x128xf32, #tpu.memory_space<vmem_shared>> -> memref<128x128xf32, #tpu.memory_space<vmem_shared>>
      %dma_wait3A_55 = arith.constant 0 : i32
      %dma_wait3A_56 = tpu.memref_slice %arg6[%add3A_13, %dma_wait3A_55] : memref<10112x128xf32, #tpu.memory_space<vmem_shared>> -> memref<128x128xf32, #tpu.memory_space<vmem_shared>>
      %dma_wait3A_57 = arith.constant 0 : i32
      %dma_wait3A_58 = arith.constant 0 : i32
      %dma_wait3A_59 = tpu.memref_slice %arg5[%dma_wait3A_57, %dma_wait3A_58] : memref<128x128xf32, #tpu.memory_space<vmem>> -> memref<128x128xf32, #tpu.memory_space<vmem>>
      tpu.wait_dma2 semaphore(%run_scoped3A : memref<!tpu.dma_semaphore, #tpu.memory_space<semaphore_mem>>) src(%dma_wait3A_59 : memref<128x128xf32, #tpu.memory_space<vmem>>) dst(%dma_wait3A_56 : memref<128x128xf32, #tpu.memory_space<vmem_shared>>)
      tpu.yield
    }) : () -> ()
    %add3A_14 = arith.constant 256 : i32
    %add3A_15 = arith.addi %mul3A_2, %add3A_14 : i32
    "tpu.region"() ({
      %run_scoped3A = tpu.sem_alloc : memref<!tpu.dma_semaphore, #tpu.memory_space<semaphore_mem>>
      %dma_start3A = arith.constant 0 : i32
      %dma_start3A_42 = arith.constant 0 : i32
      %dma_start3A_43 = tpu.memref_slice %arg5[%dma_start3A, %dma_start3A_42] : memref<128x128xf32, #tpu.memory_space<vmem>> -> memref<128x128xf32, #tpu.memory_space<vmem>>
      %dma_start3A_44 = arith.constant 0 : i32
      %dma_start3A_45 = tpu.memref_slice %arg6[%add3A_15, %dma_start3A_44] : memref<10112x128xf32, #tpu.memory_space<vmem_shared>> -> memref<128x128xf32, #tpu.memory_space<vmem_shared>>
      %dma_start3A_46 = arith.constant 0 : i32
      %dma_start3A_47 = tpu.memref_slice %arg6[%add3A_15, %dma_start3A_46] : memref<10112x128xf32, #tpu.memory_space<vmem_shared>> -> memref<128x128xf32, #tpu.memory_space<vmem_shared>>
      %dma_start3A_48 = arith.constant 0 : i32
      %dma_start3A_49 = arith.constant 0 : i32
      %dma_start3A_50 = tpu.memref_slice %arg5[%dma_start3A_48, %dma_start3A_49] : memref<128x128xf32, #tpu.memory_space<vmem>> -> memref<128x128xf32, #tpu.memory_space<vmem>>
      tpu.enqueue_dma source(%dma_start3A_50 : memref<128x128xf32, #tpu.memory_space<vmem>>) target(%dma_start3A_47 : memref<128x128xf32, #tpu.memory_space<vmem_shared>>) target_semaphore(%run_scoped3A : memref<!tpu.dma_semaphore, #tpu.memory_space<semaphore_mem>>)
      %dma_wait3A = arith.constant 0 : i32
      %dma_wait3A_51 = arith.constant 0 : i32
      %dma_wait3A_52 = tpu.memref_slice %arg5[%dma_wait3A, %dma_wait3A_51] : memref<128x128xf32, #tpu.memory_space<vmem>> -> memref<128x128xf32, #tpu.memory_space<vmem>>
      %dma_wait3A_53 = arith.constant 0 : i32
      %dma_wait3A_54 = tpu.memref_slice %arg6[%add3A_15, %dma_wait3A_53] : memref<10112x128xf32, #tpu.memory_space<vmem_shared>> -> memref<128x128xf32, #tpu.memory_space<vmem_shared>>
      %dma_wait3A_55 = arith.constant 0 : i32
      %dma_wait3A_56 = tpu.memref_slice %arg6[%add3A_15, %dma_wait3A_55] : memref<10112x128xf32, #tpu.memory_space<vmem_shared>> -> memref<128x128xf32, #tpu.memory_space<vmem_shared>>
      %dma_wait3A_57 = arith.constant 0 : i32
      %dma_wait3A_58 = arith.constant 0 : i32
      %dma_wait3A_59 = tpu.memref_slice %arg5[%dma_wait3A_57, %dma_wait3A_58] : memref<128x128xf32, #tpu.memory_space<vmem>> -> memref<128x128xf32, #tpu.memory_space<vmem>>
      tpu.wait_dma2 semaphore(%run_scoped3A : memref<!tpu.dma_semaphore, #tpu.memory_space<semaphore_mem>>) src(%dma_wait3A_59 : memref<128x128xf32, #tpu.memory_space<vmem>>) dst(%dma_wait3A_56 : memref<128x128xf32, #tpu.memory_space<vmem_shared>>)
      tpu.yield
    }) : () -> ()
    %add3A_16 = arith.constant 384 : i32
    %add3A_17 = arith.addi %mul3A_2, %add3A_16 : i32
    "tpu.region"() ({
      %run_scoped3A = tpu.sem_alloc : memref<!tpu.dma_semaphore, #tpu.memory_space<semaphore_mem>>
      %dma_start3A = arith.constant 0 : i32
      %dma_start3A_42 = arith.constant 0 : i32
      %dma_start3A_43 = tpu.memref_slice %arg5[%dma_start3A, %dma_start3A_42] : memref<128x128xf32, #tpu.memory_space<vmem>> -> memref<128x128xf32, #tpu.memory_space<vmem>>
      %dma_start3A_44 = arith.constant 0 : i32
      %dma_start3A_45 = tpu.memref_slice %arg6[%add3A_17, %dma_start3A_44] : memref<10112x128xf32, #tpu.memory_space<vmem_shared>> -> memref<128x128xf32, #tpu.memory_space<vmem_shared>>
      %dma_start3A_46 = arith.constant 0 : i32
      %dma_start3A_47 = tpu.memref_slice %arg6[%add3A_17, %dma_start3A_46] : memref<10112x128xf32, #tpu.memory_space<vmem_shared>> -> memref<128x128xf32, #tpu.memory_space<vmem_shared>>
      %dma_start3A_48 = arith.constant 0 : i32
      %dma_start3A_49 = arith.constant 0 : i32
      %dma_start3A_50 = tpu.memref_slice %arg5[%dma_start3A_48, %dma_start3A_49] : memref<128x128xf32, #tpu.memory_space<vmem>> -> memref<128x128xf32, #tpu.memory_space<vmem>>
      tpu.enqueue_dma source(%dma_start3A_50 : memref<128x128xf32, #tpu.memory_space<vmem>>) target(%dma_start3A_47 : memref<128x128xf32, #tpu.memory_space<vmem_shared>>) target_semaphore(%run_scoped3A : memref<!tpu.dma_semaphore, #tpu.memory_space<semaphore_mem>>)
      %dma_wait3A = arith.constant 0 : i32
      %dma_wait3A_51 = arith.constant 0 : i32
      %dma_wait3A_52 = tpu.memref_slice %arg5[%dma_wait3A, %dma_wait3A_51] : memref<128x128xf32, #tpu.memory_space<vmem>> -> memref<128x128xf32, #tpu.memory_space<vmem>>
      %dma_wait3A_53 = arith.constant 0 : i32
      %dma_wait3A_54 = tpu.memref_slice %arg6[%add3A_17, %dma_wait3A_53] : memref<10112x128xf32, #tpu.memory_space<vmem_shared>> -> memref<128x128xf32, #tpu.memory_space<vmem_shared>>
      %dma_wait3A_55 = arith.constant 0 : i32
      %dma_wait3A_56 = tpu.memref_slice %arg6[%add3A_17, %dma_wait3A_55] : memref<10112x128xf32, #tpu.memory_space<vmem_shared>> -> memref<128x128xf32, #tpu.memory_space<vmem_shared>>
      %dma_wait3A_57 = arith.constant 0 : i32
      %dma_wait3A_58 = arith.constant 0 : i32
      %dma_wait3A_59 = tpu.memref_slice %arg5[%dma_wait3A_57, %dma_wait3A_58] : memref<128x128xf32, #tpu.memory_space<vmem>> -> memref<128x128xf32, #tpu.memory_space<vmem>>
      tpu.wait_dma2 semaphore(%run_scoped3A : memref<!tpu.dma_semaphore, #tpu.memory_space<semaphore_mem>>) src(%dma_wait3A_59 : memref<128x128xf32, #tpu.memory_space<vmem>>) dst(%dma_wait3A_56 : memref<128x128xf32, #tpu.memory_space<vmem_shared>>)
      tpu.yield
    }) : () -> ()
    %add3A_18 = arith.constant 512 : i32
    %add3A_19 = arith.addi %mul3A_2, %add3A_18 : i32
    "tpu.region"() ({
      %run_scoped3A = tpu.sem_alloc : memref<!tpu.dma_semaphore, #tpu.memory_space<semaphore_mem>>
      %dma_start3A = arith.constant 0 : i32
      %dma_start3A_42 = arith.constant 0 : i32
      %dma_start3A_43 = tpu.memref_slice %arg5[%dma_start3A, %dma_start3A_42] : memref<128x128xf32, #tpu.memory_space<vmem>> -> memref<120x128xf32, #tpu.memory_space<vmem>>
      %dma_start3A_44 = arith.constant 0 : i32
      %dma_start3A_45 = tpu.memref_slice %arg6[%add3A_19, %dma_start3A_44] : memref<10112x128xf32, #tpu.memory_space<vmem_shared>> -> memref<120x128xf32, #tpu.memory_space<vmem_shared>>
      %dma_start3A_46 = arith.constant 0 : i32
      %dma_start3A_47 = tpu.memref_slice %arg6[%add3A_19, %dma_start3A_46] : memref<10112x128xf32, #tpu.memory_space<vmem_shared>> -> memref<120x128xf32, #tpu.memory_space<vmem_shared>>
      %dma_start3A_48 = arith.constant 0 : i32
      %dma_start3A_49 = arith.constant 0 : i32
      %dma_start3A_50 = tpu.memref_slice %arg5[%dma_start3A_48, %dma_start3A_49] : memref<128x128xf32, #tpu.memory_space<vmem>> -> memref<120x128xf32, #tpu.memory_space<vmem>>
      tpu.enqueue_dma source(%dma_start3A_50 : memref<120x128xf32, #tpu.memory_space<vmem>>) target(%dma_start3A_47 : memref<120x128xf32, #tpu.memory_space<vmem_shared>>) target_semaphore(%run_scoped3A : memref<!tpu.dma_semaphore, #tpu.memory_space<semaphore_mem>>)
      %dma_wait3A = arith.constant 0 : i32
      %dma_wait3A_51 = arith.constant 0 : i32
      %dma_wait3A_52 = tpu.memref_slice %arg5[%dma_wait3A, %dma_wait3A_51] : memref<128x128xf32, #tpu.memory_space<vmem>> -> memref<120x128xf32, #tpu.memory_space<vmem>>
      %dma_wait3A_53 = arith.constant 0 : i32
      %dma_wait3A_54 = tpu.memref_slice %arg6[%add3A_19, %dma_wait3A_53] : memref<10112x128xf32, #tpu.memory_space<vmem_shared>> -> memref<120x128xf32, #tpu.memory_space<vmem_shared>>
      %dma_wait3A_55 = arith.constant 0 : i32
      %dma_wait3A_56 = tpu.memref_slice %arg6[%add3A_19, %dma_wait3A_55] : memref<10112x128xf32, #tpu.memory_space<vmem_shared>> -> memref<120x128xf32, #tpu.memory_space<vmem_shared>>
      %dma_wait3A_57 = arith.constant 0 : i32
      %dma_wait3A_58 = arith.constant 0 : i32
      %dma_wait3A_59 = tpu.memref_slice %arg5[%dma_wait3A_57, %dma_wait3A_58] : memref<128x128xf32, #tpu.memory_space<vmem>> -> memref<120x128xf32, #tpu.memory_space<vmem>>
      tpu.wait_dma2 semaphore(%run_scoped3A : memref<!tpu.dma_semaphore, #tpu.memory_space<semaphore_mem>>) src(%dma_wait3A_59 : memref<120x128xf32, #tpu.memory_space<vmem>>) dst(%dma_wait3A_56 : memref<120x128xf32, #tpu.memory_space<vmem_shared>>)
      tpu.yield
    }) : () -> ()
    %broadcast_in_dim3A_20 = arith.constant 1.000000e+00 : f32
    %broadcast_in_dim3A_21 = vector.broadcast %broadcast_in_dim3A_20 : f32 to vector<16xf32>
    %scan3A_22 = arith.constant 0 : i32
    %scan3A_23 = arith.constant 0 : i32
    %scan3A_24 = arith.constant 128 : i32
    %scan3A_25 = arith.addi %scan3A_23, %scan3A_24 : i32
    %scan3A_26 = arith.constant 1 : i32
    %scan3A_27 = scf.for %scan3A_42 = %scan3A_23 to %scan3A_25 step %scan3A_26 iter_args(%scan3A_43 = %scan3A_22) -> (i32)  : i32 {
      %swap3A = arith.index_cast %scan3A_42 : i32 to index
      %swap3A_44 = arith.constant 0 : index
      %swap3A_45 = tpu.vector_load %arg5[%swap3A, %swap3A_44] {strides = array<i32>} : memref<128x128xf32, #tpu.memory_space<vmem>>, vector<1x16xf32>,
      %swap3A_46 = vector.shape_cast %swap3A_45 : vector<1x16xf32> to vector<16xf32>
      %swap3A_47 = vector.shape_cast %broadcast_in_dim3A_21 : vector<16xf32> to vector<1x16xf32>
      tpu.vector_store %arg5[%swap3A, %swap3A_44], %swap3A_47 {strides = array<i32>} : memref<128x128xf32, #tpu.memory_space<vmem>>, vector<1x16xf32>,
      %swap3A_48 = arith.index_cast %scan3A_42 : i32 to index
      %swap3A_49 = arith.constant 16 : index
      %swap3A_50 = tpu.vector_load %arg5[%swap3A_48, %swap3A_49] {strides = array<i32>} : memref<128x128xf32, #tpu.memory_space<vmem>>, vector<1x16xf32>,
      %swap3A_51 = vector.shape_cast %swap3A_50 : vector<1x16xf32> to vector<16xf32>
      %swap3A_52 = vector.shape_cast %broadcast_in_dim3A_21 : vector<16xf32> to vector<1x16xf32>
      tpu.vector_store %arg5[%swap3A_48, %swap3A_49], %swap3A_52 {strides = array<i32>} : memref<128x128xf32, #tpu.memory_space<vmem>>, vector<1x16xf32>,
      %swap3A_53 = arith.index_cast %scan3A_42 : i32 to index
      %swap3A_54 = arith.constant 32 : index
      %swap3A_55 = tpu.vector_load %arg5[%swap3A_53, %swap3A_54] {strides = array<i32>} : memref<128x128xf32, #tpu.memory_space<vmem>>, vector<1x16xf32>,
      %swap3A_56 = vector.shape_cast %swap3A_55 : vector<1x16xf32> to vector<16xf32>
      %swap3A_57 = vector.shape_cast %broadcast_in_dim3A_21 : vector<16xf32> to vector<1x16xf32>
      tpu.vector_store %arg5[%swap3A_53, %swap3A_54], %swap3A_57 {strides = array<i32>} : memref<128x128xf32, #tpu.memory_space<vmem>>, vector<1x16xf32>,
      %swap3A_58 = arith.index_cast %scan3A_42 : i32 to index
      %swap3A_59 = arith.constant 48 : index
      %swap3A_60 = tpu.vector_load %arg5[%swap3A_58, %swap3A_59] {strides = array<i32>} : memref<128x128xf32, #tpu.memory_space<vmem>>, vector<1x16xf32>,
      %swap3A_61 = vector.shape_cast %swap3A_60 : vector<1x16xf32> to vector<16xf32>
      %swap3A_62 = vector.shape_cast %broadcast_in_dim3A_21 : vector<16xf32> to vector<1x16xf32>
      tpu.vector_store %arg5[%swap3A_58, %swap3A_59], %swap3A_62 {strides = array<i32>} : memref<128x128xf32, #tpu.memory_space<vmem>>, vector<1x16xf32>,
      %swap3A_63 = arith.index_cast %scan3A_42 : i32 to index
      %swap3A_64 = arith.constant 64 : index
      %swap3A_65 = tpu.vector_load %arg5[%swap3A_63, %swap3A_64] {strides = array<i32>} : memref<128x128xf32, #tpu.memory_space<vmem>>, vector<1x16xf32>,
      %swap3A_66 = vector.shape_cast %swap3A_65 : vector<1x16xf32> to vector<16xf32>
      %swap3A_67 = vector.shape_cast %broadcast_in_dim3A_21 : vector<16xf32> to vector<1x16xf32>
      tpu.vector_store %arg5[%swap3A_63, %swap3A_64], %swap3A_67 {strides = array<i32>} : memref<128x128xf32, #tpu.memory_space<vmem>>, vector<1x16xf32>,
      %swap3A_68 = arith.index_cast %scan3A_42 : i32 to index
      %swap3A_69 = arith.constant 80 : index
      %swap3A_70 = tpu.vector_load %arg5[%swap3A_68, %swap3A_69] {strides = array<i32>} : memref<128x128xf32, #tpu.memory_space<vmem>>, vector<1x16xf32>,
      %swap3A_71 = vector.shape_cast %swap3A_70 : vector<1x16xf32> to vector<16xf32>
      %swap3A_72 = vector.shape_cast %broadcast_in_dim3A_21 : vector<16xf32> to vector<1x16xf32>
      tpu.vector_store %arg5[%swap3A_68, %swap3A_69], %swap3A_72 {strides = array<i32>} : memref<128x128xf32, #tpu.memory_space<vmem>>, vector<1x16xf32>,
      %swap3A_73 = arith.index_cast %scan3A_42 : i32 to index
      %swap3A_74 = arith.constant 96 : index
      %swap3A_75 = tpu.vector_load %arg5[%swap3A_73, %swap3A_74] {strides = array<i32>} : memref<128x128xf32, #tpu.memory_space<vmem>>, vector<1x16xf32>,
      %swap3A_76 = vector.shape_cast %swap3A_75 : vector<1x16xf32> to vector<16xf32>
      %swap3A_77 = vector.shape_cast %broadcast_in_dim3A_21 : vector<16xf32> to vector<1x16xf32>
      tpu.vector_store %arg5[%swap3A_73, %swap3A_74], %swap3A_77 {strides = array<i32>} : memref<128x128xf32, #tpu.memory_space<vmem>>, vector<1x16xf32>,
      %swap3A_78 = arith.index_cast %scan3A_42 : i32 to index
      %swap3A_79 = arith.constant 112 : index
      %swap3A_80 = tpu.vector_load %arg5[%swap3A_78, %swap3A_79] {strides = array<i32>} : memref<128x128xf32, #tpu.memory_space<vmem>>, vector<1x16xf32>,
      %swap3A_81 = vector.shape_cast %swap3A_80 : vector<1x16xf32> to vector<16xf32>
      %swap3A_82 = vector.shape_cast %broadcast_in_dim3A_21 : vector<16xf32> to vector<1x16xf32>
      tpu.vector_store %arg5[%swap3A_78, %swap3A_79], %swap3A_82 {strides = array<i32>} : memref<128x128xf32, #tpu.memory_space<vmem>>, vector<1x16xf32>,
      %scan3A_83 = arith.constant 0 : i32
      scf.yield %scan3A_83 : i32
    }
    %scan3A_28 = arith.constant 128 : i32
    %barrier3A = arith.constant 0 : index
    tpu.barrier barrier_id(%barrier3A)
    %mul3A_29 = arith.constant 10240 : i32
    %mul3A_30 = arith.muli %add3A, %mul3A_29 : i32
    %scan3A_31 = arith.constant 0 : i32
    %scan3A_32 = arith.constant 0 : i32
    %scan3A_33 = arith.constant 80 : i32
    %scan3A_34 = arith.addi %scan3A_32, %scan3A_33 : i32
    %scan3A_35 = arith.constant 1 : i32
    %scan3A_36 = scf.for %scan3A_42 = %scan3A_32 to %scan3A_34 step %scan3A_35 iter_args(%scan3A_43 = %scan3A_31) -> (i32)  : i32 {
      %mul3A_44 = arith.constant 128 : i32
      %mul3A_45 = arith.muli %scan3A_42, %mul3A_44 : i32
      %add3A_46 = arith.addi %mul3A_30, %mul3A_45 : i32
      "tpu.region"() ({
        %run_scoped3A = tpu.sem_alloc : memref<!tpu.dma_semaphore, #tpu.memory_space<semaphore_mem>>
        %dma_start3A = tpu.memref_slice %arg2[%add3A_46] : memref<327680xi32, #tpu.memory_space<hbm>> -> memref<128xi32, #tpu.memory_space<hbm>>
        %dma_start3A_48 = tpu.memref_slice %arg2[%add3A_46] : memref<327680xi32, #tpu.memory_space<hbm>> -> memref<128xi32, #tpu.memory_space<hbm>>
        tpu.enqueue_dma source(%dma_start3A_48 : memref<128xi32, #tpu.memory_space<hbm>>) target(%arg4 : memref<128xi32, #tpu.memory_space<vmem>>) target_semaphore(%run_scoped3A : memref<!tpu.dma_semaphore, #tpu.memory_space<semaphore_mem>>)
        %dma_wait3A = tpu.memref_slice %arg2[%add3A_46] : memref<327680xi32, #tpu.memory_space<hbm>> -> memref<128xi32, #tpu.memory_space<hbm>>
        %dma_wait3A_49 = tpu.memref_slice %arg2[%add3A_46] : memref<327680xi32, #tpu.memory_space<hbm>> -> memref<128xi32, #tpu.memory_space<hbm>>
        tpu.wait_dma2 semaphore(%run_scoped3A : memref<!tpu.dma_semaphore, #tpu.memory_space<semaphore_mem>>) src(%dma_wait3A_49 : memref<128xi32, #tpu.memory_space<hbm>>) dst(%arg4 : memref<128xi32, #tpu.memory_space<vmem>>)
        tpu.yield
      }) : () -> ()
      "tpu.region"() ({
        %run_scoped3A = tpu.sem_alloc : memref<!tpu.dma_semaphore, #tpu.memory_space<semaphore_mem>>
        %dma_start3A = arith.constant 0 : i32
        %dma_start3A_48 = arith.constant 0 : i32
        %dma_start3A_49 = tpu.memref_slice %arg6[%dma_start3A, %dma_start3A_48] : memref<10112x128xf32, #tpu.memory_space<vmem_shared>> -> memref<10112x128xf32, #tpu.memory_space<vmem_shared>>
        tpu.enqueue_indirect_dma source(%arg5 : memref<128x128xf32, #tpu.memory_space<vmem>>) target(%dma_start3A_49 : memref<10112x128xf32, #tpu.memory_space<vmem_shared>>) offsets(%arg4 : memref<128xi32, #tpu.memory_space<vmem>>) semaphore(%run_scoped3A : memref<!tpu.dma_semaphore, #tpu.memory_space<semaphore_mem>>) {add = true}
        %dma_wait3A = arith.constant 0 : i32
        %dma_wait3A_50 = arith.constant 0 : i32
        %dma_wait3A_51 = tpu.memref_slice %arg6[%dma_wait3A, %dma_wait3A_50] : memref<10112x128xf32, #tpu.memory_space<vmem_shared>> -> memref<10112x128xf32, #tpu.memory_space<vmem_shared>>
        tpu.wait_indirect_dma semaphore(%run_scoped3A : memref<!tpu.dma_semaphore, #tpu.memory_space<semaphore_mem>>) src(%arg5 : memref<128x128xf32, #tpu.memory_space<vmem>>) dst(%dma_wait3A_51 : memref<10112x128xf32, #tpu.memory_space<vmem_shared>>)
        tpu.yield
      }) : () -> ()
      %scan3A_47 = arith.constant 0 : i32
      scf.yield %scan3A_47 : i32
    }
    %scan3A_37 = arith.constant 80 : i32
    %barrier3A_38 = arith.constant 0 : index
    tpu.barrier barrier_id(%barrier3A_38)
    %mul3A_39 = arith.constant 10112 : i32
    %mul3A_40 = arith.muli %arg0, %mul3A_39 : i32
    %add3A_41 = arith.addi %mul3A_40, %mul3A_2 : i32
    "tpu.region"() ({
      %run_scoped3A = tpu.sem_alloc : memref<!tpu.dma_semaphore, #tpu.memory_space<semaphore_mem>>
      %dma_start3A = arith.constant 0 : i32
      %dma_start3A_42 = tpu.memref_slice %arg3[%add3A_41, %dma_start3A] : memref<20224x128xf32, #tpu.memory_space<hbm>> -> memref<632x128xf32, #tpu.memory_space<hbm>>
      %dma_start3A_43 = arith.constant 0 : i32
      %dma_start3A_44 = tpu.memref_slice %arg6[%mul3A_2, %dma_start3A_43] : memref<10112x128xf32, #tpu.memory_space<vmem_shared>> -> memref<632x128xf32, #tpu.memory_space<vmem_shared>>
      tpu.enqueue_dma source(%dma_start3A_44 : memref<632x128xf32, #tpu.memory_space<vmem_shared>>) target(%dma_start3A_42 : memref<632x128xf32, #tpu.memory_space<hbm>>) target_semaphore(%run_scoped3A : memref<!tpu.dma_semaphore, #tpu.memory_space<semaphore_mem>>)
      %dma_wait3A = arith.constant 0 : i32
      %dma_wait3A_45 = tpu.memref_slice %arg3[%add3A_41, %dma_wait3A] : memref<20224x128xf32, #tpu.memory_space<hbm>> -> memref<632x128xf32, #tpu.memory_space<hbm>>
      %dma_wait3A_46 = arith.constant 0 : i32
      %dma_wait3A_47 = tpu.memref_slice %arg6[%mul3A_2, %dma_wait3A_46] : memref<10112x128xf32, #tpu.memory_space<vmem_shared>> -> memref<632x128xf32, #tpu.memory_space<vmem_shared>>
      tpu.wait_dma2 semaphore(%run_scoped3A : memref<!tpu.dma_semaphore, #tpu.memory_space<semaphore_mem>>) src(%dma_wait3A_47 : memref<632x128xf32, #tpu.memory_space<vmem_shared>>) dst(%dma_wait3A_45 : memref<632x128xf32, #tpu.memory_space<hbm>>)
      tpu.yield
    }) : () -> ()
    return
  }
}

#map = affine_map<(d0, d1) -> (0, 0)>
module attributes {stable_mosaic.version = 14 : i64} {
  func.func @_sc_scatter_body(%arg0: i32, %arg1: i32, %arg2: memref<10000x128xf32, #tpu.memory_space<hbm>>, %arg3: memref<2560x128xi32, #tpu.memory_space<hbm>>, %arg4: memref<2560x128xi32, #tpu.memory_space<hbm>>, %arg5: memref<20224x128xf32, #tpu.memory_space<hbm>>, %arg6: memref<16x128xi32, #tpu.memory_space<vmem>>, %arg7: memref<16x128xi32, #tpu.memory_space<vmem>>, %arg8: memref<16x128xi32, #tpu.memory_space<vmem>>, %arg9: memref<16x128xi32, #tpu.memory_space<vmem>>, %arg10: memref<128x128xf32, #tpu.memory_space<vmem>>, %arg11: memref<128x128xf32, #tpu.memory_space<vmem>>, %arg12: memref<10112x128xf32, #tpu.memory_space<vmem_shared>>, %arg13: memref<!tpu.dma_semaphore, #tpu.memory_space<semaphore_mem>>, %arg14: memref<!tpu.dma_semaphore, #tpu.memory_space<semaphore_mem>>, %arg15: memref<!tpu.dma_semaphore, #tpu.memory_space<semaphore_mem>>) attributes {dimension_semantics = [#tpu.dimension_semantics<core_parallel>, #tpu.dimension_semantics<subcore_parallel>], iteration_bounds = array<i64: 2, 16>, scalar_prefetch = 0 : i64, scratch_operands = 10 : i64, tpu.core_type = #tpu.core_type<sc_vector_subcore>, window_params = [{transform_indices = #map}, {transform_indices = #map}, {transform_indices = #map}, {transform_indices = #map}]} {
    %mul3A = arith.constant 16 : i32
    %mul3A_0 = arith.muli %arg0, %mul3A : i32
    %add3A = arith.addi %mul3A_0, %arg1 : i32
    %mul3A_1 = arith.constant 632 : i32
    %mul3A_2 = arith.muli %arg1, %mul3A_1 : i32
    %broadcast_in_dim3A = arith.constant 0.000000e+00 : f32
    %broadcast_in_dim3A_3 = vector.broadcast %broadcast_in_dim3A : f32 to vector<16xf32>
    %scan3A = arith.constant 0 : i32
    %scan3A_4 = arith.constant 0 : i32
    %scan3A_5 = arith.constant 128 : i32
    %scan3A_6 = arith.addi %scan3A_4, %scan3A_5 : i32
    %scan3A_7 = arith.constant 1 : i32
    %scan3A_8 = scf.for %scan3A_71 = %scan3A_4 to %scan3A_6 step %scan3A_7 iter_args(%scan3A_72 = %scan3A) -> (i32)  : i32 {
      %swap3A = arith.index_cast %scan3A_71 : i32 to index
      %swap3A_73 = arith.constant 0 : index
      %swap3A_74 = tpu.vector_load %arg10[%swap3A, %swap3A_73] {strides = array<i32>} : memref<128x128xf32, #tpu.memory_space<vmem>>, vector<1x16xf32>,
      %swap3A_75 = vector.shape_cast %swap3A_74 : vector<1x16xf32> to vector<16xf32>
      %swap3A_76 = vector.shape_cast %broadcast_in_dim3A_3 : vector<16xf32> to vector<1x16xf32>
      tpu.vector_store %arg10[%swap3A, %swap3A_73], %swap3A_76 {strides = array<i32>} : memref<128x128xf32, #tpu.memory_space<vmem>>, vector<1x16xf32>,
      %swap3A_77 = arith.index_cast %scan3A_71 : i32 to index
      %swap3A_78 = arith.constant 16 : index
      %swap3A_79 = tpu.vector_load %arg10[%swap3A_77, %swap3A_78] {strides = array<i32>} : memref<128x128xf32, #tpu.memory_space<vmem>>, vector<1x16xf32>,
      %swap3A_80 = vector.shape_cast %swap3A_79 : vector<1x16xf32> to vector<16xf32>
      %swap3A_81 = vector.shape_cast %broadcast_in_dim3A_3 : vector<16xf32> to vector<1x16xf32>
      tpu.vector_store %arg10[%swap3A_77, %swap3A_78], %swap3A_81 {strides = array<i32>} : memref<128x128xf32, #tpu.memory_space<vmem>>, vector<1x16xf32>,
      %swap3A_82 = arith.index_cast %scan3A_71 : i32 to index
      %swap3A_83 = arith.constant 32 : index
      %swap3A_84 = tpu.vector_load %arg10[%swap3A_82, %swap3A_83] {strides = array<i32>} : memref<128x128xf32, #tpu.memory_space<vmem>>, vector<1x16xf32>,
      %swap3A_85 = vector.shape_cast %swap3A_84 : vector<1x16xf32> to vector<16xf32>
      %swap3A_86 = vector.shape_cast %broadcast_in_dim3A_3 : vector<16xf32> to vector<1x16xf32>
      tpu.vector_store %arg10[%swap3A_82, %swap3A_83], %swap3A_86 {strides = array<i32>} : memref<128x128xf32, #tpu.memory_space<vmem>>, vector<1x16xf32>,
      %swap3A_87 = arith.index_cast %scan3A_71 : i32 to index
      %swap3A_88 = arith.constant 48 : index
      %swap3A_89 = tpu.vector_load %arg10[%swap3A_87, %swap3A_88] {strides = array<i32>} : memref<128x128xf32, #tpu.memory_space<vmem>>, vector<1x16xf32>,
      %swap3A_90 = vector.shape_cast %swap3A_89 : vector<1x16xf32> to vector<16xf32>
      %swap3A_91 = vector.shape_cast %broadcast_in_dim3A_3 : vector<16xf32> to vector<1x16xf32>
      tpu.vector_store %arg10[%swap3A_87, %swap3A_88], %swap3A_91 {strides = array<i32>} : memref<128x128xf32, #tpu.memory_space<vmem>>, vector<1x16xf32>,
      %swap3A_92 = arith.index_cast %scan3A_71 : i32 to index
      %swap3A_93 = arith.constant 64 : index
      %swap3A_94 = tpu.vector_load %arg10[%swap3A_92, %swap3A_93] {strides = array<i32>} : memref<128x128xf32, #tpu.memory_space<vmem>>, vector<1x16xf32>,
      %swap3A_95 = vector.shape_cast %swap3A_94 : vector<1x16xf32> to vector<16xf32>
      %swap3A_96 = vector.shape_cast %broadcast_in_dim3A_3 : vector<16xf32> to vector<1x16xf32>
      tpu.vector_store %arg10[%swap3A_92, %swap3A_93], %swap3A_96 {strides = array<i32>} : memref<128x128xf32, #tpu.memory_space<vmem>>, vector<1x16xf32>,
      %swap3A_97 = arith.index_cast %scan3A_71 : i32 to index
      %swap3A_98 = arith.constant 80 : index
      %swap3A_99 = tpu.vector_load %arg10[%swap3A_97, %swap3A_98] {strides = array<i32>} : memref<128x128xf32, #tpu.memory_space<vmem>>, vector<1x16xf32>,
      %swap3A_100 = vector.shape_cast %swap3A_99 : vector<1x16xf32> to vector<16xf32>
      %swap3A_101 = vector.shape_cast %broadcast_in_dim3A_3 : vector<16xf32> to vector<1x16xf32>
      tpu.vector_store %arg10[%swap3A_97, %swap3A_98], %swap3A_101 {strides = array<i32>} : memref<128x128xf32, #tpu.memory_space<vmem>>, vector<1x16xf32>,
      %swap3A_102 = arith.index_cast %scan3A_71 : i32 to index
      %swap3A_103 = arith.constant 96 : index
      %swap3A_104 = tpu.vector_load %arg10[%swap3A_102, %swap3A_103] {strides = array<i32>} : memref<128x128xf32, #tpu.memory_space<vmem>>, vector<1x16xf32>,
      %swap3A_105 = vector.shape_cast %swap3A_104 : vector<1x16xf32> to vector<16xf32>
      %swap3A_106 = vector.shape_cast %broadcast_in_dim3A_3 : vector<16xf32> to vector<1x16xf32>
      tpu.vector_store %arg10[%swap3A_102, %swap3A_103], %swap3A_106 {strides = array<i32>} : memref<128x128xf32, #tpu.memory_space<vmem>>, vector<1x16xf32>,
      %swap3A_107 = arith.index_cast %scan3A_71 : i32 to index
      %swap3A_108 = arith.constant 112 : index
      %swap3A_109 = tpu.vector_load %arg10[%swap3A_107, %swap3A_108] {strides = array<i32>} : memref<128x128xf32, #tpu.memory_space<vmem>>, vector<1x16xf32>,
      %swap3A_110 = vector.shape_cast %swap3A_109 : vector<1x16xf32> to vector<16xf32>
      %swap3A_111 = vector.shape_cast %broadcast_in_dim3A_3 : vector<16xf32> to vector<1x16xf32>
      tpu.vector_store %arg10[%swap3A_107, %swap3A_108], %swap3A_111 {strides = array<i32>} : memref<128x128xf32, #tpu.memory_space<vmem>>, vector<1x16xf32>,
      %scan3A_112 = arith.constant 0 : i32
      scf.yield %scan3A_112 : i32
    }
    %scan3A_9 = arith.constant 128 : i32
    %add3A_10 = arith.constant 0 : i32
    %add3A_11 = arith.addi %mul3A_2, %add3A_10 : i32
    "tpu.region"() ({
      %run_scoped3A = tpu.sem_alloc : memref<!tpu.dma_semaphore, #tpu.memory_space<semaphore_mem>>
      %dma_start3A = arith.constant 0 : i32
      %dma_start3A_71 = arith.constant 0 : i32
      %dma_start3A_72 = tpu.memref_slice %arg10[%dma_start3A, %dma_start3A_71] : memref<128x128xf32, #tpu.memory_space<vmem>> -> memref<128x128xf32, #tpu.memory_space<vmem>>
      %dma_start3A_73 = arith.constant 0 : i32
      %dma_start3A_74 = tpu.memref_slice %arg12[%add3A_11, %dma_start3A_73] : memref<10112x128xf32, #tpu.memory_space<vmem_shared>> -> memref<128x128xf32, #tpu.memory_space<vmem_shared>>
      %dma_start3A_75 = arith.constant 0 : i32
      %dma_start3A_76 = tpu.memref_slice %arg12[%add3A_11, %dma_start3A_75] : memref<10112x128xf32, #tpu.memory_space<vmem_shared>> -> memref<128x128xf32, #tpu.memory_space<vmem_shared>>
      %dma_start3A_77 = arith.constant 0 : i32
      %dma_start3A_78 = arith.constant 0 : i32
      %dma_start3A_79 = tpu.memref_slice %arg10[%dma_start3A_77, %dma_start3A_78] : memref<128x128xf32, #tpu.memory_space<vmem>> -> memref<128x128xf32, #tpu.memory_space<vmem>>
      tpu.enqueue_dma source(%dma_start3A_79 : memref<128x128xf32, #tpu.memory_space<vmem>>) target(%dma_start3A_76 : memref<128x128xf32, #tpu.memory_space<vmem_shared>>) target_semaphore(%run_scoped3A : memref<!tpu.dma_semaphore, #tpu.memory_space<semaphore_mem>>)
      %dma_wait3A = arith.constant 0 : i32
      %dma_wait3A_80 = arith.constant 0 : i32
      %dma_wait3A_81 = tpu.memref_slice %arg10[%dma_wait3A, %dma_wait3A_80] : memref<128x128xf32, #tpu.memory_space<vmem>> -> memref<128x128xf32, #tpu.memory_space<vmem>>
      %dma_wait3A_82 = arith.constant 0 : i32
      %dma_wait3A_83 = tpu.memref_slice %arg12[%add3A_11, %dma_wait3A_82] : memref<10112x128xf32, #tpu.memory_space<vmem_shared>> -> memref<128x128xf32, #tpu.memory_space<vmem_shared>>
      %dma_wait3A_84 = arith.constant 0 : i32
      %dma_wait3A_85 = tpu.memref_slice %arg12[%add3A_11, %dma_wait3A_84] : memref<10112x128xf32, #tpu.memory_space<vmem_shared>> -> memref<128x128xf32, #tpu.memory_space<vmem_shared>>
      %dma_wait3A_86 = arith.constant 0 : i32
      %dma_wait3A_87 = arith.constant 0 : i32
      %dma_wait3A_88 = tpu.memref_slice %arg10[%dma_wait3A_86, %dma_wait3A_87] : memref<128x128xf32, #tpu.memory_space<vmem>> -> memref<128x128xf32, #tpu.memory_space<vmem>>
      tpu.wait_dma2 semaphore(%run_scoped3A : memref<!tpu.dma_semaphore, #tpu.memory_space<semaphore_mem>>) src(%dma_wait3A_88 : memref<128x128xf32, #tpu.memory_space<vmem>>) dst(%dma_wait3A_85 : memref<128x128xf32, #tpu.memory_space<vmem_shared>>)
      tpu.yield
    }) : () -> ()
    %add3A_12 = arith.constant 128 : i32
    %add3A_13 = arith.addi %mul3A_2, %add3A_12 : i32
    "tpu.region"() ({
      %run_scoped3A = tpu.sem_alloc : memref<!tpu.dma_semaphore, #tpu.memory_space<semaphore_mem>>
      %dma_start3A = arith.constant 0 : i32
      %dma_start3A_71 = arith.constant 0 : i32
      %dma_start3A_72 = tpu.memref_slice %arg10[%dma_start3A, %dma_start3A_71] : memref<128x128xf32, #tpu.memory_space<vmem>> -> memref<128x128xf32, #tpu.memory_space<vmem>>
      %dma_start3A_73 = arith.constant 0 : i32
      %dma_start3A_74 = tpu.memref_slice %arg12[%add3A_13, %dma_start3A_73] : memref<10112x128xf32, #tpu.memory_space<vmem_shared>> -> memref<128x128xf32, #tpu.memory_space<vmem_shared>>
      %dma_start3A_75 = arith.constant 0 : i32
      %dma_start3A_76 = tpu.memref_slice %arg12[%add3A_13, %dma_start3A_75] : memref<10112x128xf32, #tpu.memory_space<vmem_shared>> -> memref<128x128xf32, #tpu.memory_space<vmem_shared>>
      %dma_start3A_77 = arith.constant 0 : i32
      %dma_start3A_78 = arith.constant 0 : i32
      %dma_start3A_79 = tpu.memref_slice %arg10[%dma_start3A_77, %dma_start3A_78] : memref<128x128xf32, #tpu.memory_space<vmem>> -> memref<128x128xf32, #tpu.memory_space<vmem>>
      tpu.enqueue_dma source(%dma_start3A_79 : memref<128x128xf32, #tpu.memory_space<vmem>>) target(%dma_start3A_76 : memref<128x128xf32, #tpu.memory_space<vmem_shared>>) target_semaphore(%run_scoped3A : memref<!tpu.dma_semaphore, #tpu.memory_space<semaphore_mem>>)
      %dma_wait3A = arith.constant 0 : i32
      %dma_wait3A_80 = arith.constant 0 : i32
      %dma_wait3A_81 = tpu.memref_slice %arg10[%dma_wait3A, %dma_wait3A_80] : memref<128x128xf32, #tpu.memory_space<vmem>> -> memref<128x128xf32, #tpu.memory_space<vmem>>
      %dma_wait3A_82 = arith.constant 0 : i32
      %dma_wait3A_83 = tpu.memref_slice %arg12[%add3A_13, %dma_wait3A_82] : memref<10112x128xf32, #tpu.memory_space<vmem_shared>> -> memref<128x128xf32, #tpu.memory_space<vmem_shared>>
      %dma_wait3A_84 = arith.constant 0 : i32
      %dma_wait3A_85 = tpu.memref_slice %arg12[%add3A_13, %dma_wait3A_84] : memref<10112x128xf32, #tpu.memory_space<vmem_shared>> -> memref<128x128xf32, #tpu.memory_space<vmem_shared>>
      %dma_wait3A_86 = arith.constant 0 : i32
      %dma_wait3A_87 = arith.constant 0 : i32
      %dma_wait3A_88 = tpu.memref_slice %arg10[%dma_wait3A_86, %dma_wait3A_87] : memref<128x128xf32, #tpu.memory_space<vmem>> -> memref<128x128xf32, #tpu.memory_space<vmem>>
      tpu.wait_dma2 semaphore(%run_scoped3A : memref<!tpu.dma_semaphore, #tpu.memory_space<semaphore_mem>>) src(%dma_wait3A_88 : memref<128x128xf32, #tpu.memory_space<vmem>>) dst(%dma_wait3A_85 : memref<128x128xf32, #tpu.memory_space<vmem_shared>>)
      tpu.yield
    }) : () -> ()
    %add3A_14 = arith.constant 256 : i32
    %add3A_15 = arith.addi %mul3A_2, %add3A_14 : i32
    "tpu.region"() ({
      %run_scoped3A = tpu.sem_alloc : memref<!tpu.dma_semaphore, #tpu.memory_space<semaphore_mem>>
      %dma_start3A = arith.constant 0 : i32
      %dma_start3A_71 = arith.constant 0 : i32
      %dma_start3A_72 = tpu.memref_slice %arg10[%dma_start3A, %dma_start3A_71] : memref<128x128xf32, #tpu.memory_space<vmem>> -> memref<128x128xf32, #tpu.memory_space<vmem>>
      %dma_start3A_73 = arith.constant 0 : i32
      %dma_start3A_74 = tpu.memref_slice %arg12[%add3A_15, %dma_start3A_73] : memref<10112x128xf32, #tpu.memory_space<vmem_shared>> -> memref<128x128xf32, #tpu.memory_space<vmem_shared>>
      %dma_start3A_75 = arith.constant 0 : i32
      %dma_start3A_76 = tpu.memref_slice %arg12[%add3A_15, %dma_start3A_75] : memref<10112x128xf32, #tpu.memory_space<vmem_shared>> -> memref<128x128xf32, #tpu.memory_space<vmem_shared>>
      %dma_start3A_77 = arith.constant 0 : i32
      %dma_start3A_78 = arith.constant 0 : i32
      %dma_start3A_79 = tpu.memref_slice %arg10[%dma_start3A_77, %dma_start3A_78] : memref<128x128xf32, #tpu.memory_space<vmem>> -> memref<128x128xf32, #tpu.memory_space<vmem>>
      tpu.enqueue_dma source(%dma_start3A_79 : memref<128x128xf32, #tpu.memory_space<vmem>>) target(%dma_start3A_76 : memref<128x128xf32, #tpu.memory_space<vmem_shared>>) target_semaphore(%run_scoped3A : memref<!tpu.dma_semaphore, #tpu.memory_space<semaphore_mem>>)
      %dma_wait3A = arith.constant 0 : i32
      %dma_wait3A_80 = arith.constant 0 : i32
      %dma_wait3A_81 = tpu.memref_slice %arg10[%dma_wait3A, %dma_wait3A_80] : memref<128x128xf32, #tpu.memory_space<vmem>> -> memref<128x128xf32, #tpu.memory_space<vmem>>
      %dma_wait3A_82 = arith.constant 0 : i32
      %dma_wait3A_83 = tpu.memref_slice %arg12[%add3A_15, %dma_wait3A_82] : memref<10112x128xf32, #tpu.memory_space<vmem_shared>> -> memref<128x128xf32, #tpu.memory_space<vmem_shared>>
      %dma_wait3A_84 = arith.constant 0 : i32
      %dma_wait3A_85 = tpu.memref_slice %arg12[%add3A_15, %dma_wait3A_84] : memref<10112x128xf32, #tpu.memory_space<vmem_shared>> -> memref<128x128xf32, #tpu.memory_space<vmem_shared>>
      %dma_wait3A_86 = arith.constant 0 : i32
      %dma_wait3A_87 = arith.constant 0 : i32
      %dma_wait3A_88 = tpu.memref_slice %arg10[%dma_wait3A_86, %dma_wait3A_87] : memref<128x128xf32, #tpu.memory_space<vmem>> -> memref<128x128xf32, #tpu.memory_space<vmem>>
      tpu.wait_dma2 semaphore(%run_scoped3A : memref<!tpu.dma_semaphore, #tpu.memory_space<semaphore_mem>>) src(%dma_wait3A_88 : memref<128x128xf32, #tpu.memory_space<vmem>>) dst(%dma_wait3A_85 : memref<128x128xf32, #tpu.memory_space<vmem_shared>>)
      tpu.yield
    }) : () -> ()
    %add3A_16 = arith.constant 384 : i32
    %add3A_17 = arith.addi %mul3A_2, %add3A_16 : i32
    "tpu.region"() ({
      %run_scoped3A = tpu.sem_alloc : memref<!tpu.dma_semaphore, #tpu.memory_space<semaphore_mem>>
      %dma_start3A = arith.constant 0 : i32
      %dma_start3A_71 = arith.constant 0 : i32
      %dma_start3A_72 = tpu.memref_slice %arg10[%dma_start3A, %dma_start3A_71] : memref<128x128xf32, #tpu.memory_space<vmem>> -> memref<128x128xf32, #tpu.memory_space<vmem>>
      %dma_start3A_73 = arith.constant 0 : i32
      %dma_start3A_74 = tpu.memref_slice %arg12[%add3A_17, %dma_start3A_73] : memref<10112x128xf32, #tpu.memory_space<vmem_shared>> -> memref<128x128xf32, #tpu.memory_space<vmem_shared>>
      %dma_start3A_75 = arith.constant 0 : i32
      %dma_start3A_76 = tpu.memref_slice %arg12[%add3A_17, %dma_start3A_75] : memref<10112x128xf32, #tpu.memory_space<vmem_shared>> -> memref<128x128xf32, #tpu.memory_space<vmem_shared>>
      %dma_start3A_77 = arith.constant 0 : i32
      %dma_start3A_78 = arith.constant 0 : i32
      %dma_start3A_79 = tpu.memref_slice %arg10[%dma_start3A_77, %dma_start3A_78] : memref<128x128xf32, #tpu.memory_space<vmem>> -> memref<128x128xf32, #tpu.memory_space<vmem>>
      tpu.enqueue_dma source(%dma_start3A_79 : memref<128x128xf32, #tpu.memory_space<vmem>>) target(%dma_start3A_76 : memref<128x128xf32, #tpu.memory_space<vmem_shared>>) target_semaphore(%run_scoped3A : memref<!tpu.dma_semaphore, #tpu.memory_space<semaphore_mem>>)
      %dma_wait3A = arith.constant 0 : i32
      %dma_wait3A_80 = arith.constant 0 : i32
      %dma_wait3A_81 = tpu.memref_slice %arg10[%dma_wait3A, %dma_wait3A_80] : memref<128x128xf32, #tpu.memory_space<vmem>> -> memref<128x128xf32, #tpu.memory_space<vmem>>
      %dma_wait3A_82 = arith.constant 0 : i32
      %dma_wait3A_83 = tpu.memref_slice %arg12[%add3A_17, %dma_wait3A_82] : memref<10112x128xf32, #tpu.memory_space<vmem_shared>> -> memref<128x128xf32, #tpu.memory_space<vmem_shared>>
      %dma_wait3A_84 = arith.constant 0 : i32
      %dma_wait3A_85 = tpu.memref_slice %arg12[%add3A_17, %dma_wait3A_84] : memref<10112x128xf32, #tpu.memory_space<vmem_shared>> -> memref<128x128xf32, #tpu.memory_space<vmem_shared>>
      %dma_wait3A_86 = arith.constant 0 : i32
      %dma_wait3A_87 = arith.constant 0 : i32
      %dma_wait3A_88 = tpu.memref_slice %arg10[%dma_wait3A_86, %dma_wait3A_87] : memref<128x128xf32, #tpu.memory_space<vmem>> -> memref<128x128xf32, #tpu.memory_space<vmem>>
      tpu.wait_dma2 semaphore(%run_scoped3A : memref<!tpu.dma_semaphore, #tpu.memory_space<semaphore_mem>>) src(%dma_wait3A_88 : memref<128x128xf32, #tpu.memory_space<vmem>>) dst(%dma_wait3A_85 : memref<128x128xf32, #tpu.memory_space<vmem_shared>>)
      tpu.yield
    }) : () -> ()
    %add3A_18 = arith.constant 512 : i32
    %add3A_19 = arith.addi %mul3A_2, %add3A_18 : i32
    "tpu.region"() ({
      %run_scoped3A = tpu.sem_alloc : memref<!tpu.dma_semaphore, #tpu.memory_space<semaphore_mem>>
      %dma_start3A = arith.constant 0 : i32
      %dma_start3A_71 = arith.constant 0 : i32
      %dma_start3A_72 = tpu.memref_slice %arg10[%dma_start3A, %dma_start3A_71] : memref<128x128xf32, #tpu.memory_space<vmem>> -> memref<120x128xf32, #tpu.memory_space<vmem>>
      %dma_start3A_73 = arith.constant 0 : i32
      %dma_start3A_74 = tpu.memref_slice %arg12[%add3A_19, %dma_start3A_73] : memref<10112x128xf32, #tpu.memory_space<vmem_shared>> -> memref<120x128xf32, #tpu.memory_space<vmem_shared>>
      %dma_start3A_75 = arith.constant 0 : i32
      %dma_start3A_76 = tpu.memref_slice %arg12[%add3A_19, %dma_start3A_75] : memref<10112x128xf32, #tpu.memory_space<vmem_shared>> -> memref<120x128xf32, #tpu.memory_space<vmem_shared>>
      %dma_start3A_77 = arith.constant 0 : i32
      %dma_start3A_78 = arith.constant 0 : i32
      %dma_start3A_79 = tpu.memref_slice %arg10[%dma_start3A_77, %dma_start3A_78] : memref<128x128xf32, #tpu.memory_space<vmem>> -> memref<120x128xf32, #tpu.memory_space<vmem>>
      tpu.enqueue_dma source(%dma_start3A_79 : memref<120x128xf32, #tpu.memory_space<vmem>>) target(%dma_start3A_76 : memref<120x128xf32, #tpu.memory_space<vmem_shared>>) target_semaphore(%run_scoped3A : memref<!tpu.dma_semaphore, #tpu.memory_space<semaphore_mem>>)
      %dma_wait3A = arith.constant 0 : i32
      %dma_wait3A_80 = arith.constant 0 : i32
      %dma_wait3A_81 = tpu.memref_slice %arg10[%dma_wait3A, %dma_wait3A_80] : memref<128x128xf32, #tpu.memory_space<vmem>> -> memref<120x128xf32, #tpu.memory_space<vmem>>
      %dma_wait3A_82 = arith.constant 0 : i32
      %dma_wait3A_83 = tpu.memref_slice %arg12[%add3A_19, %dma_wait3A_82] : memref<10112x128xf32, #tpu.memory_space<vmem_shared>> -> memref<120x128xf32, #tpu.memory_space<vmem_shared>>
      %dma_wait3A_84 = arith.constant 0 : i32
      %dma_wait3A_85 = tpu.memref_slice %arg12[%add3A_19, %dma_wait3A_84] : memref<10112x128xf32, #tpu.memory_space<vmem_shared>> -> memref<120x128xf32, #tpu.memory_space<vmem_shared>>
      %dma_wait3A_86 = arith.constant 0 : i32
      %dma_wait3A_87 = arith.constant 0 : i32
      %dma_wait3A_88 = tpu.memref_slice %arg10[%dma_wait3A_86, %dma_wait3A_87] : memref<128x128xf32, #tpu.memory_space<vmem>> -> memref<120x128xf32, #tpu.memory_space<vmem>>
      tpu.wait_dma2 semaphore(%run_scoped3A : memref<!tpu.dma_semaphore, #tpu.memory_space<semaphore_mem>>) src(%dma_wait3A_88 : memref<120x128xf32, #tpu.memory_space<vmem>>) dst(%dma_wait3A_85 : memref<120x128xf32, #tpu.memory_space<vmem_shared>>)
      tpu.yield
    }) : () -> ()
    %barrier3A = arith.constant 0 : index
    tpu.barrier barrier_id(%barrier3A)
    %mul3A_20 = arith.constant 80 : i32
    %mul3A_21 = arith.muli %add3A, %mul3A_20 : i32
    %add3A_22 = arith.constant 0 : i32
    %add3A_23 = arith.addi %mul3A_21, %add3A_22 : i32
    "tpu.region"() ({
      %run_scoped3A = tpu.sem_alloc : memref<!tpu.dma_semaphore, #tpu.memory_space<semaphore_mem>>
      %dma_start3A = arith.constant 0 : i32
      %dma_start3A_71 = tpu.memref_slice %arg3[%add3A_23, %dma_start3A] : memref<2560x128xi32, #tpu.memory_space<hbm>> -> memref<16x128xi32, #tpu.memory_space<hbm>>
      %dma_start3A_72 = arith.constant 0 : i32
      %dma_start3A_73 = tpu.memref_slice %arg3[%add3A_23, %dma_start3A_72] : memref<2560x128xi32, #tpu.memory_space<hbm>> -> memref<16x128xi32, #tpu.memory_space<hbm>>
      tpu.enqueue_dma source(%dma_start3A_73 : memref<16x128xi32, #tpu.memory_space<hbm>>) target(%arg6 : memref<16x128xi32, #tpu.memory_space<vmem>>) target_semaphore(%run_scoped3A : memref<!tpu.dma_semaphore, #tpu.memory_space<semaphore_mem>>)
      %dma_wait3A = arith.constant 0 : i32
      %dma_wait3A_74 = tpu.memref_slice %arg3[%add3A_23, %dma_wait3A] : memref<2560x128xi32, #tpu.memory_space<hbm>> -> memref<16x128xi32, #tpu.memory_space<hbm>>
      %dma_wait3A_75 = arith.constant 0 : i32
      %dma_wait3A_76 = tpu.memref_slice %arg3[%add3A_23, %dma_wait3A_75] : memref<2560x128xi32, #tpu.memory_space<hbm>> -> memref<16x128xi32, #tpu.memory_space<hbm>>
      tpu.wait_dma2 semaphore(%run_scoped3A : memref<!tpu.dma_semaphore, #tpu.memory_space<semaphore_mem>>) src(%dma_wait3A_76 : memref<16x128xi32, #tpu.memory_space<hbm>>) dst(%arg6 : memref<16x128xi32, #tpu.memory_space<vmem>>)
      tpu.yield
    }) : () -> ()
    "tpu.region"() ({
      %run_scoped3A = tpu.sem_alloc : memref<!tpu.dma_semaphore, #tpu.memory_space<semaphore_mem>>
      %dma_start3A = arith.constant 0 : i32
      %dma_start3A_71 = tpu.memref_slice %arg4[%add3A_23, %dma_start3A] : memref<2560x128xi32, #tpu.memory_space<hbm>> -> memref<16x128xi32, #tpu.memory_space<hbm>>
      %dma_start3A_72 = arith.constant 0 : i32
      %dma_start3A_73 = tpu.memref_slice %arg4[%add3A_23, %dma_start3A_72] : memref<2560x128xi32, #tpu.memory_space<hbm>> -> memref<16x128xi32, #tpu.memory_space<hbm>>
      tpu.enqueue_dma source(%dma_start3A_73 : memref<16x128xi32, #tpu.memory_space<hbm>>) target(%arg7 : memref<16x128xi32, #tpu.memory_space<vmem>>) target_semaphore(%run_scoped3A : memref<!tpu.dma_semaphore, #tpu.memory_space<semaphore_mem>>)
      %dma_wait3A = arith.constant 0 : i32
      %dma_wait3A_74 = tpu.memref_slice %arg4[%add3A_23, %dma_wait3A] : memref<2560x128xi32, #tpu.memory_space<hbm>> -> memref<16x128xi32, #tpu.memory_space<hbm>>
      %dma_wait3A_75 = arith.constant 0 : i32
      %dma_wait3A_76 = tpu.memref_slice %arg4[%add3A_23, %dma_wait3A_75] : memref<2560x128xi32, #tpu.memory_space<hbm>> -> memref<16x128xi32, #tpu.memory_space<hbm>>
      tpu.wait_dma2 semaphore(%run_scoped3A : memref<!tpu.dma_semaphore, #tpu.memory_space<semaphore_mem>>) src(%dma_wait3A_76 : memref<16x128xi32, #tpu.memory_space<hbm>>) dst(%arg7 : memref<16x128xi32, #tpu.memory_space<vmem>>)
      tpu.yield
    }) : () -> ()
    %scan3A_24 = arith.constant 0 : i32
    %scan3A_25 = arith.constant 0 : i32
    %scan3A_26 = arith.constant 16 : i32
    %scan3A_27 = arith.addi %scan3A_25, %scan3A_26 : i32
    %scan3A_28 = arith.constant 1 : i32
    %scan3A_29 = scf.for %scan3A_71 = %scan3A_25 to %scan3A_27 step %scan3A_28 iter_args(%scan3A_72 = %scan3A_24) -> (i32)  : i32 {
      %dma_start3A = arith.constant 0 : i32
      %dma_start3A_73 = tpu.memref_slice %arg6[%scan3A_71, %dma_start3A] : memref<16x128xi32, #tpu.memory_space<vmem>> -> memref<1x128xi32, #tpu.memory_space<vmem>>
      %dma_start3A_74 = tpu.memref_squeeze %dma_start3A_73 : memref<1x128xi32, #tpu.memory_space<vmem>> -> memref<128xi32, #tpu.memory_space<vmem>>
      %dma_start3A_75 = arith.constant 0 : i32
      %dma_start3A_76 = arith.constant 0 : i32
      %dma_start3A_77 = tpu.memref_slice %arg2[%dma_start3A_75, %dma_start3A_76] : memref<10000x128xf32, #tpu.memory_space<hbm>> -> memref<10000x128xf32, #tpu.memory_space<hbm>>
      tpu.enqueue_indirect_dma source(%dma_start3A_77 : memref<10000x128xf32, #tpu.memory_space<hbm>>) target(%arg10 : memref<128x128xf32, #tpu.memory_space<vmem>>) offsets(%dma_start3A_74 : memref<128xi32, #tpu.memory_space<vmem>>) semaphore(%arg13 : memref<!tpu.dma_semaphore, #tpu.memory_space<semaphore_mem>>)
      %dma_wait3A = arith.constant 0 : i32
      %dma_wait3A_78 = tpu.memref_slice %arg6[%scan3A_71, %dma_wait3A] : memref<16x128xi32, #tpu.memory_space<vmem>> -> memref<1x128xi32, #tpu.memory_space<vmem>>
      %dma_wait3A_79 = tpu.memref_squeeze %dma_wait3A_78 : memref<1x128xi32, #tpu.memory_space<vmem>> -> memref<128xi32, #tpu.memory_space<vmem>>
      %dma_wait3A_80 = arith.constant 0 : i32
      %dma_wait3A_81 = arith.constant 0 : i32
      %dma_wait3A_82 = tpu.memref_slice %arg2[%dma_wait3A_80, %dma_wait3A_81] : memref<10000x128xf32, #tpu.memory_space<hbm>> -> memref<10000x128xf32, #tpu.memory_space<hbm>>
      tpu.wait_indirect_dma semaphore(%arg13 : memref<!tpu.dma_semaphore, #tpu.memory_space<semaphore_mem>>) src(%dma_wait3A_82 : memref<10000x128xf32, #tpu.memory_space<hbm>>) dst(%arg10 : memref<128x128xf32, #tpu.memory_space<vmem>>)
      "tpu.region"() ({
        %run_scoped3A = tpu.sem_alloc : memref<!tpu.dma_semaphore, #tpu.memory_space<semaphore_mem>>
        %dma_start3A_84 = arith.constant 0 : i32
        %dma_start3A_85 = tpu.memref_slice %arg7[%scan3A_71, %dma_start3A_84] : memref<16x128xi32, #tpu.memory_space<vmem>> -> memref<1x128xi32, #tpu.memory_space<vmem>>
        %dma_start3A_86 = tpu.memref_squeeze %dma_start3A_85 : memref<1x128xi32, #tpu.memory_space<vmem>> -> memref<128xi32, #tpu.memory_space<vmem>>
        %dma_start3A_87 = arith.constant 0 : i32
        %dma_start3A_88 = arith.constant 0 : i32
        %dma_start3A_89 = tpu.memref_slice %arg12[%dma_start3A_87, %dma_start3A_88] : memref<10112x128xf32, #tpu.memory_space<vmem_shared>> -> memref<10112x128xf32, #tpu.memory_space<vmem_shared>>
        tpu.enqueue_indirect_dma source(%arg10 : memref<128x128xf32, #tpu.memory_space<vmem>>) target(%dma_start3A_89 : memref<10112x128xf32, #tpu.memory_space<vmem_shared>>) offsets(%dma_start3A_86 : memref<128xi32, #tpu.memory_space<vmem>>) semaphore(%run_scoped3A : memref<!tpu.dma_semaphore, #tpu.memory_space<semaphore_mem>>) {add = true}
        %dma_wait3A_90 = arith.constant 0 : i32
        %dma_wait3A_91 = tpu.memref_slice %arg7[%scan3A_71, %dma_wait3A_90] : memref<16x128xi32, #tpu.memory_space<vmem>> -> memref<1x128xi32, #tpu.memory_space<vmem>>
        %dma_wait3A_92 = tpu.memref_squeeze %dma_wait3A_91 : memref<1x128xi32, #tpu.memory_space<vmem>> -> memref<128xi32, #tpu.memory_space<vmem>>
        %dma_wait3A_93 = arith.constant 0 : i32
        %dma_wait3A_94 = arith.constant 0 : i32
        %dma_wait3A_95 = tpu.memref_slice %arg12[%dma_wait3A_93, %dma_wait3A_94] : memref<10112x128xf32, #tpu.memory_space<vmem_shared>> -> memref<10112x128xf32, #tpu.memory_space<vmem_shared>>
        tpu.wait_indirect_dma semaphore(%run_scoped3A : memref<!tpu.dma_semaphore, #tpu.memory_space<semaphore_mem>>) src(%arg10 : memref<128x128xf32, #tpu.memory_space<vmem>>) dst(%dma_wait3A_95 : memref<10112x128xf32, #tpu.memory_space<vmem_shared>>)
        tpu.yield
      }) : () -> ()
      %scan3A_83 = arith.constant 0 : i32
      scf.yield %scan3A_83 : i32
    }
    %scan3A_30 = arith.constant 16 : i32
    %add3A_31 = arith.constant 16 : i32
    %add3A_32 = arith.addi %mul3A_21, %add3A_31 : i32
    "tpu.region"() ({
      %run_scoped3A = tpu.sem_alloc : memref<!tpu.dma_semaphore, #tpu.memory_space<semaphore_mem>>
      %dma_start3A = arith.constant 0 : i32
      %dma_start3A_71 = tpu.memref_slice %arg3[%add3A_32, %dma_start3A] : memref<2560x128xi32, #tpu.memory_space<hbm>> -> memref<16x128xi32, #tpu.memory_space<hbm>>
      %dma_start3A_72 = arith.constant 0 : i32
      %dma_start3A_73 = tpu.memref_slice %arg3[%add3A_32, %dma_start3A_72] : memref<2560x128xi32, #tpu.memory_space<hbm>> -> memref<16x128xi32, #tpu.memory_space<hbm>>
      tpu.enqueue_dma source(%dma_start3A_73 : memref<16x128xi32, #tpu.memory_space<hbm>>) target(%arg6 : memref<16x128xi32, #tpu.memory_space<vmem>>) target_semaphore(%run_scoped3A : memref<!tpu.dma_semaphore, #tpu.memory_space<semaphore_mem>>)
      %dma_wait3A = arith.constant 0 : i32
      %dma_wait3A_74 = tpu.memref_slice %arg3[%add3A_32, %dma_wait3A] : memref<2560x128xi32, #tpu.memory_space<hbm>> -> memref<16x128xi32, #tpu.memory_space<hbm>>
      %dma_wait3A_75 = arith.constant 0 : i32
      %dma_wait3A_76 = tpu.memref_slice %arg3[%add3A_32, %dma_wait3A_75] : memref<2560x128xi32, #tpu.memory_space<hbm>> -> memref<16x128xi32, #tpu.memory_space<hbm>>
      tpu.wait_dma2 semaphore(%run_scoped3A : memref<!tpu.dma_semaphore, #tpu.memory_space<semaphore_mem>>) src(%dma_wait3A_76 : memref<16x128xi32, #tpu.memory_space<hbm>>) dst(%arg6 : memref<16x128xi32, #tpu.memory_space<vmem>>)
      tpu.yield
    }) : () -> ()
    "tpu.region"() ({
      %run_scoped3A = tpu.sem_alloc : memref<!tpu.dma_semaphore, #tpu.memory_space<semaphore_mem>>
      %dma_start3A = arith.constant 0 : i32
      %dma_start3A_71 = tpu.memref_slice %arg4[%add3A_32, %dma_start3A] : memref<2560x128xi32, #tpu.memory_space<hbm>> -> memref<16x128xi32, #tpu.memory_space<hbm>>
      %dma_start3A_72 = arith.constant 0 : i32
      %dma_start3A_73 = tpu.memref_slice %arg4[%add3A_32, %dma_start3A_72] : memref<2560x128xi32, #tpu.memory_space<hbm>> -> memref<16x128xi32, #tpu.memory_space<hbm>>
      tpu.enqueue_dma source(%dma_start3A_73 : memref<16x128xi32, #tpu.memory_space<hbm>>) target(%arg7 : memref<16x128xi32, #tpu.memory_space<vmem>>) target_semaphore(%run_scoped3A : memref<!tpu.dma_semaphore, #tpu.memory_space<semaphore_mem>>)
      %dma_wait3A = arith.constant 0 : i32
      %dma_wait3A_74 = tpu.memref_slice %arg4[%add3A_32, %dma_wait3A] : memref<2560x128xi32, #tpu.memory_space<hbm>> -> memref<16x128xi32, #tpu.memory_space<hbm>>
      %dma_wait3A_75 = arith.constant 0 : i32
      %dma_wait3A_76 = tpu.memref_slice %arg4[%add3A_32, %dma_wait3A_75] : memref<2560x128xi32, #tpu.memory_space<hbm>> -> memref<16x128xi32, #tpu.memory_space<hbm>>
      tpu.wait_dma2 semaphore(%run_scoped3A : memref<!tpu.dma_semaphore, #tpu.memory_space<semaphore_mem>>) src(%dma_wait3A_76 : memref<16x128xi32, #tpu.memory_space<hbm>>) dst(%arg7 : memref<16x128xi32, #tpu.memory_space<vmem>>)
      tpu.yield
    }) : () -> ()
    %scan3A_33 = arith.constant 0 : i32
    %scan3A_34 = arith.constant 0 : i32
    %scan3A_35 = arith.constant 16 : i32
    %scan3A_36 = arith.addi %scan3A_34, %scan3A_35 : i32
    %scan3A_37 = arith.constant 1 : i32
    %scan3A_38 = scf.for %scan3A_71 = %scan3A_34 to %scan3A_36 step %scan3A_37 iter_args(%scan3A_72 = %scan3A_33) -> (i32)  : i32 {
      %dma_start3A = arith.constant 0 : i32
      %dma_start3A_73 = tpu.memref_slice %arg6[%scan3A_71, %dma_start3A] : memref<16x128xi32, #tpu.memory_space<vmem>> -> memref<1x128xi32, #tpu.memory_space<vmem>>
      %dma_start3A_74 = tpu.memref_squeeze %dma_start3A_73 : memref<1x128xi32, #tpu.memory_space<vmem>> -> memref<128xi32, #tpu.memory_space<vmem>>
      %dma_start3A_75 = arith.constant 0 : i32
      %dma_start3A_76 = arith.constant 0 : i32
      %dma_start3A_77 = tpu.memref_slice %arg2[%dma_start3A_75, %dma_start3A_76] : memref<10000x128xf32, #tpu.memory_space<hbm>> -> memref<10000x128xf32, #tpu.memory_space<hbm>>
      tpu.enqueue_indirect_dma source(%dma_start3A_77 : memref<10000x128xf32, #tpu.memory_space<hbm>>) target(%arg10 : memref<128x128xf32, #tpu.memory_space<vmem>>) offsets(%dma_start3A_74 : memref<128xi32, #tpu.memory_space<vmem>>) semaphore(%arg13 : memref<!tpu.dma_semaphore, #tpu.memory_space<semaphore_mem>>)
      %dma_wait3A = arith.constant 0 : i32
      %dma_wait3A_78 = tpu.memref_slice %arg6[%scan3A_71, %dma_wait3A] : memref<16x128xi32, #tpu.memory_space<vmem>> -> memref<1x128xi32, #tpu.memory_space<vmem>>
      %dma_wait3A_79 = tpu.memref_squeeze %dma_wait3A_78 : memref<1x128xi32, #tpu.memory_space<vmem>> -> memref<128xi32, #tpu.memory_space<vmem>>
      %dma_wait3A_80 = arith.constant 0 : i32
      %dma_wait3A_81 = arith.constant 0 : i32
      %dma_wait3A_82 = tpu.memref_slice %arg2[%dma_wait3A_80, %dma_wait3A_81] : memref<10000x128xf32, #tpu.memory_space<hbm>> -> memref<10000x128xf32, #tpu.memory_space<hbm>>
      tpu.wait_indirect_dma semaphore(%arg13 : memref<!tpu.dma_semaphore, #tpu.memory_space<semaphore_mem>>) src(%dma_wait3A_82 : memref<10000x128xf32, #tpu.memory_space<hbm>>) dst(%arg10 : memref<128x128xf32, #tpu.memory_space<vmem>>)
      "tpu.region"() ({
        %run_scoped3A = tpu.sem_alloc : memref<!tpu.dma_semaphore, #tpu.memory_space<semaphore_mem>>
        %dma_start3A_84 = arith.constant 0 : i32
        %dma_start3A_85 = tpu.memref_slice %arg7[%scan3A_71, %dma_start3A_84] : memref<16x128xi32, #tpu.memory_space<vmem>> -> memref<1x128xi32, #tpu.memory_space<vmem>>
        %dma_start3A_86 = tpu.memref_squeeze %dma_start3A_85 : memref<1x128xi32, #tpu.memory_space<vmem>> -> memref<128xi32, #tpu.memory_space<vmem>>
        %dma_start3A_87 = arith.constant 0 : i32
        %dma_start3A_88 = arith.constant 0 : i32
        %dma_start3A_89 = tpu.memref_slice %arg12[%dma_start3A_87, %dma_start3A_88] : memref<10112x128xf32, #tpu.memory_space<vmem_shared>> -> memref<10112x128xf32, #tpu.memory_space<vmem_shared>>
        tpu.enqueue_indirect_dma source(%arg10 : memref<128x128xf32, #tpu.memory_space<vmem>>) target(%dma_start3A_89 : memref<10112x128xf32, #tpu.memory_space<vmem_shared>>) offsets(%dma_start3A_86 : memref<128xi32, #tpu.memory_space<vmem>>) semaphore(%run_scoped3A : memref<!tpu.dma_semaphore, #tpu.memory_space<semaphore_mem>>) {add = true}
        %dma_wait3A_90 = arith.constant 0 : i32
        %dma_wait3A_91 = tpu.memref_slice %arg7[%scan3A_71, %dma_wait3A_90] : memref<16x128xi32, #tpu.memory_space<vmem>> -> memref<1x128xi32, #tpu.memory_space<vmem>>
        %dma_wait3A_92 = tpu.memref_squeeze %dma_wait3A_91 : memref<1x128xi32, #tpu.memory_space<vmem>> -> memref<128xi32, #tpu.memory_space<vmem>>
        %dma_wait3A_93 = arith.constant 0 : i32
        %dma_wait3A_94 = arith.constant 0 : i32
        %dma_wait3A_95 = tpu.memref_slice %arg12[%dma_wait3A_93, %dma_wait3A_94] : memref<10112x128xf32, #tpu.memory_space<vmem_shared>> -> memref<10112x128xf32, #tpu.memory_space<vmem_shared>>
        tpu.wait_indirect_dma semaphore(%run_scoped3A : memref<!tpu.dma_semaphore, #tpu.memory_space<semaphore_mem>>) src(%arg10 : memref<128x128xf32, #tpu.memory_space<vmem>>) dst(%dma_wait3A_95 : memref<10112x128xf32, #tpu.memory_space<vmem_shared>>)
        tpu.yield
      }) : () -> ()
      %scan3A_83 = arith.constant 0 : i32
      scf.yield %scan3A_83 : i32
    }
    %scan3A_39 = arith.constant 16 : i32
    %add3A_40 = arith.constant 32 : i32
    %add3A_41 = arith.addi %mul3A_21, %add3A_40 : i32
    "tpu.region"() ({
      %run_scoped3A = tpu.sem_alloc : memref<!tpu.dma_semaphore, #tpu.memory_space<semaphore_mem>>
      %dma_start3A = arith.constant 0 : i32
      %dma_start3A_71 = tpu.memref_slice %arg3[%add3A_41, %dma_start3A] : memref<2560x128xi32, #tpu.memory_space<hbm>> -> memref<16x128xi32, #tpu.memory_space<hbm>>
      %dma_start3A_72 = arith.constant 0 : i32
      %dma_start3A_73 = tpu.memref_slice %arg3[%add3A_41, %dma_start3A_72] : memref<2560x128xi32, #tpu.memory_space<hbm>> -> memref<16x128xi32, #tpu.memory_space<hbm>>
      tpu.enqueue_dma source(%dma_start3A_73 : memref<16x128xi32, #tpu.memory_space<hbm>>) target(%arg6 : memref<16x128xi32, #tpu.memory_space<vmem>>) target_semaphore(%run_scoped3A : memref<!tpu.dma_semaphore, #tpu.memory_space<semaphore_mem>>)
      %dma_wait3A = arith.constant 0 : i32
      %dma_wait3A_74 = tpu.memref_slice %arg3[%add3A_41, %dma_wait3A] : memref<2560x128xi32, #tpu.memory_space<hbm>> -> memref<16x128xi32, #tpu.memory_space<hbm>>
      %dma_wait3A_75 = arith.constant 0 : i32
      %dma_wait3A_76 = tpu.memref_slice %arg3[%add3A_41, %dma_wait3A_75] : memref<2560x128xi32, #tpu.memory_space<hbm>> -> memref<16x128xi32, #tpu.memory_space<hbm>>
      tpu.wait_dma2 semaphore(%run_scoped3A : memref<!tpu.dma_semaphore, #tpu.memory_space<semaphore_mem>>) src(%dma_wait3A_76 : memref<16x128xi32, #tpu.memory_space<hbm>>) dst(%arg6 : memref<16x128xi32, #tpu.memory_space<vmem>>)
      tpu.yield
    }) : () -> ()
    "tpu.region"() ({
      %run_scoped3A = tpu.sem_alloc : memref<!tpu.dma_semaphore, #tpu.memory_space<semaphore_mem>>
      %dma_start3A = arith.constant 0 : i32
      %dma_start3A_71 = tpu.memref_slice %arg4[%add3A_41, %dma_start3A] : memref<2560x128xi32, #tpu.memory_space<hbm>> -> memref<16x128xi32, #tpu.memory_space<hbm>>
      %dma_start3A_72 = arith.constant 0 : i32
      %dma_start3A_73 = tpu.memref_slice %arg4[%add3A_41, %dma_start3A_72] : memref<2560x128xi32, #tpu.memory_space<hbm>> -> memref<16x128xi32, #tpu.memory_space<hbm>>
      tpu.enqueue_dma source(%dma_start3A_73 : memref<16x128xi32, #tpu.memory_space<hbm>>) target(%arg7 : memref<16x128xi32, #tpu.memory_space<vmem>>) target_semaphore(%run_scoped3A : memref<!tpu.dma_semaphore, #tpu.memory_space<semaphore_mem>>)
      %dma_wait3A = arith.constant 0 : i32
      %dma_wait3A_74 = tpu.memref_slice %arg4[%add3A_41, %dma_wait3A] : memref<2560x128xi32, #tpu.memory_space<hbm>> -> memref<16x128xi32, #tpu.memory_space<hbm>>
      %dma_wait3A_75 = arith.constant 0 : i32
      %dma_wait3A_76 = tpu.memref_slice %arg4[%add3A_41, %dma_wait3A_75] : memref<2560x128xi32, #tpu.memory_space<hbm>> -> memref<16x128xi32, #tpu.memory_space<hbm>>
      tpu.wait_dma2 semaphore(%run_scoped3A : memref<!tpu.dma_semaphore, #tpu.memory_space<semaphore_mem>>) src(%dma_wait3A_76 : memref<16x128xi32, #tpu.memory_space<hbm>>) dst(%arg7 : memref<16x128xi32, #tpu.memory_space<vmem>>)
      tpu.yield
    }) : () -> ()
    %scan3A_42 = arith.constant 0 : i32
    %scan3A_43 = arith.constant 0 : i32
    %scan3A_44 = arith.constant 16 : i32
    %scan3A_45 = arith.addi %scan3A_43, %scan3A_44 : i32
    %scan3A_46 = arith.constant 1 : i32
    %scan3A_47 = scf.for %scan3A_71 = %scan3A_43 to %scan3A_45 step %scan3A_46 iter_args(%scan3A_72 = %scan3A_42) -> (i32)  : i32 {
      %dma_start3A = arith.constant 0 : i32
      %dma_start3A_73 = tpu.memref_slice %arg6[%scan3A_71, %dma_start3A] : memref<16x128xi32, #tpu.memory_space<vmem>> -> memref<1x128xi32, #tpu.memory_space<vmem>>
      %dma_start3A_74 = tpu.memref_squeeze %dma_start3A_73 : memref<1x128xi32, #tpu.memory_space<vmem>> -> memref<128xi32, #tpu.memory_space<vmem>>
      %dma_start3A_75 = arith.constant 0 : i32
      %dma_start3A_76 = arith.constant 0 : i32
      %dma_start3A_77 = tpu.memref_slice %arg2[%dma_start3A_75, %dma_start3A_76] : memref<10000x128xf32, #tpu.memory_space<hbm>> -> memref<10000x128xf32, #tpu.memory_space<hbm>>
      tpu.enqueue_indirect_dma source(%dma_start3A_77 : memref<10000x128xf32, #tpu.memory_space<hbm>>) target(%arg10 : memref<128x128xf32, #tpu.memory_space<vmem>>) offsets(%dma_start3A_74 : memref<128xi32, #tpu.memory_space<vmem>>) semaphore(%arg13 : memref<!tpu.dma_semaphore, #tpu.memory_space<semaphore_mem>>)
      %dma_wait3A = arith.constant 0 : i32
      %dma_wait3A_78 = tpu.memref_slice %arg6[%scan3A_71, %dma_wait3A] : memref<16x128xi32, #tpu.memory_space<vmem>> -> memref<1x128xi32, #tpu.memory_space<vmem>>
      %dma_wait3A_79 = tpu.memref_squeeze %dma_wait3A_78 : memref<1x128xi32, #tpu.memory_space<vmem>> -> memref<128xi32, #tpu.memory_space<vmem>>
      %dma_wait3A_80 = arith.constant 0 : i32
      %dma_wait3A_81 = arith.constant 0 : i32
      %dma_wait3A_82 = tpu.memref_slice %arg2[%dma_wait3A_80, %dma_wait3A_81] : memref<10000x128xf32, #tpu.memory_space<hbm>> -> memref<10000x128xf32, #tpu.memory_space<hbm>>
      tpu.wait_indirect_dma semaphore(%arg13 : memref<!tpu.dma_semaphore, #tpu.memory_space<semaphore_mem>>) src(%dma_wait3A_82 : memref<10000x128xf32, #tpu.memory_space<hbm>>) dst(%arg10 : memref<128x128xf32, #tpu.memory_space<vmem>>)
      "tpu.region"() ({
        %run_scoped3A = tpu.sem_alloc : memref<!tpu.dma_semaphore, #tpu.memory_space<semaphore_mem>>
        %dma_start3A_84 = arith.constant 0 : i32
        %dma_start3A_85 = tpu.memref_slice %arg7[%scan3A_71, %dma_start3A_84] : memref<16x128xi32, #tpu.memory_space<vmem>> -> memref<1x128xi32, #tpu.memory_space<vmem>>
        %dma_start3A_86 = tpu.memref_squeeze %dma_start3A_85 : memref<1x128xi32, #tpu.memory_space<vmem>> -> memref<128xi32, #tpu.memory_space<vmem>>
        %dma_start3A_87 = arith.constant 0 : i32
        %dma_start3A_88 = arith.constant 0 : i32
        %dma_start3A_89 = tpu.memref_slice %arg12[%dma_start3A_87, %dma_start3A_88] : memref<10112x128xf32, #tpu.memory_space<vmem_shared>> -> memref<10112x128xf32, #tpu.memory_space<vmem_shared>>
        tpu.enqueue_indirect_dma source(%arg10 : memref<128x128xf32, #tpu.memory_space<vmem>>) target(%dma_start3A_89 : memref<10112x128xf32, #tpu.memory_space<vmem_shared>>) offsets(%dma_start3A_86 : memref<128xi32, #tpu.memory_space<vmem>>) semaphore(%run_scoped3A : memref<!tpu.dma_semaphore, #tpu.memory_space<semaphore_mem>>) {add = true}
        %dma_wait3A_90 = arith.constant 0 : i32
        %dma_wait3A_91 = tpu.memref_slice %arg7[%scan3A_71, %dma_wait3A_90] : memref<16x128xi32, #tpu.memory_space<vmem>> -> memref<1x128xi32, #tpu.memory_space<vmem>>
        %dma_wait3A_92 = tpu.memref_squeeze %dma_wait3A_91 : memref<1x128xi32, #tpu.memory_space<vmem>> -> memref<128xi32, #tpu.memory_space<vmem>>
        %dma_wait3A_93 = arith.constant 0 : i32
        %dma_wait3A_94 = arith.constant 0 : i32
        %dma_wait3A_95 = tpu.memref_slice %arg12[%dma_wait3A_93, %dma_wait3A_94] : memref<10112x128xf32, #tpu.memory_space<vmem_shared>> -> memref<10112x128xf32, #tpu.memory_space<vmem_shared>>
        tpu.wait_indirect_dma semaphore(%run_scoped3A : memref<!tpu.dma_semaphore, #tpu.memory_space<semaphore_mem>>) src(%arg10 : memref<128x128xf32, #tpu.memory_space<vmem>>) dst(%dma_wait3A_95 : memref<10112x128xf32, #tpu.memory_space<vmem_shared>>)
        tpu.yield
      }) : () -> ()
      %scan3A_83 = arith.constant 0 : i32
      scf.yield %scan3A_83 : i32
    }
    %scan3A_48 = arith.constant 16 : i32
    %add3A_49 = arith.constant 48 : i32
    %add3A_50 = arith.addi %mul3A_21, %add3A_49 : i32
    "tpu.region"() ({
      %run_scoped3A = tpu.sem_alloc : memref<!tpu.dma_semaphore, #tpu.memory_space<semaphore_mem>>
      %dma_start3A = arith.constant 0 : i32
      %dma_start3A_71 = tpu.memref_slice %arg3[%add3A_50, %dma_start3A] : memref<2560x128xi32, #tpu.memory_space<hbm>> -> memref<16x128xi32, #tpu.memory_space<hbm>>
      %dma_start3A_72 = arith.constant 0 : i32
      %dma_start3A_73 = tpu.memref_slice %arg3[%add3A_50, %dma_start3A_72] : memref<2560x128xi32, #tpu.memory_space<hbm>> -> memref<16x128xi32, #tpu.memory_space<hbm>>
      tpu.enqueue_dma source(%dma_start3A_73 : memref<16x128xi32, #tpu.memory_space<hbm>>) target(%arg6 : memref<16x128xi32, #tpu.memory_space<vmem>>) target_semaphore(%run_scoped3A : memref<!tpu.dma_semaphore, #tpu.memory_space<semaphore_mem>>)
      %dma_wait3A = arith.constant 0 : i32
      %dma_wait3A_74 = tpu.memref_slice %arg3[%add3A_50, %dma_wait3A] : memref<2560x128xi32, #tpu.memory_space<hbm>> -> memref<16x128xi32, #tpu.memory_space<hbm>>
      %dma_wait3A_75 = arith.constant 0 : i32
      %dma_wait3A_76 = tpu.memref_slice %arg3[%add3A_50, %dma_wait3A_75] : memref<2560x128xi32, #tpu.memory_space<hbm>> -> memref<16x128xi32, #tpu.memory_space<hbm>>
      tpu.wait_dma2 semaphore(%run_scoped3A : memref<!tpu.dma_semaphore, #tpu.memory_space<semaphore_mem>>) src(%dma_wait3A_76 : memref<16x128xi32, #tpu.memory_space<hbm>>) dst(%arg6 : memref<16x128xi32, #tpu.memory_space<vmem>>)
      tpu.yield
    }) : () -> ()
    "tpu.region"() ({
      %run_scoped3A = tpu.sem_alloc : memref<!tpu.dma_semaphore, #tpu.memory_space<semaphore_mem>>
      %dma_start3A = arith.constant 0 : i32
      %dma_start3A_71 = tpu.memref_slice %arg4[%add3A_50, %dma_start3A] : memref<2560x128xi32, #tpu.memory_space<hbm>> -> memref<16x128xi32, #tpu.memory_space<hbm>>
      %dma_start3A_72 = arith.constant 0 : i32
      %dma_start3A_73 = tpu.memref_slice %arg4[%add3A_50, %dma_start3A_72] : memref<2560x128xi32, #tpu.memory_space<hbm>> -> memref<16x128xi32, #tpu.memory_space<hbm>>
      tpu.enqueue_dma source(%dma_start3A_73 : memref<16x128xi32, #tpu.memory_space<hbm>>) target(%arg7 : memref<16x128xi32, #tpu.memory_space<vmem>>) target_semaphore(%run_scoped3A : memref<!tpu.dma_semaphore, #tpu.memory_space<semaphore_mem>>)
      %dma_wait3A = arith.constant 0 : i32
      %dma_wait3A_74 = tpu.memref_slice %arg4[%add3A_50, %dma_wait3A] : memref<2560x128xi32, #tpu.memory_space<hbm>> -> memref<16x128xi32, #tpu.memory_space<hbm>>
      %dma_wait3A_75 = arith.constant 0 : i32
      %dma_wait3A_76 = tpu.memref_slice %arg4[%add3A_50, %dma_wait3A_75] : memref<2560x128xi32, #tpu.memory_space<hbm>> -> memref<16x128xi32, #tpu.memory_space<hbm>>
      tpu.wait_dma2 semaphore(%run_scoped3A : memref<!tpu.dma_semaphore, #tpu.memory_space<semaphore_mem>>) src(%dma_wait3A_76 : memref<16x128xi32, #tpu.memory_space<hbm>>) dst(%arg7 : memref<16x128xi32, #tpu.memory_space<vmem>>)
      tpu.yield
    }) : () -> ()
    %scan3A_51 = arith.constant 0 : i32
    %scan3A_52 = arith.constant 0 : i32
    %scan3A_53 = arith.constant 16 : i32
    %scan3A_54 = arith.addi %scan3A_52, %scan3A_53 : i32
    %scan3A_55 = arith.constant 1 : i32
    %scan3A_56 = scf.for %scan3A_71 = %scan3A_52 to %scan3A_54 step %scan3A_55 iter_args(%scan3A_72 = %scan3A_51) -> (i32)  : i32 {
      %dma_start3A = arith.constant 0 : i32
      %dma_start3A_73 = tpu.memref_slice %arg6[%scan3A_71, %dma_start3A] : memref<16x128xi32, #tpu.memory_space<vmem>> -> memref<1x128xi32, #tpu.memory_space<vmem>>
      %dma_start3A_74 = tpu.memref_squeeze %dma_start3A_73 : memref<1x128xi32, #tpu.memory_space<vmem>> -> memref<128xi32, #tpu.memory_space<vmem>>
      %dma_start3A_75 = arith.constant 0 : i32
      %dma_start3A_76 = arith.constant 0 : i32
      %dma_start3A_77 = tpu.memref_slice %arg2[%dma_start3A_75, %dma_start3A_76] : memref<10000x128xf32, #tpu.memory_space<hbm>> -> memref<10000x128xf32, #tpu.memory_space<hbm>>
      tpu.enqueue_indirect_dma source(%dma_start3A_77 : memref<10000x128xf32, #tpu.memory_space<hbm>>) target(%arg10 : memref<128x128xf32, #tpu.memory_space<vmem>>) offsets(%dma_start3A_74 : memref<128xi32, #tpu.memory_space<vmem>>) semaphore(%arg13 : memref<!tpu.dma_semaphore, #tpu.memory_space<semaphore_mem>>)
      %dma_wait3A = arith.constant 0 : i32
      %dma_wait3A_78 = tpu.memref_slice %arg6[%scan3A_71, %dma_wait3A] : memref<16x128xi32, #tpu.memory_space<vmem>> -> memref<1x128xi32, #tpu.memory_space<vmem>>
      %dma_wait3A_79 = tpu.memref_squeeze %dma_wait3A_78 : memref<1x128xi32, #tpu.memory_space<vmem>> -> memref<128xi32, #tpu.memory_space<vmem>>
      %dma_wait3A_80 = arith.constant 0 : i32
      %dma_wait3A_81 = arith.constant 0 : i32
      %dma_wait3A_82 = tpu.memref_slice %arg2[%dma_wait3A_80, %dma_wait3A_81] : memref<10000x128xf32, #tpu.memory_space<hbm>> -> memref<10000x128xf32, #tpu.memory_space<hbm>>
      tpu.wait_indirect_dma semaphore(%arg13 : memref<!tpu.dma_semaphore, #tpu.memory_space<semaphore_mem>>) src(%dma_wait3A_82 : memref<10000x128xf32, #tpu.memory_space<hbm>>) dst(%arg10 : memref<128x128xf32, #tpu.memory_space<vmem>>)
      "tpu.region"() ({
        %run_scoped3A = tpu.sem_alloc : memref<!tpu.dma_semaphore, #tpu.memory_space<semaphore_mem>>
        %dma_start3A_84 = arith.constant 0 : i32
        %dma_start3A_85 = tpu.memref_slice %arg7[%scan3A_71, %dma_start3A_84] : memref<16x128xi32, #tpu.memory_space<vmem>> -> memref<1x128xi32, #tpu.memory_space<vmem>>
        %dma_start3A_86 = tpu.memref_squeeze %dma_start3A_85 : memref<1x128xi32, #tpu.memory_space<vmem>> -> memref<128xi32, #tpu.memory_space<vmem>>
        %dma_start3A_87 = arith.constant 0 : i32
        %dma_start3A_88 = arith.constant 0 : i32
        %dma_start3A_89 = tpu.memref_slice %arg12[%dma_start3A_87, %dma_start3A_88] : memref<10112x128xf32, #tpu.memory_space<vmem_shared>> -> memref<10112x128xf32, #tpu.memory_space<vmem_shared>>
        tpu.enqueue_indirect_dma source(%arg10 : memref<128x128xf32, #tpu.memory_space<vmem>>) target(%dma_start3A_89 : memref<10112x128xf32, #tpu.memory_space<vmem_shared>>) offsets(%dma_start3A_86 : memref<128xi32, #tpu.memory_space<vmem>>) semaphore(%run_scoped3A : memref<!tpu.dma_semaphore, #tpu.memory_space<semaphore_mem>>) {add = true}
        %dma_wait3A_90 = arith.constant 0 : i32
        %dma_wait3A_91 = tpu.memref_slice %arg7[%scan3A_71, %dma_wait3A_90] : memref<16x128xi32, #tpu.memory_space<vmem>> -> memref<1x128xi32, #tpu.memory_space<vmem>>
        %dma_wait3A_92 = tpu.memref_squeeze %dma_wait3A_91 : memref<1x128xi32, #tpu.memory_space<vmem>> -> memref<128xi32, #tpu.memory_space<vmem>>
        %dma_wait3A_93 = arith.constant 0 : i32
        %dma_wait3A_94 = arith.constant 0 : i32
        %dma_wait3A_95 = tpu.memref_slice %arg12[%dma_wait3A_93, %dma_wait3A_94] : memref<10112x128xf32, #tpu.memory_space<vmem_shared>> -> memref<10112x128xf32, #tpu.memory_space<vmem_shared>>
        tpu.wait_indirect_dma semaphore(%run_scoped3A : memref<!tpu.dma_semaphore, #tpu.memory_space<semaphore_mem>>) src(%arg10 : memref<128x128xf32, #tpu.memory_space<vmem>>) dst(%dma_wait3A_95 : memref<10112x128xf32, #tpu.memory_space<vmem_shared>>)
        tpu.yield
      }) : () -> ()
      %scan3A_83 = arith.constant 0 : i32
      scf.yield %scan3A_83 : i32
    }
    %scan3A_57 = arith.constant 16 : i32
    %add3A_58 = arith.constant 64 : i32
    %add3A_59 = arith.addi %mul3A_21, %add3A_58 : i32
    "tpu.region"() ({
      %run_scoped3A = tpu.sem_alloc : memref<!tpu.dma_semaphore, #tpu.memory_space<semaphore_mem>>
      %dma_start3A = arith.constant 0 : i32
      %dma_start3A_71 = tpu.memref_slice %arg3[%add3A_59, %dma_start3A] : memref<2560x128xi32, #tpu.memory_space<hbm>> -> memref<16x128xi32, #tpu.memory_space<hbm>>
      %dma_start3A_72 = arith.constant 0 : i32
      %dma_start3A_73 = tpu.memref_slice %arg3[%add3A_59, %dma_start3A_72] : memref<2560x128xi32, #tpu.memory_space<hbm>> -> memref<16x128xi32, #tpu.memory_space<hbm>>
      tpu.enqueue_dma source(%dma_start3A_73 : memref<16x128xi32, #tpu.memory_space<hbm>>) target(%arg6 : memref<16x128xi32, #tpu.memory_space<vmem>>) target_semaphore(%run_scoped3A : memref<!tpu.dma_semaphore, #tpu.memory_space<semaphore_mem>>)
      %dma_wait3A = arith.constant 0 : i32
      %dma_wait3A_74 = tpu.memref_slice %arg3[%add3A_59, %dma_wait3A] : memref<2560x128xi32, #tpu.memory_space<hbm>> -> memref<16x128xi32, #tpu.memory_space<hbm>>
      %dma_wait3A_75 = arith.constant 0 : i32
      %dma_wait3A_76 = tpu.memref_slice %arg3[%add3A_59, %dma_wait3A_75] : memref<2560x128xi32, #tpu.memory_space<hbm>> -> memref<16x128xi32, #tpu.memory_space<hbm>>
      tpu.wait_dma2 semaphore(%run_scoped3A : memref<!tpu.dma_semaphore, #tpu.memory_space<semaphore_mem>>) src(%dma_wait3A_76 : memref<16x128xi32, #tpu.memory_space<hbm>>) dst(%arg6 : memref<16x128xi32, #tpu.memory_space<vmem>>)
      tpu.yield
    }) : () -> ()
    "tpu.region"() ({
      %run_scoped3A = tpu.sem_alloc : memref<!tpu.dma_semaphore, #tpu.memory_space<semaphore_mem>>
      %dma_start3A = arith.constant 0 : i32
      %dma_start3A_71 = tpu.memref_slice %arg4[%add3A_59, %dma_start3A] : memref<2560x128xi32, #tpu.memory_space<hbm>> -> memref<16x128xi32, #tpu.memory_space<hbm>>
      %dma_start3A_72 = arith.constant 0 : i32
      %dma_start3A_73 = tpu.memref_slice %arg4[%add3A_59, %dma_start3A_72] : memref<2560x128xi32, #tpu.memory_space<hbm>> -> memref<16x128xi32, #tpu.memory_space<hbm>>
      tpu.enqueue_dma source(%dma_start3A_73 : memref<16x128xi32, #tpu.memory_space<hbm>>) target(%arg7 : memref<16x128xi32, #tpu.memory_space<vmem>>) target_semaphore(%run_scoped3A : memref<!tpu.dma_semaphore, #tpu.memory_space<semaphore_mem>>)
      %dma_wait3A = arith.constant 0 : i32
      %dma_wait3A_74 = tpu.memref_slice %arg4[%add3A_59, %dma_wait3A] : memref<2560x128xi32, #tpu.memory_space<hbm>> -> memref<16x128xi32, #tpu.memory_space<hbm>>
      %dma_wait3A_75 = arith.constant 0 : i32
      %dma_wait3A_76 = tpu.memref_slice %arg4[%add3A_59, %dma_wait3A_75] : memref<2560x128xi32, #tpu.memory_space<hbm>> -> memref<16x128xi32, #tpu.memory_space<hbm>>
      tpu.wait_dma2 semaphore(%run_scoped3A : memref<!tpu.dma_semaphore, #tpu.memory_space<semaphore_mem>>) src(%dma_wait3A_76 : memref<16x128xi32, #tpu.memory_space<hbm>>) dst(%arg7 : memref<16x128xi32, #tpu.memory_space<vmem>>)
      tpu.yield
    }) : () -> ()
    %scan3A_60 = arith.constant 0 : i32
    %scan3A_61 = arith.constant 0 : i32
    %scan3A_62 = arith.constant 16 : i32
    %scan3A_63 = arith.addi %scan3A_61, %scan3A_62 : i32
    %scan3A_64 = arith.constant 1 : i32
    %scan3A_65 = scf.for %scan3A_71 = %scan3A_61 to %scan3A_63 step %scan3A_64 iter_args(%scan3A_72 = %scan3A_60) -> (i32)  : i32 {
      %dma_start3A = arith.constant 0 : i32
      %dma_start3A_73 = tpu.memref_slice %arg6[%scan3A_71, %dma_start3A] : memref<16x128xi32, #tpu.memory_space<vmem>> -> memref<1x128xi32, #tpu.memory_space<vmem>>
      %dma_start3A_74 = tpu.memref_squeeze %dma_start3A_73 : memref<1x128xi32, #tpu.memory_space<vmem>> -> memref<128xi32, #tpu.memory_space<vmem>>
      %dma_start3A_75 = arith.constant 0 : i32
      %dma_start3A_76 = arith.constant 0 : i32
      %dma_start3A_77 = tpu.memref_slice %arg2[%dma_start3A_75, %dma_start3A_76] : memref<10000x128xf32, #tpu.memory_space<hbm>> -> memref<10000x128xf32, #tpu.memory_space<hbm>>
      tpu.enqueue_indirect_dma source(%dma_start3A_77 : memref<10000x128xf32, #tpu.memory_space<hbm>>) target(%arg10 : memref<128x128xf32, #tpu.memory_space<vmem>>) offsets(%dma_start3A_74 : memref<128xi32, #tpu.memory_space<vmem>>) semaphore(%arg13 : memref<!tpu.dma_semaphore, #tpu.memory_space<semaphore_mem>>)
      %dma_wait3A = arith.constant 0 : i32
      %dma_wait3A_78 = tpu.memref_slice %arg6[%scan3A_71, %dma_wait3A] : memref<16x128xi32, #tpu.memory_space<vmem>> -> memref<1x128xi32, #tpu.memory_space<vmem>>
      %dma_wait3A_79 = tpu.memref_squeeze %dma_wait3A_78 : memref<1x128xi32, #tpu.memory_space<vmem>> -> memref<128xi32, #tpu.memory_space<vmem>>
      %dma_wait3A_80 = arith.constant 0 : i32
      %dma_wait3A_81 = arith.constant 0 : i32
      %dma_wait3A_82 = tpu.memref_slice %arg2[%dma_wait3A_80, %dma_wait3A_81] : memref<10000x128xf32, #tpu.memory_space<hbm>> -> memref<10000x128xf32, #tpu.memory_space<hbm>>
      tpu.wait_indirect_dma semaphore(%arg13 : memref<!tpu.dma_semaphore, #tpu.memory_space<semaphore_mem>>) src(%dma_wait3A_82 : memref<10000x128xf32, #tpu.memory_space<hbm>>) dst(%arg10 : memref<128x128xf32, #tpu.memory_space<vmem>>)
      "tpu.region"() ({
        %run_scoped3A = tpu.sem_alloc : memref<!tpu.dma_semaphore, #tpu.memory_space<semaphore_mem>>
        %dma_start3A_84 = arith.constant 0 : i32
        %dma_start3A_85 = tpu.memref_slice %arg7[%scan3A_71, %dma_start3A_84] : memref<16x128xi32, #tpu.memory_space<vmem>> -> memref<1x128xi32, #tpu.memory_space<vmem>>
        %dma_start3A_86 = tpu.memref_squeeze %dma_start3A_85 : memref<1x128xi32, #tpu.memory_space<vmem>> -> memref<128xi32, #tpu.memory_space<vmem>>
        %dma_start3A_87 = arith.constant 0 : i32
        %dma_start3A_88 = arith.constant 0 : i32
        %dma_start3A_89 = tpu.memref_slice %arg12[%dma_start3A_87, %dma_start3A_88] : memref<10112x128xf32, #tpu.memory_space<vmem_shared>> -> memref<10112x128xf32, #tpu.memory_space<vmem_shared>>
        tpu.enqueue_indirect_dma source(%arg10 : memref<128x128xf32, #tpu.memory_space<vmem>>) target(%dma_start3A_89 : memref<10112x128xf32, #tpu.memory_space<vmem_shared>>) offsets(%dma_start3A_86 : memref<128xi32, #tpu.memory_space<vmem>>) semaphore(%run_scoped3A : memref<!tpu.dma_semaphore, #tpu.memory_space<semaphore_mem>>) {add = true}
        %dma_wait3A_90 = arith.constant 0 : i32
        %dma_wait3A_91 = tpu.memref_slice %arg7[%scan3A_71, %dma_wait3A_90] : memref<16x128xi32, #tpu.memory_space<vmem>> -> memref<1x128xi32, #tpu.memory_space<vmem>>
        %dma_wait3A_92 = tpu.memref_squeeze %dma_wait3A_91 : memref<1x128xi32, #tpu.memory_space<vmem>> -> memref<128xi32, #tpu.memory_space<vmem>>
        %dma_wait3A_93 = arith.constant 0 : i32
        %dma_wait3A_94 = arith.constant 0 : i32
        %dma_wait3A_95 = tpu.memref_slice %arg12[%dma_wait3A_93, %dma_wait3A_94] : memref<10112x128xf32, #tpu.memory_space<vmem_shared>> -> memref<10112x128xf32, #tpu.memory_space<vmem_shared>>
        tpu.wait_indirect_dma semaphore(%run_scoped3A : memref<!tpu.dma_semaphore, #tpu.memory_space<semaphore_mem>>) src(%arg10 : memref<128x128xf32, #tpu.memory_space<vmem>>) dst(%dma_wait3A_95 : memref<10112x128xf32, #tpu.memory_space<vmem_shared>>)
        tpu.yield
      }) : () -> ()
      %scan3A_83 = arith.constant 0 : i32
      scf.yield %scan3A_83 : i32
    }
    %scan3A_66 = arith.constant 16 : i32
    %barrier3A_67 = arith.constant 0 : index
    tpu.barrier barrier_id(%barrier3A_67)
    %mul3A_68 = arith.constant 10112 : i32
    %mul3A_69 = arith.muli %arg0, %mul3A_68 : i32
    %add3A_70 = arith.addi %mul3A_69, %mul3A_2 : i32
    "tpu.region"() ({
      %run_scoped3A = tpu.sem_alloc : memref<!tpu.dma_semaphore, #tpu.memory_space<semaphore_mem>>
      %dma_start3A = arith.constant 0 : i32
      %dma_start3A_71 = tpu.memref_slice %arg5[%add3A_70, %dma_start3A] : memref<20224x128xf32, #tpu.memory_space<hbm>> -> memref<632x128xf32, #tpu.memory_space<hbm>>
      %dma_start3A_72 = arith.constant 0 : i32
      %dma_start3A_73 = tpu.memref_slice %arg12[%mul3A_2, %dma_start3A_72] : memref<10112x128xf32, #tpu.memory_space<vmem_shared>> -> memref<632x128xf32, #tpu.memory_space<vmem_shared>>
      tpu.enqueue_dma source(%dma_start3A_73 : memref<632x128xf32, #tpu.memory_space<vmem_shared>>) target(%dma_start3A_71 : memref<632x128xf32, #tpu.memory_space<hbm>>) target_semaphore(%run_scoped3A : memref<!tpu.dma_semaphore, #tpu.memory_space<semaphore_mem>>)
      %dma_wait3A = arith.constant 0 : i32
      %dma_wait3A_74 = tpu.memref_slice %arg5[%add3A_70, %dma_wait3A] : memref<20224x128xf32, #tpu.memory_space<hbm>> -> memref<632x128xf32, #tpu.memory_space<hbm>>
      %dma_wait3A_75 = arith.constant 0 : i32
      %dma_wait3A_76 = tpu.memref_slice %arg12[%mul3A_2, %dma_wait3A_75] : memref<10112x128xf32, #tpu.memory_space<vmem_shared>> -> memref<632x128xf32, #tpu.memory_space<vmem_shared>>
      tpu.wait_dma2 semaphore(%run_scoped3A : memref<!tpu.dma_semaphore, #tpu.memory_space<semaphore_mem>>) src(%dma_wait3A_76 : memref<632x128xf32, #tpu.memory_space<vmem_shared>>) dst(%dma_wait3A_74 : memref<632x128xf32, #tpu.memory_space<hbm>>)
      tpu.yield
    }) : () -> ()
    return
  }
}

module attributes {stable_mosaic.version = 14 : i64} {
  func.func @_mm_body(%arg0: i32, %arg1: memref<1000x128xf32, #tpu.memory_space<vmem>>, %arg2: memref<128x128xf32, #tpu.memory_space<vmem>>, %arg3: memref<1000x128xf32, #tpu.memory_space<vmem>>) attributes {dimension_semantics = [#tpu.dimension_semantics<arbitrary>], iteration_bounds = array<i64: 10>, scalar_prefetch = 0 : i64, scratch_operands = 0 : i64, tpu.core_type = #tpu.core_type<tc>, window_params = [{transform_indices = @transform_0, window_bounds = array<i64: 1000, 128>}, {pipeline_mode = #tpu.pipeline_mode<synchronous>, transform_indices = @transform_1, window_bounds = array<i64: 128, 128>}, {transform_indices = @transform_2, window_bounds = array<i64: 1000, 128>}]} {
    %get3A = arith.constant 0 : index
    %get3A_0 = arith.constant 0 : index
    %get3A_1 = vector.load %arg1[%get3A, %get3A_0] : memref<1000x128xf32, #tpu.memory_space<vmem>>, vector<1000x128xf32>
    %get3A_2 = arith.constant 0 : index
    %get3A_3 = arith.constant 0 : index
    %get3A_4 = vector.load %arg2[%get3A_2, %get3A_3] : memref<128x128xf32, #tpu.memory_space<vmem>>, vector<128x128xf32>
    %dot_general3A = arith.constant dense<0.000000e+00> : vector<1000x128xf32>
    %dot_general3A_5 = tpu.matmul %get3A_1, %get3A_4, %dot_general3A {dimension_numbers = #tpu.dot_dimension_numbers<[1], [0], [0], [1], [0, 0, 1, 1], [], []>, transpose_lhs_hint = false} : vector<1000x128xf32>, vector<128x128xf32>, vector<1000x128xf32> -> vector<1000x128xf32>
    %swap3A = arith.constant 0 : index
    %swap3A_6 = arith.constant 0 : index
    %swap3A_7 = vector.load %arg3[%swap3A, %swap3A_6] : memref<1000x128xf32, #tpu.memory_space<vmem>>, vector<1000x128xf32>
    tpu.vector_store %arg3[%swap3A, %swap3A_6], %dot_general3A_5 {strides = array<i32>} : memref<1000x128xf32, #tpu.memory_space<vmem>>, vector<1000x128xf32>,
    return
  }
  func.func @transform_0(%arg0: i32) -> (i32, i32) {
    %c0_i32 = arith.constant 0 : i32
    %c0_i32_0 = arith.constant 0 : i32
    return %arg0, %c0_i32 : i32, i32
  }
  func.func @transform_1(%arg0: i32) -> (i32, i32) {
    %c0_i32 = arith.constant 0 : i32
    %c0_i32_0 = arith.constant 0 : i32
    %c0_i32_1 = arith.constant 0 : i32
    return %c0_i32, %c0_i32_0 : i32, i32
  }
  func.func @transform_2(%arg0: i32) -> (i32, i32) {
    %c0_i32 = arith.constant 0 : i32
    %c0_i32_0 = arith.constant 0 : i32
    return %arg0, %c0_i32 : i32, i32
  }
}

module attributes {stable_mosaic.version = 14 : i64} {
  func.func @_combine1_body(%arg0: i32, %arg1: memref<2x1000x128xf32, #tpu.memory_space<vmem>>, %arg2: memref<1000x128xf32, #tpu.memory_space<vmem>>, %arg3: memref<2x1000x128xf32, #tpu.memory_space<vmem>>, %arg4: memref<1x128xf32, #tpu.memory_space<vmem>>, %arg5: memref<128x128xf32, #tpu.memory_space<vmem>>, %arg6: memref<1000x128xf32, #tpu.memory_space<vmem>>, %arg7: memref<1000x128xf32, #tpu.memory_space<vmem>>) attributes {dimension_semantics = [#tpu.dimension_semantics<arbitrary>], iteration_bounds = array<i64: 10>, scalar_prefetch = 0 : i64, scratch_operands = 0 : i64, tpu.core_type = #tpu.core_type<tc>, window_params = [{transform_indices = @transform_0, window_bounds = array<i64: 2, 1000, 128>}, {transform_indices = @transform_1, window_bounds = array<i64: 1000, 128>}, {transform_indices = @transform_2, window_bounds = array<i64: 2, 1000, 128>}, {pipeline_mode = #tpu.pipeline_mode<synchronous>, transform_indices = @transform_3, window_bounds = array<i64: 1, 128>}, {pipeline_mode = #tpu.pipeline_mode<synchronous>, transform_indices = @transform_4, window_bounds = array<i64: 128, 128>}, {transform_indices = @transform_5, window_bounds = array<i64: 1000, 128>}, {transform_indices = @transform_6, window_bounds = array<i64: 1000, 128>}]} {
    %get3A = arith.constant 0 : index
    %get3A_0 = arith.constant 0 : index
    %get3A_1 = arith.constant 0 : index
    %get3A_2 = vector.load %arg1[%get3A, %get3A_0, %get3A_1] : memref<2x1000x128xf32, #tpu.memory_space<vmem>>, vector<1x1000x128xf32>
    %get3A_3 = vector.shape_cast %get3A_2 : vector<1x1000x128xf32> to vector<1000x128xf32>
    %get3A_4 = arith.constant 1 : index
    %get3A_5 = arith.constant 0 : index
    %get3A_6 = arith.constant 0 : index
    %get3A_7 = vector.load %arg1[%get3A_4, %get3A_5, %get3A_6] : memref<2x1000x128xf32, #tpu.memory_space<vmem>>, vector<1x1000x128xf32>
    %get3A_8 = vector.shape_cast %get3A_7 : vector<1x1000x128xf32> to vector<1000x128xf32>
    %add3A = arith.addf %get3A_3, %get3A_8 : vector<1000x128xf32>
    %get3A_9 = arith.constant 0 : index
    %get3A_10 = arith.constant 0 : index
    %get3A_11 = arith.constant 0 : index
    %get3A_12 = vector.load %arg3[%get3A_9, %get3A_10, %get3A_11] : memref<2x1000x128xf32, #tpu.memory_space<vmem>>, vector<1x1000x1xf32>
    %get3A_13 = vector.shape_cast %get3A_12 : vector<1x1000x1xf32> to vector<1000x1xf32>
    %get3A_14 = arith.constant 1 : index
    %get3A_15 = arith.constant 0 : index
    %get3A_16 = arith.constant 0 : index
    %get3A_17 = vector.load %arg3[%get3A_14, %get3A_15, %get3A_16] : memref<2x1000x128xf32, #tpu.memory_space<vmem>>, vector<1x1000x1xf32>
    %get3A_18 = vector.shape_cast %get3A_17 : vector<1x1000x1xf32> to vector<1000x1xf32>
    %add3A_19 = arith.addf %get3A_13, %get3A_18 : vector<1000x1xf32>
    %get3A_20 = arith.constant 0 : index
    %get3A_21 = arith.constant 0 : index
    %get3A_22 = vector.load %arg2[%get3A_20, %get3A_21] : memref<1000x128xf32, #tpu.memory_space<vmem>>, vector<1000x128xf32>
    %add3A_23 = arith.addf %add3A, %get3A_22 : vector<1000x128xf32>
    %add3A_24 = arith.constant 1.000000e+00 : f32
    %add3A_25 = vector.broadcast %add3A_24 : f32 to vector<1000x1xf32>
    %add3A_26 = arith.addf %add3A_19, %add3A_25 : vector<1000x1xf32>
    %div3A = vector.broadcast %add3A_26 : vector<1000x1xf32> to vector<1000x128xf32>
    %div3A_27 = arith.divf %add3A_23, %div3A : vector<1000x128xf32>
    %get3A_28 = arith.constant 0 : index
    %get3A_29 = arith.constant 0 : index
    %get3A_30 = vector.load %arg4[%get3A_28, %get3A_29] : memref<1x128xf32, #tpu.memory_space<vmem>>, vector<1x128xf32>
    %add3A_31 = vector.broadcast %get3A_30 : vector<1x128xf32> to vector<1000x128xf32>
    %add3A_32 = arith.addf %div3A_27, %add3A_31 : vector<1000x128xf32>
    %max3A = arith.constant 0.000000e+00 : f32
    %max3A_33 = vector.broadcast %max3A : f32 to vector<1000x128xf32>
    %max3A_34 = arith.maximumf %add3A_32, %max3A_33 : vector<1000x128xf32>
    %swap3A = arith.constant 0 : index
    %swap3A_35 = arith.constant 0 : index
    %swap3A_36 = vector.load %arg6[%swap3A, %swap3A_35] : memref<1000x128xf32, #tpu.memory_space<vmem>>, vector<1000x128xf32>
    tpu.vector_store %arg6[%swap3A, %swap3A_35], %max3A_34 {strides = array<i32>} : memref<1000x128xf32, #tpu.memory_space<vmem>>, vector<1000x128xf32>,
    %get3A_37 = arith.constant 0 : index
    %get3A_38 = arith.constant 0 : index
    %get3A_39 = vector.load %arg5[%get3A_37, %get3A_38] : memref<128x128xf32, #tpu.memory_space<vmem>>, vector<128x128xf32>
    %dot_general3A = arith.constant dense<0.000000e+00> : vector<1000x128xf32>
    %dot_general3A_40 = tpu.matmul %max3A_34, %get3A_39, %dot_general3A {dimension_numbers = #tpu.dot_dimension_numbers<[1], [0], [0], [1], [0, 0, 1, 1], [], []>, transpose_lhs_hint = false} : vector<1000x128xf32>, vector<128x128xf32>, vector<1000x128xf32> -> vector<1000x128xf32>
    %swap3A_41 = arith.constant 0 : index
    %swap3A_42 = arith.constant 0 : index
    %swap3A_43 = vector.load %arg7[%swap3A_41, %swap3A_42] : memref<1000x128xf32, #tpu.memory_space<vmem>>, vector<1000x128xf32>
    tpu.vector_store %arg7[%swap3A_41, %swap3A_42], %dot_general3A_40 {strides = array<i32>} : memref<1000x128xf32, #tpu.memory_space<vmem>>, vector<1000x128xf32>,
    return
  }
  func.func @transform_0(%arg0: i32) -> (i32, i32, i32) {
    %c0_i32 = arith.constant 0 : i32
    %c0_i32_0 = arith.constant 0 : i32
    %c0_i32_1 = arith.constant 0 : i32
    return %c0_i32, %arg0, %c0_i32_0 : i32, i32, i32
  }
  func.func @transform_1(%arg0: i32) -> (i32, i32) {
    %c0_i32 = arith.constant 0 : i32
    %c0_i32_0 = arith.constant 0 : i32
    return %arg0, %c0_i32 : i32, i32
  }
  func.func @transform_2(%arg0: i32) -> (i32, i32, i32) {
    %c0_i32 = arith.constant 0 : i32
    %c0_i32_0 = arith.constant 0 : i32
    %c0_i32_1 = arith.constant 0 : i32
    return %c0_i32, %arg0, %c0_i32_0 : i32, i32, i32
  }
  func.func @transform_3(%arg0: i32) -> (i32, i32) {
    %c0_i32 = arith.constant 0 : i32
    %c0_i32_0 = arith.constant 0 : i32
    %c0_i32_1 = arith.constant 0 : i32
    return %c0_i32, %c0_i32_0 : i32, i32
  }
  func.func @transform_4(%arg0: i32) -> (i32, i32) {
    %c0_i32 = arith.constant 0 : i32
    %c0_i32_0 = arith.constant 0 : i32
    %c0_i32_1 = arith.constant 0 : i32
    return %c0_i32, %c0_i32_0 : i32, i32
  }
  func.func @transform_5(%arg0: i32) -> (i32, i32) {
    %c0_i32 = arith.constant 0 : i32
    %c0_i32_0 = arith.constant 0 : i32
    return %arg0, %c0_i32 : i32, i32
  }
  func.func @transform_6(%arg0: i32) -> (i32, i32) {
    %c0_i32 = arith.constant 0 : i32
    %c0_i32_0 = arith.constant 0 : i32
    return %arg0, %c0_i32 : i32, i32
  }
}

module attributes {stable_mosaic.version = 14 : i64} {
  func.func @_final_body(%arg0: i32, %arg1: memref<2x1000x128xf32, #tpu.memory_space<vmem>>, %arg2: memref<1000x128xf32, #tpu.memory_space<vmem>>, %arg3: memref<2x1000x128xf32, #tpu.memory_space<vmem>>, %arg4: memref<1x128xf32, #tpu.memory_space<vmem>>, %arg5: memref<1000x128xf32, #tpu.memory_space<vmem>>) attributes {dimension_semantics = [#tpu.dimension_semantics<arbitrary>], iteration_bounds = array<i64: 10>, scalar_prefetch = 0 : i64, scratch_operands = 0 : i64, tpu.core_type = #tpu.core_type<tc>, window_params = [{transform_indices = @transform_0, window_bounds = array<i64: 2, 1000, 128>}, {transform_indices = @transform_1, window_bounds = array<i64: 1000, 128>}, {transform_indices = @transform_2, window_bounds = array<i64: 2, 1000, 128>}, {pipeline_mode = #tpu.pipeline_mode<synchronous>, transform_indices = @transform_3, window_bounds = array<i64: 1, 128>}, {transform_indices = @transform_4, window_bounds = array<i64: 1000, 128>}]} {
    %get3A = arith.constant 0 : index
    %get3A_0 = arith.constant 0 : index
    %get3A_1 = arith.constant 0 : index
    %get3A_2 = vector.load %arg1[%get3A, %get3A_0, %get3A_1] : memref<2x1000x128xf32, #tpu.memory_space<vmem>>, vector<1x1000x128xf32>
    %get3A_3 = vector.shape_cast %get3A_2 : vector<1x1000x128xf32> to vector<1000x128xf32>
    %get3A_4 = arith.constant 1 : index
    %get3A_5 = arith.constant 0 : index
    %get3A_6 = arith.constant 0 : index
    %get3A_7 = vector.load %arg1[%get3A_4, %get3A_5, %get3A_6] : memref<2x1000x128xf32, #tpu.memory_space<vmem>>, vector<1x1000x128xf32>
    %get3A_8 = vector.shape_cast %get3A_7 : vector<1x1000x128xf32> to vector<1000x128xf32>
    %add3A = arith.addf %get3A_3, %get3A_8 : vector<1000x128xf32>
    %get3A_9 = arith.constant 0 : index
    %get3A_10 = arith.constant 0 : index
    %get3A_11 = arith.constant 0 : index
    %get3A_12 = vector.load %arg3[%get3A_9, %get3A_10, %get3A_11] : memref<2x1000x128xf32, #tpu.memory_space<vmem>>, vector<1x1000x1xf32>
    %get3A_13 = vector.shape_cast %get3A_12 : vector<1x1000x1xf32> to vector<1000x1xf32>
    %get3A_14 = arith.constant 1 : index
    %get3A_15 = arith.constant 0 : index
    %get3A_16 = arith.constant 0 : index
    %get3A_17 = vector.load %arg3[%get3A_14, %get3A_15, %get3A_16] : memref<2x1000x128xf32, #tpu.memory_space<vmem>>, vector<1x1000x1xf32>
    %get3A_18 = vector.shape_cast %get3A_17 : vector<1x1000x1xf32> to vector<1000x1xf32>
    %add3A_19 = arith.addf %get3A_13, %get3A_18 : vector<1000x1xf32>
    %get3A_20 = arith.constant 0 : index
    %get3A_21 = arith.constant 0 : index
    %get3A_22 = vector.load %arg2[%get3A_20, %get3A_21] : memref<1000x128xf32, #tpu.memory_space<vmem>>, vector<1000x128xf32>
    %add3A_23 = arith.addf %add3A, %get3A_22 : vector<1000x128xf32>
    %add3A_24 = arith.constant 1.000000e+00 : f32
    %add3A_25 = vector.broadcast %add3A_24 : f32 to vector<1000x1xf32>
    %add3A_26 = arith.addf %add3A_19, %add3A_25 : vector<1000x1xf32>
    %div3A = vector.broadcast %add3A_26 : vector<1000x1xf32> to vector<1000x128xf32>
    %div3A_27 = arith.divf %add3A_23, %div3A : vector<1000x128xf32>
    %get3A_28 = arith.constant 0 : index
    %get3A_29 = arith.constant 0 : index
    %get3A_30 = vector.load %arg4[%get3A_28, %get3A_29] : memref<1x128xf32, #tpu.memory_space<vmem>>, vector<1x128xf32>
    %add3A_31 = vector.broadcast %get3A_30 : vector<1x128xf32> to vector<1000x128xf32>
    %add3A_32 = arith.addf %div3A_27, %add3A_31 : vector<1000x128xf32>
    %swap3A = arith.constant 0 : index
    %swap3A_33 = arith.constant 0 : index
    %swap3A_34 = vector.load %arg5[%swap3A, %swap3A_33] : memref<1000x128xf32, #tpu.memory_space<vmem>>, vector<1000x128xf32>
    tpu.vector_store %arg5[%swap3A, %swap3A_33], %add3A_32 {strides = array<i32>} : memref<1000x128xf32, #tpu.memory_space<vmem>>, vector<1000x128xf32>,
    return
  }
  func.func @transform_0(%arg0: i32) -> (i32, i32, i32) {
    %c0_i32 = arith.constant 0 : i32
    %c0_i32_0 = arith.constant 0 : i32
    %c0_i32_1 = arith.constant 0 : i32
    return %c0_i32, %arg0, %c0_i32_0 : i32, i32, i32
  }
  func.func @transform_1(%arg0: i32) -> (i32, i32) {
    %c0_i32 = arith.constant 0 : i32
    %c0_i32_0 = arith.constant 0 : i32
    return %arg0, %c0_i32 : i32, i32
  }
  func.func @transform_2(%arg0: i32) -> (i32, i32, i32) {
    %c0_i32 = arith.constant 0 : i32
    %c0_i32_0 = arith.constant 0 : i32
    %c0_i32_1 = arith.constant 0 : i32
    return %c0_i32, %arg0, %c0_i32_0 : i32, i32, i32
  }
  func.func @transform_3(%arg0: i32) -> (i32, i32) {
    %c0_i32 = arith.constant 0 : i32
    %c0_i32_0 = arith.constant 0 : i32
    %c0_i32_1 = arith.constant 0 : i32
    return %c0_i32, %c0_i32_0 : i32, i32
  }
  func.func @transform_4(%arg0: i32) -> (i32, i32) {
    %c0_i32 = arith.constant 0 : i32
    %c0_i32_0 = arith.constant 0 : i32
    return %arg0, %c0_i32 : i32, i32
  }
}

</mosaic_0001>

<sc_bundles>
// kernel: kernel.11.cloned.1.call-start
scs
__scs_entry_jumppad:
0x0: {  	(pc) =	sbr.rel $0x88, $3  }
0x1: {  	(tag) =	ssettag $0x0;
	lr =	simm.s32 $0x1  }
0x2: {  	[smem:$0x3F9B] =	sst lr;
	_ =	strace $0xD0000000  }
0x3: {  	_ = 	snop  }
0x4: {  	_ = 	snop  }
0x5: {  	_ = 	snop  }
0x6: {  	_ = 	snop  }
0x7: {  	_ = 	snop  }
__scs_overlays_trampoline_lowered:
0x8: {  	[smem:$0x3FAA] =	sst s0  }
0x9: {  	[smem:$0x3FAB] =	sst s1  }
0xa: {  	[smem:$0x3FAC] =	sst s2  }
0xb: {  	[smem:$0x3FAD] =	sst s3  }
0xc: {  	[smem:$0x3FAE] =	sst s4  }
0xd: {  	[smem:$0x3FAF] =	sst s5  }
0xe: {  	[smem:$0x3FB0] =	sst s6  }
0xf: {  	[smem:$0x3FB1] =	sst s7  }
0x10: {  	[smem:$0x3FB2] =	sst s8  }
0x11: {  	[smem:$0x3FB3] =	sst s9;
	s0 =	simm.s32 @!p0 $0x0  }
0x12: {  	s1 =	sld [smem:$0x3F99];
	s0 =	simm.s32 @p0 $0x1  }
0x13: {  	[smem:$0x3FB4] =	sst s0;
	s0 =	simm.s32 @!p1 $0x0  }
0x14: {  	s2 =	sld [smem:$0x3F98];
	s0 =	simm.s32 @p1 $0x1  }
0x15: {  	[smem:$0x3FB5] =	sst s0;
	s0 =	simm.s32 @!p2 $0x0  }
0x16: {  	s3 =	sld [smem:$0x3FDB];
	s0 =	simm.s32 @p2 $0x1  }
0x17: {  	s4 =	simm.s32 $0x1BF5;
	[smem:$0x3FB7] =	sst s0  }
0x18: {  	s0 =	sld [smem:$0x3F9A];
	_ =	swait.ge [sflag:s4], $0x0  }
0x19: {  	s7 =	sld [smem:$0x3F9B]  }
0x1a: {  	s8 =	sadd.s32 $0xFFFFE003, lr  }
0x1b: {  	s9 =	sadd.s32 $0xFFFFFEF7, lr;
	s5 =	simm.s32 $0xFFFFFFFF;
	p2 =	slt.u32 s8, $0xFFFFF086  }
0x1c: {  	p1 =	slt.u32 s9, $0xF7A;
	s5 =	simm.s32 @!p2 $0x0  }
0x1d: {  	s5 =	simm.s32 @p1 $0x1;
	p0 =	seq.s32 s7, s2  }
0x1e: {  	s7 =	smul.u32 @!p0 $0xF7A, s2;
	p2 =	seq.s32 @!p0 s5, $0x0  }
0x1f: {  	s9 =	smul.u32 $0xF7A, s1;
	s8 =	simm.s32 @!p0 $0x1BF5;
	p2 =	por !p2, p0  }
0x20: {  	[sflag:s8] =	ssyncset.s32 @!p0 $0xFFFFF086;
	s6 =	sadd.s32 @!p0 s3, s7;
	s7 =	simm.s32 @!p0 $0x108  }
0x21: {  	s3 =	sadd.s32 s3, s9;
	s6 =	sadd.s32 @!p0 $0x88, s6;
	s7 =	simm.s32 @p2 $0x1082  }
0x22: {  	[simem:s7], [sflag:s8] =	dma.local @!p0 [hbm:s6], $0xF7A  }
0x23: {  	s9 =	sor.u32 $0xD0000000, s2;
	s6 =	simm.s32 $0x108;
	_ =	swait.ge @!p0 [sflag:s8], $0x0  }
0x24: {  	s3 =	sadd.s32 $0x88, s3;
	s6 =	simm.s32 @!p1 $0x1082;
	[sflag:s4] =	ssyncset.s32 $0xFFFFF086  }
0x25: {  	[simem:s6], [sflag:s4] =	dma.local [hbm:s3], $0xF7A  }
0x26: {  	[smem:$0x3F9B] =	sst s1;
	(tag) =	ssettag s2;
	_ =	strace s9  }
0x27: {  	s1 =	sld [smem:$0x3FAB]  }
0x28: {  	s2 =	sld [smem:$0x3FAC]  }
0x29: {  	s4 =	sld [smem:$0x3FAE]  }
0x2a: {  	p0 =	seq.s32 s5, $0x0;
	s5 =	sld [smem:$0x3FAF]  }
0x2b: {  	s6 =	sld [smem:$0x3FB0]  }
0x2c: {  	s7 =	sld [smem:$0x3FB1]  }
0x2d: {  	s3 =	simm.s32 $0x108;
	s8 =	sld [smem:$0x3FB2]  }
0x2e: {  	s3 =	simm.s32 @!p0 $0x1082;
	s9 =	sld [smem:$0x3FB3]  }
0x2f: {  	lr =	sadd.s32 s0, s3;
	s0 =	sld [smem:$0x3FAA]  }
0x30: {  	s3 =	sld [smem:$0x3FAD]  }
0x31: {  	[smem:$0x3FB6] =	sst s10  }
0x32: {  	s10 =	sld [smem:$0x3FB4];
	_ =	sdelay $0x3  }
0x33: {  	p0 =	seq.s32 s10, $0x1;
	s10 =	sld [smem:$0x3FB6];
	_ =	sdelay $0x3  }
0x34: {  	[smem:$0x3FB6] =	sst s10  }
0x35: {  	s10 =	sld [smem:$0x3FB5];
	_ =	sdelay $0x3  }
0x36: {  	p1 =	seq.s32 s10, $0x1;
	s10 =	sld [smem:$0x3FB6];
	_ =	sdelay $0x3  }
0x37: {  	[smem:$0x3FB6] =	sst s10  }
0x38: {  	s10 =	sld [smem:$0x3FB7]  }
0x39: {  	_ = 	snop;
	(pc) =	sbr.ind lr, $3  }
0x3a: {  	_ = 	snop  }
0x3b: {  	_ = 	snop  }
0x3c: {  	p2 =	seq.s32 s10, $0x1;
	s10 =	sld [smem:$0x3FB6]  }
0x3d: {  	_ =	shalt  }
0x3e: {  	_ =	shalt  }
0x3f: {  	_ =	shalt  }
0x40: {  	_ =	shalt  }
0x41: {  	_ =	shalt  }
0x42: {  	_ =	shalt  }
0x43: {  	_ =	shalt  }
0x44: {  	_ =	shalt  }
0x45: {  	_ =	shalt  }
0x46: {  	_ =	shalt  }
0x47: {  	_ =	shalt  }
0x48: {  	_ =	shalt  }
0x49: {  	_ =	shalt  }
0x4a: {  	_ =	shalt  }
0x4b: {  	_ =	shalt  }
0x4c: {  	_ =	shalt  }
0x4d: {  	_ =	shalt  }
0x4e: {  	_ =	shalt  }
0x4f: {  	_ =	shalt  }
0x50: {  	_ =	shalt  }
0x51: {  	_ =	shalt  }
0x52: {  	_ =	shalt  }
0x53: {  	_ =	shalt  }
0x54: {  	_ =	shalt  }
0x55: {  	_ =	shalt  }
0x56: {  	_ =	shalt  }
0x57: {  	_ =	shalt  }
0x58: {  	_ =	shalt  }
0x59: {  	_ =	shalt  }
0x5a: {  	_ =	shalt  }
0x5b: {  	_ =	shalt  }
0x5c: {  	_ =	shalt  }
0x5d: {  	_ =	shalt  }
0x5e: {  	_ =	shalt  }
0x5f: {  	_ =	shalt  }
0x60: {  	_ =	shalt  }
0x61: {  	_ =	shalt  }
0x62: {  	_ =	shalt  }
0x63: {  	_ =	shalt  }
0x64: {  	_ =	shalt  }
0x65: {  	_ =	shalt  }
0x66: {  	_ =	shalt  }
0x67: {  	_ =	shalt  }
0x68: {  	_ =	shalt  }
0x69: {  	_ =	shalt  }
0x6a: {  	_ =	shalt  }
0x6b: {  	_ =	shalt  }
0x6c: {  	_ =	shalt  }
0x6d: {  	_ =	shalt  }
0x6e: {  	_ =	shalt  }
0x6f: {  	_ =	shalt  }
0x70: {  	_ =	shalt  }
0x71: {  	_ =	shalt  }
0x72: {  	_ =	shalt  }
0x73: {  	_ =	shalt  }
0x74: {  	_ =	shalt  }
0x75: {  	_ =	shalt  }
0x76: {  	_ =	shalt  }
0x77: {  	_ =	shalt  }
0x78: {  	_ =	shalt  }
0x79: {  	_ =	shalt  }
0x7a: {  	_ =	shalt  }
0x7b: {  	_ =	shalt  }
0x7c: {  	_ =	shalt  }
0x7d: {  	_ =	shalt  }
0x7e: {  	_ =	shalt  }
0x7f: {  	_ =	shalt  }
0x80: {  	_ =	shalt  }
0x81: {  	_ =	shalt  }
0x82: {  	_ =	shalt  }
0x83: {  	_ =	shalt  }
0x84: {  	_ =	shalt  }
0x85: {  	_ =	shalt  }
0x86: {  	_ =	shalt  }
0x87: {  	_ =	shalt  }
.Lfunc_end0:
.L_simem_size_0:
called_computation.1_lowered:
.L_overlay_start_0:
0x88: {  	s2 =	sld [smem:$0x3FD9]  }
0x89: {  	s3 =	sld [smem:$0x3FFE];
	_ =	sdelay $0x1  }
0x8a: {  	s1 =	srdreg.scid  }
0x8b: {  	s0 =	sand.u32 $0x1, s1  }
0x8c: {  	s14 =	sshll.u32 s0, $0xA;
	s2 =	sadd.s32 s3, s2  }
0x8d: {  	s2 =	sadd.s32 s2, s14  }
0x8e: {  	[smem:$0x3FC2] =	sst s2  }
0x8f: {  	_ = 	snop  }
0x90: {  	s2 =	sld [smem:$0x3FD0];
	_ =	sdelay $0x2  }
0x91: {  	s15 =	simm.s32 $0xB;
	s4 =	simm.s32 $0x10  }
0x92: {  	[smem:s4], [sflag:s15] =	dma.local [hbm:s2], $0x1  }
0x93: {  	_ =	swait.eq [sflag:s15], $0x1  }
0x94: {  	[sflag:s15] =	ssyncset.done $0x0  }
0x95: {  	[sflag:s15] =	ssyncadd.s32 $0xFFFFFFFF  }
0x96: {  	s16 =	sld [smem:$0x11];
	(tm) =	ssettm $0x1  }
0x97: {  	s17 =	sld [smem:$0x3FFB];
	_ =	sdelay $0x3  }
0x98: {  	_ =	strace s17  }
0x99: {  	s3 =	sld [smem:$0x3FFC];
	_ =	sdelay $0x3  }
0x9a: {  	_ =	strace s3  }
0x9b: {  	s3 =	sld [smem:$0x3FFD];
	_ =	sdelay $0x3  }
0x9c: {  	_ =	strace s3  }
0x9d: {  	_ =	strace $0x8FFFFFFF  }
0x9e: {  	s18 =	sld [smem:$0x3FDB];
	_ =	sdelay $0x1  }
0x9f: {  	s19 =	simm.s32 $_scs_section_size  }
0xa0: {  	s5 =	simm.s32 $_size__tile_overlayer_lowered;
	s6 =	simm.s32 $_tile_overlayer_lowered  }
0xa1: {  	s22 =	simm.s32 $0x1BFF;
	s21 =	sshll.u32 s6, $0x1;
	s3 =	sadd.s32 s19, s18  }
0xa2: {  	s7 =	simm.s32 $0x0;
	s20 =	sshll.u32 s5, $0x1;
	s5 =	sadd.s32 s21, s3  }
0xa3: {  	[timem:s7], [sflag:s22] =	dma.local [hbm:s5], s20  }
0xa4: {  	_ =	swait.ge [sflag:s22], s20  }
0xa5: {  	s4 =	ssub.s32 $0x0, s20;
	[sflag:s22] =	ssyncset.done $0x0  }
0xa6: {  	[sflag:s22] =	ssyncadd.s32 s4;
	_ =	sdelay $0x1  }
0xa7: {  	s23 =	simm.s32 $0x1B8B  }
0xa8: {  	_ =	swait.ge [sflag:s23], $0x1  }
0xa9: {  	[sflag:s23] =	ssyncset.done $0x0  }
0xaa: {  	s25 =	simm.s32 $0x1B8E;
	s24 =	sld [smem:$0x3FFE];
	[sflag:s23] =	ssyncadd.s32 $0xFFFFFFFF  }
0xab: {  	s26 =	simm.s32 $execute0_lowered;
	[smem:$0x3FD2] =	sst s25  }
0xac: {  	s5 =	sshll.u32 s26, $0x1;
	_ =	strace $0x80000046;
	[dreg:$0x1] =	wrdreg $0xFFFFFFFF  }
0xad: {  	s28 =	simm.s32 $_size_execute0_lowered;
	s3 =	sadd.s32 s3, s5;
	[dreg:$0x0] =	wrdreg $0x0  }
0xae: {  	s5 =	sshll.u32 s28, $0x1;
	[dreg:$0x2] =	wrdreg s3  }
0xaf: {  	[dreg:$0x3] =	wrdreg s5  }
0xb0: {  	[dreg:$0x4] =	wrdreg $0xC0  }
0xb1: {  	_ =	task [dreg:s7], $0x5FFFF  }
0xb2: {  	[dreg:$0x1] =	wrdreg $0xFFFFFFFF  }
0xb3: {  	[dreg:$0x0] =	wrdreg $0x60  }
0xb4: {  	[dreg:$0x2] =	wrdreg s16  }
0xb5: {  	[dreg:$0x3] =	wrdreg s24  }
0xb6: {  	[dreg:$0x4] =	wrdreg $0x50000  }
0xb7: {  	[dreg:$0x5] =	wrdreg $0xA  }
0xb8: {  	_ =	task.clear_ibuf [dreg:s7], $0x6FFFF;
	_ =	strace $0x90000046  }
0xb9: {  	s29 =	simm.s32 $0xA;
	_ =	strace $0x80000048  }
0xba: {  	_ =	swait.ge [sflag:s29], $0x1  }
0xbb: {  	[sflag:s29] =	ssyncadd.s32 $0xFFFFFFFF  }
0xbc: {  	_ =	strace $0x90000048  }
0xbd: {  	_ =	sfence  }
0xbe: {  	s30 =	sld [smem:$0x0];
	_ =	sdelay $0x2  }
0xbf: {  	s31 =	sshll.u32 s1, $0xD;
	s1 =	sshrl.u32 s1, $0x2  }
0xc0: {  	s3 =	sand.u32 $0x4000, s31;
	s1 =	sadd.s32 s1, s30  }
0xc1: {  	s0 =	sor.u32 s3, s0;
	s1 =	sshll.u32 s1, $0x11  }
0xc2: {  	s0 =	sor.u32 s1, s0  }
0xc3: {  	s0 =	sadd.s32 $0x8F2B, s0  }
0xc4: {  	[sflag:s0] =	ssyncadd.remote.s32 $0x1  }
0xc5: {  	_ =	sfence.sel $0xFFFF  }
0xc6: {  	[dreg:$0x0] =	wrdreg $0xFFFFFFFF;
	(pc) =	sbr.abs _section_cstart, $3  }
0xc7: {  	[dreg:$0x1] =	wrdreg $0xFFFFFFFF  }
0xc8: {  	_ =	task.clear_ibuf [dreg:s7], $0x2FFFF;
	_ =	strace $0x9FFFFFFF  }
0xc9: {  	(tm) =	ssettm $0x7FFFFFFF  }
tec
execute0_lowered:
.L_overlay_start_1:
0x0: {  	(tag) =	ssettag $0x1  }
0x1: {  	s1 =	rddreg [dreg:$0x0]  }
0x2: {  	s5 =	rddreg [dreg:$0x1]  }
0x3: {  	s3 =	rddreg [dreg:$0x2]  }
0x4: {  	s0 =	rddreg [dreg:$0x3]  }
0x5: {  	s6 =	srdreg.scid;
	s2 =	stileid.u32;
	s4 =	simm.s32 $0x0  }
0x6: {  	s23 =	simm.s32 $0x2;
	s24 =	simm.s32 $0x800;
	s25 =	simm.s32 $0x80  }
0x7: {  	s26 =	simm.s32 $0x1;
	s6 =	sand.u32 $0x1, s6;
	s7 =	smul.u32 $0x2780, s2  }
0x8: {  	[smem:$0x7FF] =	sst s4;
	s18 =	sadd.s32 $0x2A00, s5;
	s28 =	smul.u32 $0x4F000, s2  }
0x9: {  	s8 =	smul.u32 $0x27800, s6;
	s29 =	ssub.s32 $0x2, s6;
	s6 =	sshll.u32 s6, $0x4  }
0xa: {  	s19 =	sadd.s32 $0xCA00, s5;
	_ =	strace $0x80000047;
	s9 =	sor.u32 s2, s6  }
0xb: {  	s30 =	sshrl.u32 s29, $0x1;
	s31 =	sshrl.u32 s28, $0x2;
	s10 =	smul.u32 $0x2800, s9  }
0xc: {  	s7 =	sadd.s32 s7, s8;
	s21 =	ssub.s32 s29, s30;
	s11 =	smul.u32 $0x500, s9  }
0xd: {  	s20 =	sadd.s32 s7, s5;
	s5 =	sadd.s32 s31, s3;
	s21 =	smax.u32 s21, $0x1  }
0xe: {  	s6 =	sadd.s32 $0x4000, s5;
	s7 =	sadd.s32 $0x8000, s5;
	s8 =	sadd.s32 $0xC000, s5  }
0xf: {  	s9 =	sadd.s32 $0x10000, s5;
	s22 =	sshrl.u32 s10, $0x3;
	s10 =	sadd.s32 s18, s11  }
0x10: {  	s11 =	sadd.s32 s19, s11;
	s20 =	sadd.s32 $0x16A00, s20;
	s13 =	sadd.s32 $0x100, s22  }
0x11: {  	s15 =	sadd.s32 $0x200, s22;
	s17 =	sadd.s32 $0x300, s22;
	s22 =	sadd.s32 $0x400, s22  }
0x12: {  	s12 =	sadd.s32 s18, s13;
	s13 =	sadd.s32 s19, s13;
	s14 =	sadd.s32 s18, s15  }
0x13: {  	s15 =	sadd.s32 s19, s15;
	s16 =	sadd.s32 s18, s17;
	s17 =	sadd.s32 s19, s17  }
0x14: {  	v0 =	vimm.f32 $0.0e+00;
	s18 =	sadd.s32 s18, s22;
	s19 =	sadd.s32 s19, s22;
	s22 =	simm.s32 $0x1000  }
.LBB2_1:
0x15: {  	s28 =	simm.s32 $0x0;
	s29 =	simm.s32 $0x200  }
.LBB2_2:
0x16: {  	p0 =	sne.s32 s29, $0xFE00;
	[tilespmem:s28+$0x1070] =	vst v0  }
0x17: {  	[tilespmem:s28+$0x1000] =	vst v0  }
0x18: {  	[tilespmem:s28+$0x1010] =	vst v0  }
.Ltmp0:
0x19: {  	[tilespmem:s28+$0x1020] =	vst v0;
	(pc) =	sbr.rel @p0 .LBB2_2-.Ltmp0, $4  }
0x1a: {  	[tilespmem:s28+$0x1030] =	vst v0  }
0x1b: {  	[tilespmem:s28+$0x1040] =	vst v0  }
0x1c: {  	[tilespmem:s28+$0x1050] =	vst v0  }
0x1d: {  	[tilespmem:s28+$0x1060] =	vst v0;
	s28 =	sshra.s32 s29, $0x2;
	s29 =	sadd.s32 $0x200, s29  }
0x1e: {  	[tilespmem:s28+$0x1070] =	vst v0  }
0x1f: {  	[tilespmem:s28+$0x1000] =	vst v0  }
0x20: {  	[tilespmem:s28+$0x1010] =	vst v0  }
0x21: {  	[tilespmem:s28+$0x1020] =	vst v0  }
0x22: {  	[tilespmem:s28+$0x1030] =	vst v0  }
0x23: {  	[tilespmem:s28+$0x1040] =	vst v0  }
0x24: {  	[tilespmem:s28+$0x1050] =	vst v0  }
0x25: {  	[tilespmem:s28+$0x1060] =	vst v0  }
0x26: {  	[spmem:s5] =	stream.linear.scatter [tilespmem:s22], [sflag:$0x2], $0x4000, $0x38;
	[tilespmem:$0x18C00] =	vst v63  }
0x27: {  	_ =	swait.ge [sflag:s23], $0x4000  }
0x28: {  	[sflag:s23] =	ssyncset.done $0x0  }
0x29: {  	[sflag:s23] =	ssyncadd.s32 $0xFFFFC000  }
0x2a: {  	[spmem:s6] =	stream.linear.scatter [tilespmem:s22], [sflag:$0x2], $0x4000, $0x38;
	[tilespmem:$0x18C00] =	vst v63  }
0x2b: {  	_ =	swait.ge [sflag:s23], $0x4000  }
0x2c: {  	[sflag:s23] =	ssyncset.done $0x0  }
0x2d: {  	[sflag:s23] =	ssyncadd.s32 $0xFFFFC000  }
0x2e: {  	[spmem:s7] =	stream.linear.scatter [tilespmem:s22], [sflag:$0x2], $0x4000, $0x38;
	[tilespmem:$0x18C00] =	vst v63  }
0x2f: {  	_ =	swait.ge [sflag:s23], $0x4000  }
0x30: {  	[sflag:s23] =	ssyncset.done $0x0  }
0x31: {  	[sflag:s23] =	ssyncadd.s32 $0xFFFFC000  }
0x32: {  	[spmem:s8] =	stream.linear.scatter [tilespmem:s22], [sflag:$0x2], $0x4000, $0x38;
	[tilespmem:$0x18C00] =	vst v63  }
0x33: {  	_ =	swait.ge [sflag:s23], $0x4000  }
0x34: {  	[sflag:s23] =	ssyncset.done $0x0  }
0x35: {  	[sflag:s23] =	ssyncadd.s32 $0xFFFFC000  }
0x36: {  	[spmem:s9] =	stream.linear.scatter [tilespmem:s22], [sflag:$0x2], $0x3C00, $0x38;
	[tilespmem:$0x18C00] =	vst v63  }
0x37: {  	_ =	swait.ge [sflag:s23], $0x3C00  }
0x38: {  	[sflag:s23] =	ssyncset.done $0x0  }
0x39: {  	[sflag:s23] =	ssyncadd.s32 $0xFFFFC400  }
0x3a: {  	s28 =	simm.s32 $0x0;
	[bflag:$0x0] =	sbarrier.arrive $0xFFFF  }
0x3b: {  	[tilespmem:s28], [sflag:$0x2] =	stream.linear.gather [hbm4b:s10+s28], $0x800, $0x38;
	[tilespmem:$0x18C00] =	vst v63  }
0x3c: {  	_ =	swait.ge [sflag:s23], $0x800  }
0x3d: {  	[sflag:s23] =	ssyncset.done $0x0  }
0x3e: {  	[sflag:s23] =	ssyncadd.s32 $0xFFFFF800  }
0x3f: {  	[tilespmem:s24], [sflag:$0x2] =	stream.linear.gather [hbm4b:s11+s28], $0x800, $0x38;
	[tilespmem:$0x18C00] =	vst v63  }
0x40: {  	_ =	swait.ge [sflag:s23], $0x800  }
0x41: {  	[sflag:s23] =	ssyncset.done $0x0  }
0x42: {  	s28 =	simm.s32 $0x0;
	[sflag:s23] =	ssyncadd.s32 $0xFFFFF800  }
0x43: {  	[tilespmem:s22], [sflag:$0x1] =	stream.indirect.gather [hbm4b:s1+s25], $0x80, s28, s25, $0xb8;
	[tilespmem:$0x18C00] =	vst v63  }
0x44: {  	_ =	swait.ge [sflag:s26], $0x4000  }
0x45: {  	[sflag:s26] =	ssyncset.done $0x0  }
0x46: {  	s28 =	simm.s32 $0x800;
	[sflag:s26] =	ssyncadd.s32 $0xFFFFC000  }
0x47: {  	[spmem:s3] =	stream.indirect.scatter.add.f32 [tilespmem:s22], [sflag:$0x2], $0x80, s28, s25, $0xb8;
	[tilespmem:$0x18C00] =	vst v63  }
0x48: {  	_ =	swait.ge [sflag:s23], $0x4000  }
0x49: {  	s29 =	simm.s32 $0x400;
	s28 =	simm.s32 $0x200;
	[sflag:s23] =	ssyncset.done $0x0  }
.LBB2_4:
0x4a: {  	s30 =	sshra.s32 s28, $0x2  }
0x4b: {  	[sflag:s23] =	ssyncadd.s32 $0xFFFFC000;
	s28 =	smov.u32 s29;
	s31 =	sadd.s32 $0x200, s29  }
0x4c: {  	[tilespmem:s22], [sflag:$0x1] =	stream.indirect.gather [hbm4b:s1+s25], $0x80, s30, s25, $0xb8;
	[tilespmem:$0x18C00] =	vst v63  }
0x4d: {  	p0 =	sne.s32 s29, $0x1E00;
	_ =	swait.ge [sflag:s26], $0x4000  }
.Ltmp1:
0x4e: {  	[sflag:s26] =	ssyncset.done $0x0;
	(pc) =	sbr.rel @p0 .LBB2_4-.Ltmp1, $4  }
0x4f: {  	s29 =	sadd.s32 $0x800, s30;
	[sflag:s26] =	ssyncadd.s32 $0xFFFFC000  }
0x50: {  	[spmem:s3] =	stream.indirect.scatter.add.f32 [tilespmem:s22], [sflag:$0x2], $0x80, s29, s25, $0xb8;
	[tilespmem:$0x18C00] =	vst v63  }
0x51: {  	_ =	swait.ge [sflag:s23], $0x4000  }
0x52: {  	s29 =	smov.u32 s31;
	[sflag:s23] =	ssyncset.done $0x0  }
0x53: {  	s28 =	sshra.s32 s28, $0x2;
	[sflag:s23] =	ssyncadd.s32 $0xFFFFC000  }
0x54: {  	[tilespmem:s22], [sflag:$0x1] =	stream.indirect.gather [hbm4b:s1+s25], $0x80, s28, s25, $0xb8;
	[tilespmem:$0x18C00] =	vst v63  }
0x55: {  	_ =	swait.ge [sflag:s26], $0x4000  }
0x56: {  	[sflag:s26] =	ssyncset.done $0x0  }
0x57: {  	s28 =	sadd.s32 $0x800, s28;
	[sflag:s26] =	ssyncadd.s32 $0xFFFFC000  }
0x58: {  	[spmem:s3] =	stream.indirect.scatter.add.f32 [tilespmem:s22], [sflag:$0x2], $0x80, s28, s25, $0xb8;
	[tilespmem:$0x18C00] =	vst v63  }
0x59: {  	_ =	swait.ge [sflag:s23], $0x4000  }
0x5a: {  	[sflag:s23] =	ssyncset.done $0x0  }
0x5b: {  	s28 =	simm.s32 $0x0;
	[sflag:s23] =	ssyncadd.s32 $0xFFFFC000  }
0x5c: {  	[tilespmem:s28], [sflag:$0x2] =	stream.linear.gather [hbm4b:s12+s28], $0x800, $0x38;
	[tilespmem:$0x18C00] =	vst v63  }
0x5d: {  	_ =	swait.ge [sflag:s23], $0x800  }
0x5e: {  	[sflag:s23] =	ssyncset.done $0x0  }
0x5f: {  	[sflag:s23] =	ssyncadd.s32 $0xFFFFF800  }
0x60: {  	[tilespmem:s24], [sflag:$0x2] =	stream.linear.gather [hbm4b:s13+s28], $0x800, $0x38;
	[tilespmem:$0x18C00] =	vst v63  }
0x61: {  	_ =	swait.ge [sflag:s23], $0x800  }
0x62: {  	[sflag:s23] =	ssyncset.done $0x0  }
0x63: {  	s28 =	simm.s32 $0x0;
	[sflag:s23] =	ssyncadd.s32 $0xFFFFF800  }
0x64: {  	[tilespmem:s22], [sflag:$0x1] =	stream.indirect.gather [hbm4b:s1+s25], $0x80, s28, s25, $0xb8;
	[tilespmem:$0x18C00] =	vst v63  }
0x65: {  	_ =	swait.ge [sflag:s26], $0x4000  }
0x66: {  	[sflag:s26] =	ssyncset.done $0x0  }
0x67: {  	s28 =	simm.s32 $0x800;
	[sflag:s26] =	ssyncadd.s32 $0xFFFFC000  }
0x68: {  	[spmem:s3] =	stream.indirect.scatter.add.f32 [tilespmem:s22], [sflag:$0x2], $0x80, s28, s25, $0xb8;
	[tilespmem:$0x18C00] =	vst v63  }
0x69: {  	_ =	swait.ge [sflag:s23], $0x4000  }
0x6a: {  	s29 =	simm.s32 $0x400;
	s28 =	simm.s32 $0x200;
	[sflag:s23] =	ssyncset.done $0x0  }
.LBB2_6:
0x6b: {  	s30 =	sshra.s32 s28, $0x2  }
0x6c: {  	[sflag:s23] =	ssyncadd.s32 $0xFFFFC000;
	s28 =	smov.u32 s29;
	s31 =	sadd.s32 $0x200, s29  }
0x6d: {  	[tilespmem:s22], [sflag:$0x1] =	stream.indirect.gather [hbm4b:s1+s25], $0x80, s30, s25, $0xb8;
	[tilespmem:$0x18C00] =	vst v63  }
0x6e: {  	p0 =	sne.s32 s29, $0x1E00;
	_ =	swait.ge [sflag:s26], $0x4000  }
.Ltmp2:
0x6f: {  	[sflag:s26] =	ssyncset.done $0x0;
	(pc) =	sbr.rel @p0 .LBB2_6-.Ltmp2, $4  }
0x70: {  	s29 =	sadd.s32 $0x800, s30;
	[sflag:s26] =	ssyncadd.s32 $0xFFFFC000  }
0x71: {  	[spmem:s3] =	stream.indirect.scatter.add.f32 [tilespmem:s22], [sflag:$0x2], $0x80, s29, s25, $0xb8;
	[tilespmem:$0x18C00] =	vst v63  }
0x72: {  	_ =	swait.ge [sflag:s23], $0x4000  }
0x73: {  	s29 =	smov.u32 s31;
	[sflag:s23] =	ssyncset.done $0x0  }
0x74: {  	s28 =	sshra.s32 s28, $0x2;
	[sflag:s23] =	ssyncadd.s32 $0xFFFFC000  }
0x75: {  	[tilespmem:s22], [sflag:$0x1] =	stream.indirect.gather [hbm4b:s1+s25], $0x80, s28, s25, $0xb8;
	[tilespmem:$0x18C00] =	vst v63  }
0x76: {  	_ =	swait.ge [sflag:s26], $0x4000  }
0x77: {  	[sflag:s26] =	ssyncset.done $0x0  }
0x78: {  	s28 =	sadd.s32 $0x800, s28;
	[sflag:s26] =	ssyncadd.s32 $0xFFFFC000  }
0x79: {  	[spmem:s3] =	stream.indirect.scatter.add.f32 [tilespmem:s22], [sflag:$0x2], $0x80, s28, s25, $0xb8;
	[tilespmem:$0x18C00] =	vst v63  }
0x7a: {  	_ =	swait.ge [sflag:s23], $0x4000  }
0x7b: {  	[sflag:s23] =	ssyncset.done $0x0  }
0x7c: {  	s28 =	simm.s32 $0x0;
	[sflag:s23] =	ssyncadd.s32 $0xFFFFC000  }
0x7d: {  	[tilespmem:s28], [sflag:$0x2] =	stream.linear.gather [hbm4b:s14+s28], $0x800, $0x38;
	[tilespmem:$0x18C00] =	vst v63  }
0x7e: {  	_ =	swait.ge [sflag:s23], $0x800  }
0x7f: {  	[sflag:s23] =	ssyncset.done $0x0  }
0x80: {  	[sflag:s23] =	ssyncadd.s32 $0xFFFFF800  }
0x81: {  	[tilespmem:s24], [sflag:$0x2] =	stream.linear.gather [hbm4b:s15+s28], $0x800, $0x38;
	[tilespmem:$0x18C00] =	vst v63  }
0x82: {  	_ =	swait.ge [sflag:s23], $0x800  }
0x83: {  	[sflag:s23] =	ssyncset.done $0x0  }
0x84: {  	s28 =	simm.s32 $0x0;
	[sflag:s23] =	ssyncadd.s32 $0xFFFFF800  }
0x85: {  	[tilespmem:s22], [sflag:$0x1] =	stream.indirect.gather [hbm4b:s1+s25], $0x80, s28, s25, $0xb8;
	[tilespmem:$0x18C00] =	vst v63  }
0x86: {  	_ =	swait.ge [sflag:s26], $0x4000  }
0x87: {  	[sflag:s26] =	ssyncset.done $0x0  }
0x88: {  	s28 =	simm.s32 $0x800;
	[sflag:s26] =	ssyncadd.s32 $0xFFFFC000  }
0x89: {  	[spmem:s3] =	stream.indirect.scatter.add.f32 [tilespmem:s22], [sflag:$0x2], $0x80, s28, s25, $0xb8;
	[tilespmem:$0x18C00] =	vst v63  }
0x8a: {  	_ =	swait.ge [sflag:s23], $0x4000  }
0x8b: {  	s29 =	simm.s32 $0x400;
	s28 =	simm.s32 $0x200;
	[sflag:s23] =	ssyncset.done $0x0  }
.LBB2_8:
0x8c: {  	s30 =	sshra.s32 s28, $0x2  }
0x8d: {  	[sflag:s23] =	ssyncadd.s32 $0xFFFFC000;
	s28 =	smov.u32 s29;
	s31 =	sadd.s32 $0x200, s29  }
0x8e: {  	[tilespmem:s22], [sflag:$0x1] =	stream.indirect.gather [hbm4b:s1+s25], $0x80, s30, s25, $0xb8;
	[tilespmem:$0x18C00] =	vst v63  }
0x8f: {  	p0 =	sne.s32 s29, $0x1E00;
	_ =	swait.ge [sflag:s26], $0x4000  }
.Ltmp3:
0x90: {  	[sflag:s26] =	ssyncset.done $0x0;
	(pc) =	sbr.rel @p0 .LBB2_8-.Ltmp3, $4  }
0x91: {  	s29 =	sadd.s32 $0x800, s30;
	[sflag:s26] =	ssyncadd.s32 $0xFFFFC000  }
0x92: {  	[spmem:s3] =	stream.indirect.scatter.add.f32 [tilespmem:s22], [sflag:$0x2], $0x80, s29, s25, $0xb8;
	[tilespmem:$0x18C00] =	vst v63  }
0x93: {  	_ =	swait.ge [sflag:s23], $0x4000  }
0x94: {  	s29 =	smov.u32 s31;
	[sflag:s23] =	ssyncset.done $0x0  }
0x95: {  	s28 =	sshra.s32 s28, $0x2;
	[sflag:s23] =	ssyncadd.s32 $0xFFFFC000  }
0x96: {  	[tilespmem:s22], [sflag:$0x1] =	stream.indirect.gather [hbm4b:s1+s25], $0x80, s28, s25, $0xb8;
	[tilespmem:$0x18C00] =	vst v63  }
0x97: {  	_ =	swait.ge [sflag:s26], $0x4000  }
0x98: {  	[sflag:s26] =	ssyncset.done $0x0  }
0x99: {  	s28 =	sadd.s32 $0x800, s28;
	[sflag:s26] =	ssyncadd.s32 $0xFFFFC000  }
0x9a: {  	[spmem:s3] =	stream.indirect.scatter.add.f32 [tilespmem:s22], [sflag:$0x2], $0x80, s28, s25, $0xb8;
	[tilespmem:$0x18C00] =	vst v63  }
0x9b: {  	_ =	swait.ge [sflag:s23], $0x4000  }
0x9c: {  	[sflag:s23] =	ssyncset.done $0x0  }
0x9d: {  	s28 =	simm.s32 $0x0;
	[sflag:s23] =	ssyncadd.s32 $0xFFFFC000  }
0x9e: {  	[tilespmem:s28], [sflag:$0x2] =	stream.linear.gather [hbm4b:s16+s28], $0x800, $0x38;
	[tilespmem:$0x18C00] =	vst v63  }
0x9f: {  	_ =	swait.ge [sflag:s23], $0x800  }
0xa0: {  	[sflag:s23] =	ssyncset.done $0x0  }
0xa1: {  	[sflag:s23] =	ssyncadd.s32 $0xFFFFF800  }
0xa2: {  	[tilespmem:s24], [sflag:$0x2] =	stream.linear.gather [hbm4b:s17+s28], $0x800, $0x38;
	[tilespmem:$0x18C00] =	vst v63  }
0xa3: {  	_ =	swait.ge [sflag:s23], $0x800  }
0xa4: {  	[sflag:s23] =	ssyncset.done $0x0  }
0xa5: {  	s28 =	simm.s32 $0x0;
	[sflag:s23] =	ssyncadd.s32 $0xFFFFF800  }
0xa6: {  	[tilespmem:s22], [sflag:$0x1] =	stream.indirect.gather [hbm4b:s1+s25], $0x80, s28, s25, $0xb8;
	[tilespmem:$0x18C00] =	vst v63  }
0xa7: {  	_ =	swait.ge [sflag:s26], $0x4000  }
0xa8: {  	[sflag:s26] =	ssyncset.done $0x0  }
0xa9: {  	s28 =	simm.s32 $0x800;
	[sflag:s26] =	ssyncadd.s32 $0xFFFFC000  }
0xaa: {  	[spmem:s3] =	stream.indirect.scatter.add.f32 [tilespmem:s22], [sflag:$0x2], $0x80, s28, s25, $0xb8;
	[tilespmem:$0x18C00] =	vst v63  }
0xab: {  	_ =	swait.ge [sflag:s23], $0x4000  }
0xac: {  	s29 =	simm.s32 $0x400;
	s28 =	simm.s32 $0x200;
	[sflag:s23] =	ssyncset.done $0x0  }
.LBB2_10:
0xad: {  	s30 =	sshra.s32 s28, $0x2  }
0xae: {  	[sflag:s23] =	ssyncadd.s32 $0xFFFFC000;
	s28 =	smov.u32 s29;
	s31 =	sadd.s32 $0x200, s29  }
0xaf: {  	[tilespmem:s22], [sflag:$0x1] =	stream.indirect.gather [hbm4b:s1+s25], $0x80, s30, s25, $0xb8;
	[tilespmem:$0x18C00] =	vst v63  }
0xb0: {  	p0 =	sne.s32 s29, $0x1E00;
	_ =	swait.ge [sflag:s26], $0x4000  }
.Ltmp4:
0xb1: {  	[sflag:s26] =	ssyncset.done $0x0;
	(pc) =	sbr.rel @p0 .LBB2_10-.Ltmp4, $4  }
0xb2: {  	s29 =	sadd.s32 $0x800, s30;
	[sflag:s26] =	ssyncadd.s32 $0xFFFFC000  }
0xb3: {  	[spmem:s3] =	stream.indirect.scatter.add.f32 [tilespmem:s22], [sflag:$0x2], $0x80, s29, s25, $0xb8;
	[tilespmem:$0x18C00] =	vst v63  }
0xb4: {  	_ =	swait.ge [sflag:s23], $0x4000  }
0xb5: {  	s29 =	smov.u32 s31;
	[sflag:s23] =	ssyncset.done $0x0  }
0xb6: {  	s28 =	sshra.s32 s28, $0x2;
	[sflag:s23] =	ssyncadd.s32 $0xFFFFC000  }
0xb7: {  	[tilespmem:s22], [sflag:$0x1] =	stream.indirect.gather [hbm4b:s1+s25], $0x80, s28, s25, $0xb8;
	[tilespmem:$0x18C00] =	vst v63  }
0xb8: {  	_ =	swait.ge [sflag:s26], $0x4000  }
0xb9: {  	[sflag:s26] =	ssyncset.done $0x0  }
0xba: {  	s28 =	sadd.s32 $0x800, s28;
	[sflag:s26] =	ssyncadd.s32 $0xFFFFC000  }
0xbb: {  	[spmem:s3] =	stream.indirect.scatter.add.f32 [tilespmem:s22], [sflag:$0x2], $0x80, s28, s25, $0xb8;
	[tilespmem:$0x18C00] =	vst v63  }
0xbc: {  	_ =	swait.ge [sflag:s23], $0x4000  }
0xbd: {  	[sflag:s23] =	ssyncset.done $0x0  }
0xbe: {  	s28 =	simm.s32 $0x0;
	[sflag:s23] =	ssyncadd.s32 $0xFFFFC000  }
0xbf: {  	[tilespmem:s28], [sflag:$0x2] =	stream.linear.gather [hbm4b:s18+s28], $0x800, $0x38;
	[tilespmem:$0x18C00] =	vst v63  }
0xc0: {  	_ =	swait.ge [sflag:s23], $0x800  }
0xc1: {  	[sflag:s23] =	ssyncset.done $0x0  }
0xc2: {  	[sflag:s23] =	ssyncadd.s32 $0xFFFFF800  }
0xc3: {  	[tilespmem:s24], [sflag:$0x2] =	stream.linear.gather [hbm4b:s19+s28], $0x800, $0x38;
	[tilespmem:$0x18C00] =	vst v63  }
0xc4: {  	_ =	swait.ge [sflag:s23], $0x800  }
0xc5: {  	[sflag:s23] =	ssyncset.done $0x0  }
0xc6: {  	s28 =	simm.s32 $0x0;
	[sflag:s23] =	ssyncadd.s32 $0xFFFFF800  }
0xc7: {  	[tilespmem:s22], [sflag:$0x1] =	stream.indirect.gather [hbm4b:s1+s25], $0x80, s28, s25, $0xb8;
	[tilespmem:$0x18C00] =	vst v63  }
0xc8: {  	_ =	swait.ge [sflag:s26], $0x4000  }
0xc9: {  	[sflag:s26] =	ssyncset.done $0x0  }
0xca: {  	s28 =	simm.s32 $0x800;
	[sflag:s26] =	ssyncadd.s32 $0xFFFFC000  }
0xcb: {  	[spmem:s3] =	stream.indirect.scatter.add.f32 [tilespmem:s22], [sflag:$0x2], $0x80, s28, s25, $0xb8;
	[tilespmem:$0x18C00] =	vst v63  }
0xcc: {  	_ =	swait.ge [sflag:s23], $0x4000  }
0xcd: {  	s29 =	simm.s32 $0x400;
	s28 =	simm.s32 $0x200;
	[sflag:s23] =	ssyncset.done $0x0  }
.LBB2_12:
0xce: {  	s30 =	sshra.s32 s28, $0x2  }
0xcf: {  	[sflag:s23] =	ssyncadd.s32 $0xFFFFC000;
	s28 =	smov.u32 s29;
	s31 =	sadd.s32 $0x200, s29  }
0xd0: {  	[tilespmem:s22], [sflag:$0x1] =	stream.indirect.gather [hbm4b:s1+s25], $0x80, s30, s25, $0xb8;
	[tilespmem:$0x18C00] =	vst v63  }
0xd1: {  	p0 =	sne.s32 s29, $0x1E00;
	_ =	swait.ge [sflag:s26], $0x4000  }
.Ltmp5:
0xd2: {  	[sflag:s26] =	ssyncset.done $0x0;
	(pc) =	sbr.rel @p0 .LBB2_12-.Ltmp5, $4  }
0xd3: {  	s29 =	sadd.s32 $0x800, s30;
	[sflag:s26] =	ssyncadd.s32 $0xFFFFC000  }
0xd4: {  	[spmem:s3] =	stream.indirect.scatter.add.f32 [tilespmem:s22], [sflag:$0x2], $0x80, s29, s25, $0xb8;
	[tilespmem:$0x18C00] =	vst v63  }
0xd5: {  	_ =	swait.ge [sflag:s23], $0x4000  }
0xd6: {  	s29 =	smov.u32 s31;
	[sflag:s23] =	ssyncset.done $0x0  }
0xd7: {  	s28 =	sshra.s32 s28, $0x2;
	[sflag:s23] =	ssyncadd.s32 $0xFFFFC000  }
0xd8: {  	[tilespmem:s22], [sflag:$0x1] =	stream.indirect.gather [hbm4b:s1+s25], $0x80, s28, s25, $0xb8;
	[tilespmem:$0x18C00] =	vst v63  }
0xd9: {  	_ =	swait.ge [sflag:s26], $0x4000  }
0xda: {  	[sflag:s26] =	ssyncset.done $0x0  }
0xdb: {  	s28 =	sadd.s32 $0x800, s28;
	[sflag:s26] =	ssyncadd.s32 $0xFFFFC000  }
0xdc: {  	[spmem:s3] =	stream.indirect.scatter.add.f32 [tilespmem:s22], [sflag:$0x2], $0x80, s28, s25, $0xb8;
	[tilespmem:$0x18C00] =	vst v63  }
0xdd: {  	_ =	swait.ge [sflag:s23], $0x4000  }
0xde: {  	s31 =	sshll.u32 s2, $0x6;
	s4 =	sadd.s32 $0x1, s4;
	[sflag:s23] =	ssyncset.done $0x0  }
0xdf: {  	s29 =	sshrl.u32 s5, $0x3;
	p0 =	sne.s32 s4, s21;
	[sflag:s23] =	ssyncadd.s32 $0xFFFFC000  }
.Ltmp6:
0xe0: {  	s28 =	sor.u32 $0x1C02, s31;
	[bflag:$0x0] =	sbarrier.arrive $0xFFFF;
	(pc) =	sbr.rel @p0 .LBB2_1-.Ltmp6, $4  }
0xe1: {  	[hbm:s20], [sflag:s28] =	dma.local [spmem:s29], $0x2780  }
0xe2: {  	_ =	swait.ge [sflag:s23], $0x2780  }
0xe3: {  	[sflag:s23] =	ssyncset.done $0x0  }
0xe4: {  	[sflag:s23] =	ssyncadd.s32 $0xFFFFD880  }
0xe5: {  	_ =	sfence.sel $0x180000  }
0xe6: {  	[bflag:$0x0] =	sbarrier.arrive $0xFFFF  }
0xe7: {  	p0 =	sne.s32 s2, $0x0;
	_ =	strace $0x90000047  }
0xe8: {  	s0 =	sadd.s32 @!p0 $0x100000, s0;
	[bflag:$0x2] =	sbarrier.arrive $0xFFFF  }
0xe9: {  	[sflag:s0] =	ssyncadd.tile.s32 @!p0 $0x1;
	_ =	shalt  }
.Lfunc_end2:
_tile_overlayer_lowered:
.L_overlay_start_2:
0xea: {  	(tag) =	ssettag $0x2  }
0xeb: {  	s0 =	rddreg [dreg:$0x0];
	s2 =	stileid.u32  }
0xec: {  	s1 =	rddreg [dreg:$0x1];
	p0 =	sne.s32 s2, $0x0  }
0xed: {  	s3 =	rddreg [dreg:$0x2];
	[bflag:$0x3] =	sbarrier.arrive $0xFFFF;
	s2 =	simm.s32 @!p0 $0x1C02  }
0xee: {  	[timem:s3], [sflag:s2] =	dma.local @!p0 [hbm:s0], s1  }
0xef: {  	s0 =	simm.s32 @!p0 $0x2  }
0xf0: {  	_ =	swait.ge @!p0 [sflag:s0], s1  }
0xf1: {  	s1 =	ssub.s32 @!p0 $0x0, s1;
	[sflag:s0] =	ssyncset.done @!p0 $0x0  }
0xf2: {  	[sflag:s0] =	ssyncadd.s32 @!p0 s1  }
0xf3: {  	[bflag:$0x3] =	sbarrier.arrive $0xFFFF  }
0xf4: {  	_ =	shalt  }

// kernel: kernel.14.cloned.1.call-start
scs
__scs_entry_jumppad:
0x0: {  	(pc) =	sbr.rel $0x88, $3  }
0x1: {  	(tag) =	ssettag $0x0;
	lr =	simm.s32 $0x1  }
0x2: {  	[smem:$0x3F9B] =	sst lr;
	_ =	strace $0xD0000000  }
0x3: {  	_ = 	snop  }
0x4: {  	_ = 	snop  }
0x5: {  	_ = 	snop  }
0x6: {  	_ = 	snop  }
0x7: {  	_ = 	snop  }
__scs_overlays_trampoline_lowered:
0x8: {  	[smem:$0x3FAA] =	sst s0  }
0x9: {  	[smem:$0x3FAB] =	sst s1  }
0xa: {  	[smem:$0x3FAC] =	sst s2  }
0xb: {  	[smem:$0x3FAD] =	sst s3  }
0xc: {  	[smem:$0x3FAE] =	sst s4  }
0xd: {  	[smem:$0x3FAF] =	sst s5  }
0xe: {  	[smem:$0x3FB0] =	sst s6  }
0xf: {  	[smem:$0x3FB1] =	sst s7  }
0x10: {  	[smem:$0x3FB2] =	sst s8  }
0x11: {  	[smem:$0x3FB3] =	sst s9;
	s0 =	simm.s32 @!p0 $0x0  }
0x12: {  	s1 =	sld [smem:$0x3F99];
	s0 =	simm.s32 @p0 $0x1  }
0x13: {  	[smem:$0x3FB4] =	sst s0;
	s0 =	simm.s32 @!p1 $0x0  }
0x14: {  	s2 =	sld [smem:$0x3F98];
	s0 =	simm.s32 @p1 $0x1  }
0x15: {  	[smem:$0x3FB5] =	sst s0;
	s0 =	simm.s32 @!p2 $0x0  }
0x16: {  	s3 =	sld [smem:$0x3FDB];
	s0 =	simm.s32 @p2 $0x1  }
0x17: {  	s4 =	simm.s32 $0x1BF5;
	[smem:$0x3FB7] =	sst s0  }
0x18: {  	s0 =	sld [smem:$0x3F9A];
	_ =	swait.ge [sflag:s4], $0x0  }
0x19: {  	s7 =	sld [smem:$0x3F9B]  }
0x1a: {  	s8 =	sadd.s32 $0xFFFFE003, lr  }
0x1b: {  	s9 =	sadd.s32 $0xFFFFFEF7, lr;
	s5 =	simm.s32 $0xFFFFFFFF;
	p2 =	slt.u32 s8, $0xFFFFF086  }
0x1c: {  	p1 =	slt.u32 s9, $0xF7A;
	s5 =	simm.s32 @!p2 $0x0  }
0x1d: {  	s5 =	simm.s32 @p1 $0x1;
	p0 =	seq.s32 s7, s2  }
0x1e: {  	s7 =	smul.u32 @!p0 $0xF7A, s2;
	p2 =	seq.s32 @!p0 s5, $0x0  }
0x1f: {  	s9 =	smul.u32 $0xF7A, s1;
	s8 =	simm.s32 @!p0 $0x1BF5;
	p2 =	por !p2, p0  }
0x20: {  	[sflag:s8] =	ssyncset.s32 @!p0 $0xFFFFF086;
	s6 =	sadd.s32 @!p0 s3, s7;
	s7 =	simm.s32 @!p0 $0x108  }
0x21: {  	s3 =	sadd.s32 s3, s9;
	s6 =	sadd.s32 @!p0 $0x88, s6;
	s7 =	simm.s32 @p2 $0x1082  }
0x22: {  	[simem:s7], [sflag:s8] =	dma.local @!p0 [hbm:s6], $0xF7A  }
0x23: {  	s9 =	sor.u32 $0xD0000000, s2;
	s6 =	simm.s32 $0x108;
	_ =	swait.ge @!p0 [sflag:s8], $0x0  }
0x24: {  	s3 =	sadd.s32 $0x88, s3;
	s6 =	simm.s32 @!p1 $0x1082;
	[sflag:s4] =	ssyncset.s32 $0xFFFFF086  }
0x25: {  	[simem:s6], [sflag:s4] =	dma.local [hbm:s3], $0xF7A  }
0x26: {  	[smem:$0x3F9B] =	sst s1;
	(tag) =	ssettag s2;
	_ =	strace s9  }
0x27: {  	s1 =	sld [smem:$0x3FAB]  }
0x28: {  	s2 =	sld [smem:$0x3FAC]  }
0x29: {  	s4 =	sld [smem:$0x3FAE]  }
0x2a: {  	p0 =	seq.s32 s5, $0x0;
	s5 =	sld [smem:$0x3FAF]  }
0x2b: {  	s6 =	sld [smem:$0x3FB0]  }
0x2c: {  	s7 =	sld [smem:$0x3FB1]  }
0x2d: {  	s3 =	simm.s32 $0x108;
	s8 =	sld [smem:$0x3FB2]  }
0x2e: {  	s3 =	simm.s32 @!p0 $0x1082;
	s9 =	sld [smem:$0x3FB3]  }
0x2f: {  	lr =	sadd.s32 s0, s3;
	s0 =	sld [smem:$0x3FAA]  }
0x30: {  	s3 =	sld [smem:$0x3FAD]  }
0x31: {  	[smem:$0x3FB6] =	sst s10  }
0x32: {  	s10 =	sld [smem:$0x3FB4];
	_ =	sdelay $0x3  }
0x33: {  	p0 =	seq.s32 s10, $0x1;
	s10 =	sld [smem:$0x3FB6];
	_ =	sdelay $0x3  }
0x34: {  	[smem:$0x3FB6] =	sst s10  }
0x35: {  	s10 =	sld [smem:$0x3FB5];
	_ =	sdelay $0x3  }
0x36: {  	p1 =	seq.s32 s10, $0x1;
	s10 =	sld [smem:$0x3FB6];
	_ =	sdelay $0x3  }
0x37: {  	[smem:$0x3FB6] =	sst s10  }
0x38: {  	s10 =	sld [smem:$0x3FB7]  }
0x39: {  	_ = 	snop;
	(pc) =	sbr.ind lr, $3  }
0x3a: {  	_ = 	snop  }
0x3b: {  	_ = 	snop  }
0x3c: {  	p2 =	seq.s32 s10, $0x1;
	s10 =	sld [smem:$0x3FB6]  }
0x3d: {  	_ =	shalt  }
0x3e: {  	_ =	shalt  }
0x3f: {  	_ =	shalt  }
0x40: {  	_ =	shalt  }
0x41: {  	_ =	shalt  }
0x42: {  	_ =	shalt  }
0x43: {  	_ =	shalt  }
0x44: {  	_ =	shalt  }
0x45: {  	_ =	shalt  }
0x46: {  	_ =	shalt  }
0x47: {  	_ =	shalt  }
0x48: {  	_ =	shalt  }
0x49: {  	_ =	shalt  }
0x4a: {  	_ =	shalt  }
0x4b: {  	_ =	shalt  }
0x4c: {  	_ =	shalt  }
0x4d: {  	_ =	shalt  }
0x4e: {  	_ =	shalt  }
0x4f: {  	_ =	shalt  }
0x50: {  	_ =	shalt  }
0x51: {  	_ =	shalt  }
0x52: {  	_ =	shalt  }
0x53: {  	_ =	shalt  }
0x54: {  	_ =	shalt  }
0x55: {  	_ =	shalt  }
0x56: {  	_ =	shalt  }
0x57: {  	_ =	shalt  }
0x58: {  	_ =	shalt  }
0x59: {  	_ =	shalt  }
0x5a: {  	_ =	shalt  }
0x5b: {  	_ =	shalt  }
0x5c: {  	_ =	shalt  }
0x5d: {  	_ =	shalt  }
0x5e: {  	_ =	shalt  }
0x5f: {  	_ =	shalt  }
0x60: {  	_ =	shalt  }
0x61: {  	_ =	shalt  }
0x62: {  	_ =	shalt  }
0x63: {  	_ =	shalt  }
0x64: {  	_ =	shalt  }
0x65: {  	_ =	shalt  }
0x66: {  	_ =	shalt  }
0x67: {  	_ =	shalt  }
0x68: {  	_ =	shalt  }
0x69: {  	_ =	shalt  }
0x6a: {  	_ =	shalt  }
0x6b: {  	_ =	shalt  }
0x6c: {  	_ =	shalt  }
0x6d: {  	_ =	shalt  }
0x6e: {  	_ =	shalt  }
0x6f: {  	_ =	shalt  }
0x70: {  	_ =	shalt  }
0x71: {  	_ =	shalt  }
0x72: {  	_ =	shalt  }
0x73: {  	_ =	shalt  }
0x74: {  	_ =	shalt  }
0x75: {  	_ =	shalt  }
0x76: {  	_ =	shalt  }
0x77: {  	_ =	shalt  }
0x78: {  	_ =	shalt  }
0x79: {  	_ =	shalt  }
0x7a: {  	_ =	shalt  }
0x7b: {  	_ =	shalt  }
0x7c: {  	_ =	shalt  }
0x7d: {  	_ =	shalt  }
0x7e: {  	_ =	shalt  }
0x7f: {  	_ =	shalt  }
0x80: {  	_ =	shalt  }
0x81: {  	_ =	shalt  }
0x82: {  	_ =	shalt  }
0x83: {  	_ =	shalt  }
0x84: {  	_ =	shalt  }
0x85: {  	_ =	shalt  }
0x86: {  	_ =	shalt  }
0x87: {  	_ =	shalt  }
.Lfunc_end0:
.L_simem_size_0:
called_computation.2_lowered:
.L_overlay_start_0:
0x88: {  	s2 =	sld [smem:$0x3FD9]  }
0x89: {  	s3 =	sld [smem:$0x3FFE];
	_ =	sdelay $0x1  }
0x8a: {  	s1 =	srdreg.scid  }
0x8b: {  	s0 =	sand.u32 $0x1, s1  }
0x8c: {  	s14 =	sshll.u32 s0, $0xA;
	s2 =	sadd.s32 s3, s2  }
0x8d: {  	s2 =	sadd.s32 s2, s14  }
0x8e: {  	[smem:$0x3FC2] =	sst s2  }
0x8f: {  	_ = 	snop  }
0x90: {  	s2 =	sld [smem:$0x3FD0];
	_ =	sdelay $0x2  }
0x91: {  	s15 =	simm.s32 $0xB;
	s4 =	simm.s32 $0x10  }
0x92: {  	[smem:s4], [sflag:s15] =	dma.local [hbm:s2], $0x1  }
0x93: {  	_ =	swait.eq [sflag:s15], $0x1  }
0x94: {  	[sflag:s15] =	ssyncset.done $0x0  }
0x95: {  	[sflag:s15] =	ssyncadd.s32 $0xFFFFFFFF  }
0x96: {  	s16 =	sld [smem:$0x11];
	(tm) =	ssettm $0x1  }
0x97: {  	s17 =	sld [smem:$0x3FFB];
	_ =	sdelay $0x3  }
0x98: {  	_ =	strace s17  }
0x99: {  	s3 =	sld [smem:$0x3FFC];
	_ =	sdelay $0x3  }
0x9a: {  	_ =	strace s3  }
0x9b: {  	s3 =	sld [smem:$0x3FFD];
	_ =	sdelay $0x3  }
0x9c: {  	_ =	strace s3  }
0x9d: {  	_ =	strace $0x8FFFFFFF  }
0x9e: {  	s18 =	sld [smem:$0x3FDB];
	_ =	sdelay $0x1  }
0x9f: {  	s19 =	simm.s32 $_scs_section_size  }
0xa0: {  	s5 =	simm.s32 $_size__tile_overlayer_lowered;
	s6 =	simm.s32 $_tile_overlayer_lowered  }
0xa1: {  	s22 =	simm.s32 $0x1BFF;
	s21 =	sshll.u32 s6, $0x1;
	s3 =	sadd.s32 s19, s18  }
0xa2: {  	s7 =	simm.s32 $0x0;
	s20 =	sshll.u32 s5, $0x1;
	s5 =	sadd.s32 s21, s3  }
0xa3: {  	[timem:s7], [sflag:s22] =	dma.local [hbm:s5], s20  }
0xa4: {  	_ =	swait.ge [sflag:s22], s20  }
0xa5: {  	s4 =	ssub.s32 $0x0, s20;
	[sflag:s22] =	ssyncset.done $0x0  }
0xa6: {  	[sflag:s22] =	ssyncadd.s32 s4;
	_ =	sdelay $0x1  }
0xa7: {  	s23 =	simm.s32 $0x1B8B  }
0xa8: {  	_ =	swait.ge [sflag:s23], $0x1  }
0xa9: {  	[sflag:s23] =	ssyncset.done $0x0  }
0xaa: {  	s25 =	simm.s32 $0x1B8E;
	s24 =	sld [smem:$0x3FFE];
	[sflag:s23] =	ssyncadd.s32 $0xFFFFFFFF  }
0xab: {  	s26 =	simm.s32 $execute0_lowered;
	[smem:$0x3FD2] =	sst s25  }
0xac: {  	s5 =	sshll.u32 s26, $0x1;
	_ =	strace $0x8000004C;
	[dreg:$0x1] =	wrdreg $0xFFFFFFFF  }
0xad: {  	s28 =	simm.s32 $_size_execute0_lowered;
	s3 =	sadd.s32 s3, s5;
	[dreg:$0x0] =	wrdreg $0x0  }
0xae: {  	s5 =	sshll.u32 s28, $0x1;
	[dreg:$0x2] =	wrdreg s3  }
0xaf: {  	[dreg:$0x3] =	wrdreg s5  }
0xb0: {  	[dreg:$0x4] =	wrdreg $0xC0  }
0xb1: {  	_ =	task [dreg:s7], $0x5FFFF  }
0xb2: {  	[dreg:$0x1] =	wrdreg $0xFFFFFFFF  }
0xb3: {  	[dreg:$0x0] =	wrdreg $0x60  }
0xb4: {  	[dreg:$0x2] =	wrdreg s16  }
0xb5: {  	[dreg:$0x3] =	wrdreg s24  }
0xb6: {  	[dreg:$0x4] =	wrdreg $0x50000  }
0xb7: {  	[dreg:$0x5] =	wrdreg $0x9  }
0xb8: {  	_ =	task.clear_ibuf [dreg:s7], $0x6FFFF;
	_ =	strace $0x9000004C  }
0xb9: {  	s29 =	simm.s32 $0x9;
	_ =	strace $0x8000004E  }
0xba: {  	_ =	swait.ge [sflag:s29], $0x1  }
0xbb: {  	[sflag:s29] =	ssyncadd.s32 $0xFFFFFFFF  }
0xbc: {  	_ =	strace $0x9000004E  }
0xbd: {  	_ =	sfence  }
0xbe: {  	s30 =	sld [smem:$0x0];
	_ =	sdelay $0x2  }
0xbf: {  	s31 =	sshll.u32 s1, $0xD;
	s1 =	sshrl.u32 s1, $0x2  }
0xc0: {  	s3 =	sand.u32 $0x4000, s31;
	s1 =	sadd.s32 s1, s30  }
0xc1: {  	s0 =	sor.u32 s3, s0;
	s1 =	sshll.u32 s1, $0x11  }
0xc2: {  	s0 =	sor.u32 s1, s0  }
0xc3: {  	s0 =	sadd.s32 $0x8F2B, s0  }
0xc4: {  	[sflag:s0] =	ssyncadd.remote.s32 $0x1  }
0xc5: {  	_ =	sfence.sel $0xFFFF  }
0xc6: {  	[dreg:$0x0] =	wrdreg $0xFFFFFFFF;
	(pc) =	sbr.abs _section_cstart, $3  }
0xc7: {  	[dreg:$0x1] =	wrdreg $0xFFFFFFFF  }
0xc8: {  	_ =	task.clear_ibuf [dreg:s7], $0x2FFFF;
	_ =	strace $0x9FFFFFFF  }
0xc9: {  	(tm) =	ssettm $0x7FFFFFFF  }
tec
execute0_lowered:
.L_overlay_start_1:
0x0: {  	(tag) =	ssettag $0x1  }
0x1: {  	s1 =	rddreg [dreg:$0x0]  }
0x2: {  	s5 =	rddreg [dreg:$0x1]  }
0x3: {  	s3 =	rddreg [dreg:$0x2]  }
0x4: {  	s0 =	rddreg [dreg:$0x3]  }
0x5: {  	s6 =	srdreg.scid;
	s2 =	stileid.u32;
	s4 =	simm.s32 $0x0  }
0x6: {  	s23 =	simm.s32 $0x2;
	s24 =	simm.s32 $0x800;
	s25 =	simm.s32 $0x80  }
0x7: {  	s26 =	simm.s32 $0x1;
	s6 =	sand.u32 $0x1, s6;
	s7 =	smul.u32 $0x2780, s2  }
0x8: {  	[smem:$0x7FF] =	sst s4;
	s18 =	sadd.s32 $0x2A00, s5;
	s28 =	smul.u32 $0x4F000, s2  }
0x9: {  	s8 =	smul.u32 $0x27800, s6;
	s29 =	ssub.s32 $0x2, s6;
	s6 =	sshll.u32 s6, $0x4  }
0xa: {  	s19 =	sadd.s32 $0xCA00, s5;
	_ =	strace $0x8000004D;
	s9 =	sor.u32 s2, s6  }
0xb: {  	s30 =	sshrl.u32 s29, $0x1;
	s31 =	sshrl.u32 s28, $0x2;
	s10 =	smul.u32 $0x2800, s9  }
0xc: {  	s7 =	sadd.s32 s7, s8;
	s21 =	ssub.s32 s29, s30;
	s11 =	smul.u32 $0x500, s9  }
0xd: {  	s20 =	sadd.s32 s7, s5;
	s5 =	sadd.s32 s31, s3;
	s21 =	smax.u32 s21, $0x1  }
0xe: {  	s6 =	sadd.s32 $0x4000, s5;
	s7 =	sadd.s32 $0x8000, s5;
	s8 =	sadd.s32 $0xC000, s5  }
0xf: {  	s9 =	sadd.s32 $0x10000, s5;
	s22 =	sshrl.u32 s10, $0x3;
	s10 =	sadd.s32 s18, s11  }
0x10: {  	s11 =	sadd.s32 s19, s11;
	s20 =	sadd.s32 $0x16A00, s20;
	s13 =	sadd.s32 $0x100, s22  }
0x11: {  	s15 =	sadd.s32 $0x200, s22;
	s17 =	sadd.s32 $0x300, s22;
	s22 =	sadd.s32 $0x400, s22  }
0x12: {  	s12 =	sadd.s32 s18, s13;
	s13 =	sadd.s32 s19, s13;
	s14 =	sadd.s32 s18, s15  }
0x13: {  	s15 =	sadd.s32 s19, s15;
	s16 =	sadd.s32 s18, s17;
	s17 =	sadd.s32 s19, s17  }
0x14: {  	v0 =	vimm.f32 $0.0e+00;
	s18 =	sadd.s32 s18, s22;
	s19 =	sadd.s32 s19, s22;
	s22 =	simm.s32 $0x1000  }
.LBB2_1:
0x15: {  	s28 =	simm.s32 $0x0;
	s29 =	simm.s32 $0x200  }
.LBB2_2:
0x16: {  	p0 =	sne.s32 s29, $0xFE00;
	[tilespmem:s28+$0x1070] =	vst v0  }
0x17: {  	[tilespmem:s28+$0x1000] =	vst v0  }
0x18: {  	[tilespmem:s28+$0x1010] =	vst v0  }
.Ltmp0:
0x19: {  	[tilespmem:s28+$0x1020] =	vst v0;
	(pc) =	sbr.rel @p0 .LBB2_2-.Ltmp0, $4  }
0x1a: {  	[tilespmem:s28+$0x1030] =	vst v0  }
0x1b: {  	[tilespmem:s28+$0x1040] =	vst v0  }
0x1c: {  	[tilespmem:s28+$0x1050] =	vst v0  }
0x1d: {  	[tilespmem:s28+$0x1060] =	vst v0;
	s28 =	sshra.s32 s29, $0x2;
	s29 =	sadd.s32 $0x200, s29  }
0x1e: {  	[tilespmem:s28+$0x1070] =	vst v0  }
0x1f: {  	[tilespmem:s28+$0x1000] =	vst v0  }
0x20: {  	[tilespmem:s28+$0x1010] =	vst v0  }
0x21: {  	[tilespmem:s28+$0x1020] =	vst v0  }
0x22: {  	[tilespmem:s28+$0x1030] =	vst v0  }
0x23: {  	[tilespmem:s28+$0x1040] =	vst v0  }
0x24: {  	[tilespmem:s28+$0x1050] =	vst v0  }
0x25: {  	[tilespmem:s28+$0x1060] =	vst v0  }
0x26: {  	[spmem:s5] =	stream.linear.scatter [tilespmem:s22], [sflag:$0x2], $0x4000, $0x38;
	[tilespmem:$0x18C00] =	vst v63  }
0x27: {  	_ =	swait.ge [sflag:s23], $0x4000  }
0x28: {  	[sflag:s23] =	ssyncset.done $0x0  }
0x29: {  	[sflag:s23] =	ssyncadd.s32 $0xFFFFC000  }
0x2a: {  	[spmem:s6] =	stream.linear.scatter [tilespmem:s22], [sflag:$0x2], $0x4000, $0x38;
	[tilespmem:$0x18C00] =	vst v63  }
0x2b: {  	_ =	swait.ge [sflag:s23], $0x4000  }
0x2c: {  	[sflag:s23] =	ssyncset.done $0x0  }
0x2d: {  	[sflag:s23] =	ssyncadd.s32 $0xFFFFC000  }
0x2e: {  	[spmem:s7] =	stream.linear.scatter [tilespmem:s22], [sflag:$0x2], $0x4000, $0x38;
	[tilespmem:$0x18C00] =	vst v63  }
0x2f: {  	_ =	swait.ge [sflag:s23], $0x4000  }
0x30: {  	[sflag:s23] =	ssyncset.done $0x0  }
0x31: {  	[sflag:s23] =	ssyncadd.s32 $0xFFFFC000  }
0x32: {  	[spmem:s8] =	stream.linear.scatter [tilespmem:s22], [sflag:$0x2], $0x4000, $0x38;
	[tilespmem:$0x18C00] =	vst v63  }
0x33: {  	_ =	swait.ge [sflag:s23], $0x4000  }
0x34: {  	[sflag:s23] =	ssyncset.done $0x0  }
0x35: {  	[sflag:s23] =	ssyncadd.s32 $0xFFFFC000  }
0x36: {  	[spmem:s9] =	stream.linear.scatter [tilespmem:s22], [sflag:$0x2], $0x3C00, $0x38;
	[tilespmem:$0x18C00] =	vst v63  }
0x37: {  	_ =	swait.ge [sflag:s23], $0x3C00  }
0x38: {  	[sflag:s23] =	ssyncset.done $0x0  }
0x39: {  	[sflag:s23] =	ssyncadd.s32 $0xFFFFC400  }
0x3a: {  	s28 =	simm.s32 $0x0;
	[bflag:$0x0] =	sbarrier.arrive $0xFFFF  }
0x3b: {  	[tilespmem:s28], [sflag:$0x2] =	stream.linear.gather [hbm4b:s10+s28], $0x800, $0x38;
	[tilespmem:$0x18C00] =	vst v63  }
0x3c: {  	_ =	swait.ge [sflag:s23], $0x800  }
0x3d: {  	[sflag:s23] =	ssyncset.done $0x0  }
0x3e: {  	[sflag:s23] =	ssyncadd.s32 $0xFFFFF800  }
0x3f: {  	[tilespmem:s24], [sflag:$0x2] =	stream.linear.gather [hbm4b:s11+s28], $0x800, $0x38;
	[tilespmem:$0x18C00] =	vst v63  }
0x40: {  	_ =	swait.ge [sflag:s23], $0x800  }
0x41: {  	[sflag:s23] =	ssyncset.done $0x0  }
0x42: {  	s28 =	simm.s32 $0x0;
	[sflag:s23] =	ssyncadd.s32 $0xFFFFF800  }
0x43: {  	[tilespmem:s22], [sflag:$0x1] =	stream.indirect.gather [hbm4b:s1+s25], $0x80, s28, s25, $0xb8;
	[tilespmem:$0x18C00] =	vst v63  }
0x44: {  	_ =	swait.ge [sflag:s26], $0x4000  }
0x45: {  	[sflag:s26] =	ssyncset.done $0x0  }
0x46: {  	s28 =	simm.s32 $0x800;
	[sflag:s26] =	ssyncadd.s32 $0xFFFFC000  }
0x47: {  	[spmem:s3] =	stream.indirect.scatter.add.f32 [tilespmem:s22], [sflag:$0x2], $0x80, s28, s25, $0xb8;
	[tilespmem:$0x18C00] =	vst v63  }
0x48: {  	_ =	swait.ge [sflag:s23], $0x4000  }
0x49: {  	s29 =	simm.s32 $0x400;
	s28 =	simm.s32 $0x200;
	[sflag:s23] =	ssyncset.done $0x0  }
.LBB2_4:
0x4a: {  	s30 =	sshra.s32 s28, $0x2  }
0x4b: {  	[sflag:s23] =	ssyncadd.s32 $0xFFFFC000;
	s28 =	smov.u32 s29;
	s31 =	sadd.s32 $0x200, s29  }
0x4c: {  	[tilespmem:s22], [sflag:$0x1] =	stream.indirect.gather [hbm4b:s1+s25], $0x80, s30, s25, $0xb8;
	[tilespmem:$0x18C00] =	vst v63  }
0x4d: {  	p0 =	sne.s32 s29, $0x1E00;
	_ =	swait.ge [sflag:s26], $0x4000  }
.Ltmp1:
0x4e: {  	[sflag:s26] =	ssyncset.done $0x0;
	(pc) =	sbr.rel @p0 .LBB2_4-.Ltmp1, $4  }
0x4f: {  	s29 =	sadd.s32 $0x800, s30;
	[sflag:s26] =	ssyncadd.s32 $0xFFFFC000  }
0x50: {  	[spmem:s3] =	stream.indirect.scatter.add.f32 [tilespmem:s22], [sflag:$0x2], $0x80, s29, s25, $0xb8;
	[tilespmem:$0x18C00] =	vst v63  }
0x51: {  	_ =	swait.ge [sflag:s23], $0x4000  }
0x52: {  	s29 =	smov.u32 s31;
	[sflag:s23] =	ssyncset.done $0x0  }
0x53: {  	s28 =	sshra.s32 s28, $0x2;
	[sflag:s23] =	ssyncadd.s32 $0xFFFFC000  }
0x54: {  	[tilespmem:s22], [sflag:$0x1] =	stream.indirect.gather [hbm4b:s1+s25], $0x80, s28, s25, $0xb8;
	[tilespmem:$0x18C00] =	vst v63  }
0x55: {  	_ =	swait.ge [sflag:s26], $0x4000  }
0x56: {  	[sflag:s26] =	ssyncset.done $0x0  }
0x57: {  	s28 =	sadd.s32 $0x800, s28;
	[sflag:s26] =	ssyncadd.s32 $0xFFFFC000  }
0x58: {  	[spmem:s3] =	stream.indirect.scatter.add.f32 [tilespmem:s22], [sflag:$0x2], $0x80, s28, s25, $0xb8;
	[tilespmem:$0x18C00] =	vst v63  }
0x59: {  	_ =	swait.ge [sflag:s23], $0x4000  }
0x5a: {  	[sflag:s23] =	ssyncset.done $0x0  }
0x5b: {  	s28 =	simm.s32 $0x0;
	[sflag:s23] =	ssyncadd.s32 $0xFFFFC000  }
0x5c: {  	[tilespmem:s28], [sflag:$0x2] =	stream.linear.gather [hbm4b:s12+s28], $0x800, $0x38;
	[tilespmem:$0x18C00] =	vst v63  }
0x5d: {  	_ =	swait.ge [sflag:s23], $0x800  }
0x5e: {  	[sflag:s23] =	ssyncset.done $0x0  }
0x5f: {  	[sflag:s23] =	ssyncadd.s32 $0xFFFFF800  }
0x60: {  	[tilespmem:s24], [sflag:$0x2] =	stream.linear.gather [hbm4b:s13+s28], $0x800, $0x38;
	[tilespmem:$0x18C00] =	vst v63  }
0x61: {  	_ =	swait.ge [sflag:s23], $0x800  }
0x62: {  	[sflag:s23] =	ssyncset.done $0x0  }
0x63: {  	s28 =	simm.s32 $0x0;
	[sflag:s23] =	ssyncadd.s32 $0xFFFFF800  }
0x64: {  	[tilespmem:s22], [sflag:$0x1] =	stream.indirect.gather [hbm4b:s1+s25], $0x80, s28, s25, $0xb8;
	[tilespmem:$0x18C00] =	vst v63  }
0x65: {  	_ =	swait.ge [sflag:s26], $0x4000  }
0x66: {  	[sflag:s26] =	ssyncset.done $0x0  }
0x67: {  	s28 =	simm.s32 $0x800;
	[sflag:s26] =	ssyncadd.s32 $0xFFFFC000  }
0x68: {  	[spmem:s3] =	stream.indirect.scatter.add.f32 [tilespmem:s22], [sflag:$0x2], $0x80, s28, s25, $0xb8;
	[tilespmem:$0x18C00] =	vst v63  }
0x69: {  	_ =	swait.ge [sflag:s23], $0x4000  }
0x6a: {  	s29 =	simm.s32 $0x400;
	s28 =	simm.s32 $0x200;
	[sflag:s23] =	ssyncset.done $0x0  }
.LBB2_6:
0x6b: {  	s30 =	sshra.s32 s28, $0x2  }
0x6c: {  	[sflag:s23] =	ssyncadd.s32 $0xFFFFC000;
	s28 =	smov.u32 s29;
	s31 =	sadd.s32 $0x200, s29  }
0x6d: {  	[tilespmem:s22], [sflag:$0x1] =	stream.indirect.gather [hbm4b:s1+s25], $0x80, s30, s25, $0xb8;
	[tilespmem:$0x18C00] =	vst v63  }
0x6e: {  	p0 =	sne.s32 s29, $0x1E00;
	_ =	swait.ge [sflag:s26], $0x4000  }
.Ltmp2:
0x6f: {  	[sflag:s26] =	ssyncset.done $0x0;
	(pc) =	sbr.rel @p0 .LBB2_6-.Ltmp2, $4  }
0x70: {  	s29 =	sadd.s32 $0x800, s30;
	[sflag:s26] =	ssyncadd.s32 $0xFFFFC000  }
0x71: {  	[spmem:s3] =	stream.indirect.scatter.add.f32 [tilespmem:s22], [sflag:$0x2], $0x80, s29, s25, $0xb8;
	[tilespmem:$0x18C00] =	vst v63  }
0x72: {  	_ =	swait.ge [sflag:s23], $0x4000  }
0x73: {  	s29 =	smov.u32 s31;
	[sflag:s23] =	ssyncset.done $0x0  }
0x74: {  	s28 =	sshra.s32 s28, $0x2;
	[sflag:s23] =	ssyncadd.s32 $0xFFFFC000  }
0x75: {  	[tilespmem:s22], [sflag:$0x1] =	stream.indirect.gather [hbm4b:s1+s25], $0x80, s28, s25, $0xb8;
	[tilespmem:$0x18C00] =	vst v63  }
0x76: {  	_ =	swait.ge [sflag:s26], $0x4000  }
0x77: {  	[sflag:s26] =	ssyncset.done $0x0  }
0x78: {  	s28 =	sadd.s32 $0x800, s28;
	[sflag:s26] =	ssyncadd.s32 $0xFFFFC000  }
0x79: {  	[spmem:s3] =	stream.indirect.scatter.add.f32 [tilespmem:s22], [sflag:$0x2], $0x80, s28, s25, $0xb8;
	[tilespmem:$0x18C00] =	vst v63  }
0x7a: {  	_ =	swait.ge [sflag:s23], $0x4000  }
0x7b: {  	[sflag:s23] =	ssyncset.done $0x0  }
0x7c: {  	s28 =	simm.s32 $0x0;
	[sflag:s23] =	ssyncadd.s32 $0xFFFFC000  }
0x7d: {  	[tilespmem:s28], [sflag:$0x2] =	stream.linear.gather [hbm4b:s14+s28], $0x800, $0x38;
	[tilespmem:$0x18C00] =	vst v63  }
0x7e: {  	_ =	swait.ge [sflag:s23], $0x800  }
0x7f: {  	[sflag:s23] =	ssyncset.done $0x0  }
0x80: {  	[sflag:s23] =	ssyncadd.s32 $0xFFFFF800  }
0x81: {  	[tilespmem:s24], [sflag:$0x2] =	stream.linear.gather [hbm4b:s15+s28], $0x800, $0x38;
	[tilespmem:$0x18C00] =	vst v63  }
0x82: {  	_ =	swait.ge [sflag:s23], $0x800  }
0x83: {  	[sflag:s23] =	ssyncset.done $0x0  }
0x84: {  	s28 =	simm.s32 $0x0;
	[sflag:s23] =	ssyncadd.s32 $0xFFFFF800  }
0x85: {  	[tilespmem:s22], [sflag:$0x1] =	stream.indirect.gather [hbm4b:s1+s25], $0x80, s28, s25, $0xb8;
	[tilespmem:$0x18C00] =	vst v63  }
0x86: {  	_ =	swait.ge [sflag:s26], $0x4000  }
0x87: {  	[sflag:s26] =	ssyncset.done $0x0  }
0x88: {  	s28 =	simm.s32 $0x800;
	[sflag:s26] =	ssyncadd.s32 $0xFFFFC000  }
0x89: {  	[spmem:s3] =	stream.indirect.scatter.add.f32 [tilespmem:s22], [sflag:$0x2], $0x80, s28, s25, $0xb8;
	[tilespmem:$0x18C00] =	vst v63  }
0x8a: {  	_ =	swait.ge [sflag:s23], $0x4000  }
0x8b: {  	s29 =	simm.s32 $0x400;
	s28 =	simm.s32 $0x200;
	[sflag:s23] =	ssyncset.done $0x0  }
.LBB2_8:
0x8c: {  	s30 =	sshra.s32 s28, $0x2  }
0x8d: {  	[sflag:s23] =	ssyncadd.s32 $0xFFFFC000;
	s28 =	smov.u32 s29;
	s31 =	sadd.s32 $0x200, s29  }
0x8e: {  	[tilespmem:s22], [sflag:$0x1] =	stream.indirect.gather [hbm4b:s1+s25], $0x80, s30, s25, $0xb8;
	[tilespmem:$0x18C00] =	vst v63  }
0x8f: {  	p0 =	sne.s32 s29, $0x1E00;
	_ =	swait.ge [sflag:s26], $0x4000  }
.Ltmp3:
0x90: {  	[sflag:s26] =	ssyncset.done $0x0;
	(pc) =	sbr.rel @p0 .LBB2_8-.Ltmp3, $4  }
0x91: {  	s29 =	sadd.s32 $0x800, s30;
	[sflag:s26] =	ssyncadd.s32 $0xFFFFC000  }
0x92: {  	[spmem:s3] =	stream.indirect.scatter.add.f32 [tilespmem:s22], [sflag:$0x2], $0x80, s29, s25, $0xb8;
	[tilespmem:$0x18C00] =	vst v63  }
0x93: {  	_ =	swait.ge [sflag:s23], $0x4000  }
0x94: {  	s29 =	smov.u32 s31;
	[sflag:s23] =	ssyncset.done $0x0  }
0x95: {  	s28 =	sshra.s32 s28, $0x2;
	[sflag:s23] =	ssyncadd.s32 $0xFFFFC000  }
0x96: {  	[tilespmem:s22], [sflag:$0x1] =	stream.indirect.gather [hbm4b:s1+s25], $0x80, s28, s25, $0xb8;
	[tilespmem:$0x18C00] =	vst v63  }
0x97: {  	_ =	swait.ge [sflag:s26], $0x4000  }
0x98: {  	[sflag:s26] =	ssyncset.done $0x0  }
0x99: {  	s28 =	sadd.s32 $0x800, s28;
	[sflag:s26] =	ssyncadd.s32 $0xFFFFC000  }
0x9a: {  	[spmem:s3] =	stream.indirect.scatter.add.f32 [tilespmem:s22], [sflag:$0x2], $0x80, s28, s25, $0xb8;
	[tilespmem:$0x18C00] =	vst v63  }
0x9b: {  	_ =	swait.ge [sflag:s23], $0x4000  }
0x9c: {  	[sflag:s23] =	ssyncset.done $0x0  }
0x9d: {  	s28 =	simm.s32 $0x0;
	[sflag:s23] =	ssyncadd.s32 $0xFFFFC000  }
0x9e: {  	[tilespmem:s28], [sflag:$0x2] =	stream.linear.gather [hbm4b:s16+s28], $0x800, $0x38;
	[tilespmem:$0x18C00] =	vst v63  }
0x9f: {  	_ =	swait.ge [sflag:s23], $0x800  }
0xa0: {  	[sflag:s23] =	ssyncset.done $0x0  }
0xa1: {  	[sflag:s23] =	ssyncadd.s32 $0xFFFFF800  }
0xa2: {  	[tilespmem:s24], [sflag:$0x2] =	stream.linear.gather [hbm4b:s17+s28], $0x800, $0x38;
	[tilespmem:$0x18C00] =	vst v63  }
0xa3: {  	_ =	swait.ge [sflag:s23], $0x800  }
0xa4: {  	[sflag:s23] =	ssyncset.done $0x0  }
0xa5: {  	s28 =	simm.s32 $0x0;
	[sflag:s23] =	ssyncadd.s32 $0xFFFFF800  }
0xa6: {  	[tilespmem:s22], [sflag:$0x1] =	stream.indirect.gather [hbm4b:s1+s25], $0x80, s28, s25, $0xb8;
	[tilespmem:$0x18C00] =	vst v63  }
0xa7: {  	_ =	swait.ge [sflag:s26], $0x4000  }
0xa8: {  	[sflag:s26] =	ssyncset.done $0x0  }
0xa9: {  	s28 =	simm.s32 $0x800;
	[sflag:s26] =	ssyncadd.s32 $0xFFFFC000  }
0xaa: {  	[spmem:s3] =	stream.indirect.scatter.add.f32 [tilespmem:s22], [sflag:$0x2], $0x80, s28, s25, $0xb8;
	[tilespmem:$0x18C00] =	vst v63  }
0xab: {  	_ =	swait.ge [sflag:s23], $0x4000  }
0xac: {  	s29 =	simm.s32 $0x400;
	s28 =	simm.s32 $0x200;
	[sflag:s23] =	ssyncset.done $0x0  }
.LBB2_10:
0xad: {  	s30 =	sshra.s32 s28, $0x2  }
0xae: {  	[sflag:s23] =	ssyncadd.s32 $0xFFFFC000;
	s28 =	smov.u32 s29;
	s31 =	sadd.s32 $0x200, s29  }
0xaf: {  	[tilespmem:s22], [sflag:$0x1] =	stream.indirect.gather [hbm4b:s1+s25], $0x80, s30, s25, $0xb8;
	[tilespmem:$0x18C00] =	vst v63  }
0xb0: {  	p0 =	sne.s32 s29, $0x1E00;
	_ =	swait.ge [sflag:s26], $0x4000  }
.Ltmp4:
0xb1: {  	[sflag:s26] =	ssyncset.done $0x0;
	(pc) =	sbr.rel @p0 .LBB2_10-.Ltmp4, $4  }
0xb2: {  	s29 =	sadd.s32 $0x800, s30;
	[sflag:s26] =	ssyncadd.s32 $0xFFFFC000  }
0xb3: {  	[spmem:s3] =	stream.indirect.scatter.add.f32 [tilespmem:s22], [sflag:$0x2], $0x80, s29, s25, $0xb8;
	[tilespmem:$0x18C00] =	vst v63  }
0xb4: {  	_ =	swait.ge [sflag:s23], $0x4000  }
0xb5: {  	s29 =	smov.u32 s31;
	[sflag:s23] =	ssyncset.done $0x0  }
0xb6: {  	s28 =	sshra.s32 s28, $0x2;
	[sflag:s23] =	ssyncadd.s32 $0xFFFFC000  }
0xb7: {  	[tilespmem:s22], [sflag:$0x1] =	stream.indirect.gather [hbm4b:s1+s25], $0x80, s28, s25, $0xb8;
	[tilespmem:$0x18C00] =	vst v63  }
0xb8: {  	_ =	swait.ge [sflag:s26], $0x4000  }
0xb9: {  	[sflag:s26] =	ssyncset.done $0x0  }
0xba: {  	s28 =	sadd.s32 $0x800, s28;
	[sflag:s26] =	ssyncadd.s32 $0xFFFFC000  }
0xbb: {  	[spmem:s3] =	stream.indirect.scatter.add.f32 [tilespmem:s22], [sflag:$0x2], $0x80, s28, s25, $0xb8;
	[tilespmem:$0x18C00] =	vst v63  }
0xbc: {  	_ =	swait.ge [sflag:s23], $0x4000  }
0xbd: {  	[sflag:s23] =	ssyncset.done $0x0  }
0xbe: {  	s28 =	simm.s32 $0x0;
	[sflag:s23] =	ssyncadd.s32 $0xFFFFC000  }
0xbf: {  	[tilespmem:s28], [sflag:$0x2] =	stream.linear.gather [hbm4b:s18+s28], $0x800, $0x38;
	[tilespmem:$0x18C00] =	vst v63  }
0xc0: {  	_ =	swait.ge [sflag:s23], $0x800  }
0xc1: {  	[sflag:s23] =	ssyncset.done $0x0  }
0xc2: {  	[sflag:s23] =	ssyncadd.s32 $0xFFFFF800  }
0xc3: {  	[tilespmem:s24], [sflag:$0x2] =	stream.linear.gather [hbm4b:s19+s28], $0x800, $0x38;
	[tilespmem:$0x18C00] =	vst v63  }
0xc4: {  	_ =	swait.ge [sflag:s23], $0x800  }
0xc5: {  	[sflag:s23] =	ssyncset.done $0x0  }
0xc6: {  	s28 =	simm.s32 $0x0;
	[sflag:s23] =	ssyncadd.s32 $0xFFFFF800  }
0xc7: {  	[tilespmem:s22], [sflag:$0x1] =	stream.indirect.gather [hbm4b:s1+s25], $0x80, s28, s25, $0xb8;
	[tilespmem:$0x18C00] =	vst v63  }
0xc8: {  	_ =	swait.ge [sflag:s26], $0x4000  }
0xc9: {  	[sflag:s26] =	ssyncset.done $0x0  }
0xca: {  	s28 =	simm.s32 $0x800;
	[sflag:s26] =	ssyncadd.s32 $0xFFFFC000  }
0xcb: {  	[spmem:s3] =	stream.indirect.scatter.add.f32 [tilespmem:s22], [sflag:$0x2], $0x80, s28, s25, $0xb8;
	[tilespmem:$0x18C00] =	vst v63  }
0xcc: {  	_ =	swait.ge [sflag:s23], $0x4000  }
0xcd: {  	s29 =	simm.s32 $0x400;
	s28 =	simm.s32 $0x200;
	[sflag:s23] =	ssyncset.done $0x0  }
.LBB2_12:
0xce: {  	s30 =	sshra.s32 s28, $0x2  }
0xcf: {  	[sflag:s23] =	ssyncadd.s32 $0xFFFFC000;
	s28 =	smov.u32 s29;
	s31 =	sadd.s32 $0x200, s29  }
0xd0: {  	[tilespmem:s22], [sflag:$0x1] =	stream.indirect.gather [hbm4b:s1+s25], $0x80, s30, s25, $0xb8;
	[tilespmem:$0x18C00] =	vst v63  }
0xd1: {  	p0 =	sne.s32 s29, $0x1E00;
	_ =	swait.ge [sflag:s26], $0x4000  }
.Ltmp5:
0xd2: {  	[sflag:s26] =	ssyncset.done $0x0;
	(pc) =	sbr.rel @p0 .LBB2_12-.Ltmp5, $4  }
0xd3: {  	s29 =	sadd.s32 $0x800, s30;
	[sflag:s26] =	ssyncadd.s32 $0xFFFFC000  }
0xd4: {  	[spmem:s3] =	stream.indirect.scatter.add.f32 [tilespmem:s22], [sflag:$0x2], $0x80, s29, s25, $0xb8;
	[tilespmem:$0x18C00] =	vst v63  }
0xd5: {  	_ =	swait.ge [sflag:s23], $0x4000  }
0xd6: {  	s29 =	smov.u32 s31;
	[sflag:s23] =	ssyncset.done $0x0  }
0xd7: {  	s28 =	sshra.s32 s28, $0x2;
	[sflag:s23] =	ssyncadd.s32 $0xFFFFC000  }
0xd8: {  	[tilespmem:s22], [sflag:$0x1] =	stream.indirect.gather [hbm4b:s1+s25], $0x80, s28, s25, $0xb8;
	[tilespmem:$0x18C00] =	vst v63  }
0xd9: {  	_ =	swait.ge [sflag:s26], $0x4000  }
0xda: {  	[sflag:s26] =	ssyncset.done $0x0  }
0xdb: {  	s28 =	sadd.s32 $0x800, s28;
	[sflag:s26] =	ssyncadd.s32 $0xFFFFC000  }
0xdc: {  	[spmem:s3] =	stream.indirect.scatter.add.f32 [tilespmem:s22], [sflag:$0x2], $0x80, s28, s25, $0xb8;
	[tilespmem:$0x18C00] =	vst v63  }
0xdd: {  	_ =	swait.ge [sflag:s23], $0x4000  }
0xde: {  	s31 =	sshll.u32 s2, $0x6;
	s4 =	sadd.s32 $0x1, s4;
	[sflag:s23] =	ssyncset.done $0x0  }
0xdf: {  	s29 =	sshrl.u32 s5, $0x3;
	p0 =	sne.s32 s4, s21;
	[sflag:s23] =	ssyncadd.s32 $0xFFFFC000  }
.Ltmp6:
0xe0: {  	s28 =	sor.u32 $0x1C02, s31;
	[bflag:$0x0] =	sbarrier.arrive $0xFFFF;
	(pc) =	sbr.rel @p0 .LBB2_1-.Ltmp6, $4  }
0xe1: {  	[hbm:s20], [sflag:s28] =	dma.local [spmem:s29], $0x2780  }
0xe2: {  	_ =	swait.ge [sflag:s23], $0x2780  }
0xe3: {  	[sflag:s23] =	ssyncset.done $0x0  }
0xe4: {  	[sflag:s23] =	ssyncadd.s32 $0xFFFFD880  }
0xe5: {  	_ =	sfence.sel $0x180000  }
0xe6: {  	[bflag:$0x0] =	sbarrier.arrive $0xFFFF  }
0xe7: {  	p0 =	sne.s32 s2, $0x0;
	_ =	strace $0x9000004D  }
0xe8: {  	s0 =	sadd.s32 @!p0 $0x100000, s0;
	[bflag:$0x2] =	sbarrier.arrive $0xFFFF  }
0xe9: {  	[sflag:s0] =	ssyncadd.tile.s32 @!p0 $0x1;
	_ =	shalt  }
.Lfunc_end2:
_tile_overlayer_lowered:
.L_overlay_start_2:
0xea: {  	(tag) =	ssettag $0x2  }
0xeb: {  	s0 =	rddreg [dreg:$0x0];
	s2 =	stileid.u32  }
0xec: {  	s1 =	rddreg [dreg:$0x1];
	p0 =	sne.s32 s2, $0x0  }
0xed: {  	s3 =	rddreg [dreg:$0x2];
	[bflag:$0x3] =	sbarrier.arrive $0xFFFF;
	s2 =	simm.s32 @!p0 $0x1C02  }
0xee: {  	[timem:s3], [sflag:s2] =	dma.local @!p0 [hbm:s0], s1  }
0xef: {  	s0 =	simm.s32 @!p0 $0x2  }
0xf0: {  	_ =	swait.ge @!p0 [sflag:s0], s1  }
0xf1: {  	s1 =	ssub.s32 @!p0 $0x0, s1;
	[sflag:s0] =	ssyncset.done @!p0 $0x0  }
0xf2: {  	[sflag:s0] =	ssyncadd.s32 @!p0 s1  }
0xf3: {  	[bflag:$0x3] =	sbarrier.arrive $0xFFFF  }
0xf4: {  	_ =	shalt  }

// kernel: kernel.8.cloned.1.call-start
scs
__scs_entry_jumppad:
0x0: {  	(pc) =	sbr.rel $0x88, $3  }
0x1: {  	(tag) =	ssettag $0x0;
	lr =	simm.s32 $0x1  }
0x2: {  	[smem:$0x3F9B] =	sst lr;
	_ =	strace $0xD0000000  }
0x3: {  	_ = 	snop  }
0x4: {  	_ = 	snop  }
0x5: {  	_ = 	snop  }
0x6: {  	_ = 	snop  }
0x7: {  	_ = 	snop  }
__scs_overlays_trampoline_lowered:
0x8: {  	[smem:$0x3FAA] =	sst s0  }
0x9: {  	[smem:$0x3FAB] =	sst s1  }
0xa: {  	[smem:$0x3FAC] =	sst s2  }
0xb: {  	[smem:$0x3FAD] =	sst s3  }
0xc: {  	[smem:$0x3FAE] =	sst s4  }
0xd: {  	[smem:$0x3FAF] =	sst s5  }
0xe: {  	[smem:$0x3FB0] =	sst s6  }
0xf: {  	[smem:$0x3FB1] =	sst s7  }
0x10: {  	[smem:$0x3FB2] =	sst s8  }
0x11: {  	[smem:$0x3FB3] =	sst s9;
	s0 =	simm.s32 @!p0 $0x0  }
0x12: {  	s1 =	sld [smem:$0x3F99];
	s0 =	simm.s32 @p0 $0x1  }
0x13: {  	[smem:$0x3FB4] =	sst s0;
	s0 =	simm.s32 @!p1 $0x0  }
0x14: {  	s2 =	sld [smem:$0x3F98];
	s0 =	simm.s32 @p1 $0x1  }
0x15: {  	[smem:$0x3FB5] =	sst s0;
	s0 =	simm.s32 @!p2 $0x0  }
0x16: {  	s3 =	sld [smem:$0x3FDB];
	s0 =	simm.s32 @p2 $0x1  }
0x17: {  	s4 =	simm.s32 $0x1BF5;
	[smem:$0x3FB7] =	sst s0  }
0x18: {  	s0 =	sld [smem:$0x3F9A];
	_ =	swait.ge [sflag:s4], $0x0  }
0x19: {  	s7 =	sld [smem:$0x3F9B]  }
0x1a: {  	s8 =	sadd.s32 $0xFFFFE003, lr  }
0x1b: {  	s9 =	sadd.s32 $0xFFFFFEF7, lr;
	s5 =	simm.s32 $0xFFFFFFFF;
	p2 =	slt.u32 s8, $0xFFFFF086  }
0x1c: {  	p1 =	slt.u32 s9, $0xF7A;
	s5 =	simm.s32 @!p2 $0x0  }
0x1d: {  	s5 =	simm.s32 @p1 $0x1;
	p0 =	seq.s32 s7, s2  }
0x1e: {  	s7 =	smul.u32 @!p0 $0xF7A, s2;
	p2 =	seq.s32 @!p0 s5, $0x0  }
0x1f: {  	s9 =	smul.u32 $0xF7A, s1;
	s8 =	simm.s32 @!p0 $0x1BF5;
	p2 =	por !p2, p0  }
0x20: {  	[sflag:s8] =	ssyncset.s32 @!p0 $0xFFFFF086;
	s6 =	sadd.s32 @!p0 s3, s7;
	s7 =	simm.s32 @!p0 $0x108  }
0x21: {  	s3 =	sadd.s32 s3, s9;
	s6 =	sadd.s32 @!p0 $0x88, s6;
	s7 =	simm.s32 @p2 $0x1082  }
0x22: {  	[simem:s7], [sflag:s8] =	dma.local @!p0 [hbm:s6], $0xF7A  }
0x23: {  	s9 =	sor.u32 $0xD0000000, s2;
	s6 =	simm.s32 $0x108;
	_ =	swait.ge @!p0 [sflag:s8], $0x0  }
0x24: {  	s3 =	sadd.s32 $0x88, s3;
	s6 =	simm.s32 @!p1 $0x1082;
	[sflag:s4] =	ssyncset.s32 $0xFFFFF086  }
0x25: {  	[simem:s6], [sflag:s4] =	dma.local [hbm:s3], $0xF7A  }
0x26: {  	[smem:$0x3F9B] =	sst s1;
	(tag) =	ssettag s2;
	_ =	strace s9  }
0x27: {  	s1 =	sld [smem:$0x3FAB]  }
0x28: {  	s2 =	sld [smem:$0x3FAC]  }
0x29: {  	s4 =	sld [smem:$0x3FAE]  }
0x2a: {  	p0 =	seq.s32 s5, $0x0;
	s5 =	sld [smem:$0x3FAF]  }
0x2b: {  	s6 =	sld [smem:$0x3FB0]  }
0x2c: {  	s7 =	sld [smem:$0x3FB1]  }
0x2d: {  	s3 =	simm.s32 $0x108;
	s8 =	sld [smem:$0x3FB2]  }
0x2e: {  	s3 =	simm.s32 @!p0 $0x1082;
	s9 =	sld [smem:$0x3FB3]  }
0x2f: {  	lr =	sadd.s32 s0, s3;
	s0 =	sld [smem:$0x3FAA]  }
0x30: {  	s3 =	sld [smem:$0x3FAD]  }
0x31: {  	[smem:$0x3FB6] =	sst s10  }
0x32: {  	s10 =	sld [smem:$0x3FB4];
	_ =	sdelay $0x3  }
0x33: {  	p0 =	seq.s32 s10, $0x1;
	s10 =	sld [smem:$0x3FB6];
	_ =	sdelay $0x3  }
0x34: {  	[smem:$0x3FB6] =	sst s10  }
0x35: {  	s10 =	sld [smem:$0x3FB5];
	_ =	sdelay $0x3  }
0x36: {  	p1 =	seq.s32 s10, $0x1;
	s10 =	sld [smem:$0x3FB6];
	_ =	sdelay $0x3  }
0x37: {  	[smem:$0x3FB6] =	sst s10  }
0x38: {  	s10 =	sld [smem:$0x3FB7]  }
0x39: {  	_ = 	snop;
	(pc) =	sbr.ind lr, $3  }
0x3a: {  	_ = 	snop  }
0x3b: {  	_ = 	snop  }
0x3c: {  	p2 =	seq.s32 s10, $0x1;
	s10 =	sld [smem:$0x3FB6]  }
0x3d: {  	_ =	shalt  }
0x3e: {  	_ =	shalt  }
0x3f: {  	_ =	shalt  }
0x40: {  	_ =	shalt  }
0x41: {  	_ =	shalt  }
0x42: {  	_ =	shalt  }
0x43: {  	_ =	shalt  }
0x44: {  	_ =	shalt  }
0x45: {  	_ =	shalt  }
0x46: {  	_ =	shalt  }
0x47: {  	_ =	shalt  }
0x48: {  	_ =	shalt  }
0x49: {  	_ =	shalt  }
0x4a: {  	_ =	shalt  }
0x4b: {  	_ =	shalt  }
0x4c: {  	_ =	shalt  }
0x4d: {  	_ =	shalt  }
0x4e: {  	_ =	shalt  }
0x4f: {  	_ =	shalt  }
0x50: {  	_ =	shalt  }
0x51: {  	_ =	shalt  }
0x52: {  	_ =	shalt  }
0x53: {  	_ =	shalt  }
0x54: {  	_ =	shalt  }
0x55: {  	_ =	shalt  }
0x56: {  	_ =	shalt  }
0x57: {  	_ =	shalt  }
0x58: {  	_ =	shalt  }
0x59: {  	_ =	shalt  }
0x5a: {  	_ =	shalt  }
0x5b: {  	_ =	shalt  }
0x5c: {  	_ =	shalt  }
0x5d: {  	_ =	shalt  }
0x5e: {  	_ =	shalt  }
0x5f: {  	_ =	shalt  }
0x60: {  	_ =	shalt  }
0x61: {  	_ =	shalt  }
0x62: {  	_ =	shalt  }
0x63: {  	_ =	shalt  }
0x64: {  	_ =	shalt  }
0x65: {  	_ =	shalt  }
0x66: {  	_ =	shalt  }
0x67: {  	_ =	shalt  }
0x68: {  	_ =	shalt  }
0x69: {  	_ =	shalt  }
0x6a: {  	_ =	shalt  }
0x6b: {  	_ =	shalt  }
0x6c: {  	_ =	shalt  }
0x6d: {  	_ =	shalt  }
0x6e: {  	_ =	shalt  }
0x6f: {  	_ =	shalt  }
0x70: {  	_ =	shalt  }
0x71: {  	_ =	shalt  }
0x72: {  	_ =	shalt  }
0x73: {  	_ =	shalt  }
0x74: {  	_ =	shalt  }
0x75: {  	_ =	shalt  }
0x76: {  	_ =	shalt  }
0x77: {  	_ =	shalt  }
0x78: {  	_ =	shalt  }
0x79: {  	_ =	shalt  }
0x7a: {  	_ =	shalt  }
0x7b: {  	_ =	shalt  }
0x7c: {  	_ =	shalt  }
0x7d: {  	_ =	shalt  }
0x7e: {  	_ =	shalt  }
0x7f: {  	_ =	shalt  }
0x80: {  	_ =	shalt  }
0x81: {  	_ =	shalt  }
0x82: {  	_ =	shalt  }
0x83: {  	_ =	shalt  }
0x84: {  	_ =	shalt  }
0x85: {  	_ =	shalt  }
0x86: {  	_ =	shalt  }
0x87: {  	_ =	shalt  }
.Lfunc_end0:
.L_simem_size_0:
called_computation_lowered:
.L_overlay_start_0:
0x88: {  	s2 =	sld [smem:$0x3FD9]  }
0x89: {  	s3 =	sld [smem:$0x3FFE];
	_ =	sdelay $0x1  }
0x8a: {  	s1 =	srdreg.scid  }
0x8b: {  	s0 =	sand.u32 $0x1, s1  }
0x8c: {  	s15 =	sshll.u32 s0, $0xA;
	s2 =	sadd.s32 s3, s2  }
0x8d: {  	s2 =	sadd.s32 s2, s15  }
0x8e: {  	[smem:$0x3FC2] =	sst s2  }
0x8f: {  	_ = 	snop  }
0x90: {  	s2 =	sld [smem:$0x3FD0];
	_ =	sdelay $0x2  }
0x91: {  	s16 =	simm.s32 $0xB;
	s4 =	simm.s32 $0x10  }
0x92: {  	[smem:s4], [sflag:s16] =	dma.local [hbm:s2], $0x1  }
0x93: {  	_ =	swait.eq [sflag:s16], $0x1  }
0x94: {  	[sflag:s16] =	ssyncset.done $0x0  }
0x95: {  	[sflag:s16] =	ssyncadd.s32 $0xFFFFFFFF  }
0x96: {  	s17 =	sld [smem:$0x10];
	(tm) =	ssettm $0x1  }
0x97: {  	s18 =	sld [smem:$0x3FFB];
	_ =	sdelay $0x3  }
0x98: {  	_ =	strace s18  }
0x99: {  	s2 =	sld [smem:$0x3FFC];
	_ =	sdelay $0x3  }
0x9a: {  	_ =	strace s2  }
0x9b: {  	s2 =	sld [smem:$0x3FFD];
	_ =	sdelay $0x3  }
0x9c: {  	_ =	strace s2  }
0x9d: {  	_ =	strace $0x8FFFFFFF  }
0x9e: {  	s19 =	sld [smem:$0x3FDB];
	_ =	sdelay $0x1  }
0x9f: {  	s20 =	simm.s32 $_scs_section_size  }
0xa0: {  	s5 =	simm.s32 $_size__tile_overlayer_lowered;
	s6 =	simm.s32 $_tile_overlayer_lowered  }
0xa1: {  	s7 =	simm.s32 $0x1BFF;
	s21 =	sshll.u32 s6, $0x1;
	s4 =	sadd.s32 s20, s19  }
0xa2: {  	s22 =	simm.s32 $0x0;
	s5 =	sshll.u32 s5, $0x1;
	s6 =	sadd.s32 s21, s4  }
0xa3: {  	[timem:s22], [sflag:s7] =	dma.local [hbm:s6], s5  }
0xa4: {  	_ =	swait.ge [sflag:s7], s5  }
0xa5: {  	s5 =	ssub.s32 $0x0, s5;
	[sflag:s7] =	ssyncset.done $0x0  }
0xa6: {  	[sflag:s7] =	ssyncadd.s32 s5;
	_ =	sdelay $0x1  }
0xa7: {  	s23 =	simm.s32 $0x1B8B  }
0xa8: {  	_ =	swait.ge [sflag:s23], $0x1  }
0xa9: {  	[sflag:s23] =	ssyncset.done $0x0  }
0xaa: {  	[sflag:s23] =	ssyncadd.s32 $0xFFFFFFFF  }
0xab: {  	s5 =	sld [smem:$0x0]  }
0xac: {  	s6 =	sand.u32 $0xFFFFFFFE, s1  }
0xad: {  	p0 =	sne.s32 s1, s6  }
0xae: {  	s6 =	sshll.u32 @p0 s6, $0xE  }
0xaf: {  	s6 =	sadd.s32 @p0 $0x11B8D, s6;
	s7 =	sshll.u32 @p0 s5, $0x11  }
0xb0: {  	s6 =	sor.u32 @p0 s7, s6  }
0xb1: {  	[sflag:s6] =	ssyncadd.remote.s32 @p0 $0x1;
	_ =	sdelay $0x1  }
0xb2: {  	s6 =	simm.s32 @p0 $0x1B8D  }
0xb3: {  	_ =	swait.eq @p0 [sflag:s6], $0x1  }
0xb4: {  	[sflag:s6] =	ssyncadd.s32 @p0 $0xFFFFFFFF  }
0xb5: {  	s7 =	sshll.u32 @!p0 s1, $0xE  }
0xb6: {  	s7 =	sor.u32 @!p0 $0x4000, s7;
	s6 =	simm.s32 @!p0 $0x1B8D  }
0xb7: {  	s5 =	sshll.u32 @!p0 s5, $0x11;
	s7 =	sadd.s32 @!p0 $0x11B8D, s7;
	_ =	swait.eq @!p0 [sflag:s6], $0x1  }
0xb8: {  	s5 =	sor.u32 @!p0 s5, s7;
	[sflag:s6] =	ssyncadd.s32 @!p0 $0xFFFFFFFF  }
0xb9: {  	s25 =	simm.s32 $0x1B8E;
	s24 =	sld [smem:$0x3FFE];
	[sflag:s5] =	ssyncadd.remote.s32 @!p0 $0x1  }
0xba: {  	s26 =	simm.s32 $execute0_lowered;
	[smem:$0x3FD2] =	sst s25  }
0xbb: {  	s6 =	sshll.u32 s26, $0x1;
	_ =	strace $0x80000049;
	[dreg:$0x1] =	wrdreg $0xFFFFFFFF  }
0xbc: {  	s28 =	simm.s32 $_size_execute0_lowered;
	s4 =	sadd.s32 s4, s6;
	[dreg:$0x0] =	wrdreg $0x0  }
0xbd: {  	s6 =	sshll.u32 s28, $0x1;
	[dreg:$0x2] =	wrdreg s4  }
0xbe: {  	[dreg:$0x3] =	wrdreg s6  }
0xbf: {  	[dreg:$0x4] =	wrdreg $0xC0  }
0xc0: {  	_ =	task [dreg:s22], $0x5FFFF  }
0xc1: {  	[dreg:$0x1] =	wrdreg $0xFFFFFFFF  }
0xc2: {  	[dreg:$0x0] =	wrdreg $0x60  }
0xc3: {  	[dreg:$0x2] =	wrdreg s17  }
0xc4: {  	[dreg:$0x3] =	wrdreg s24  }
0xc5: {  	[dreg:$0x4] =	wrdreg $0x40800  }
0xc6: {  	[dreg:$0x5] =	wrdreg $0x9  }
0xc7: {  	_ =	task.clear_ibuf [dreg:s22], $0x6FFFF;
	_ =	strace $0x90000049  }
0xc8: {  	s29 =	simm.s32 $0x9;
	_ =	strace $0x8000004B  }
0xc9: {  	_ =	swait.ge [sflag:s29], $0x1  }
0xca: {  	[sflag:s29] =	ssyncadd.s32 $0xFFFFFFFF  }
0xcb: {  	_ =	strace $0x9000004B  }
0xcc: {  	_ =	sfence  }
0xcd: {  	s30 =	sld [smem:$0x0];
	_ =	sdelay $0x2  }
0xce: {  	s31 =	sshll.u32 s1, $0xD;
	s1 =	sshrl.u32 s1, $0x2  }
0xcf: {  	s4 =	sand.u32 $0x4000, s31;
	s1 =	sadd.s32 s1, s30  }
0xd0: {  	s0 =	sor.u32 s4, s0;
	s1 =	sshll.u32 s1, $0x11  }
0xd1: {  	s0 =	sor.u32 s1, s0  }
0xd2: {  	s0 =	sadd.s32 $0x8F2B, s0  }
0xd3: {  	[sflag:s0] =	ssyncadd.remote.s32 $0x1  }
0xd4: {  	_ =	sfence.sel $0xFFFF  }
0xd5: {  	[dreg:$0x0] =	wrdreg $0xFFFFFFFF;
	(pc) =	sbr.abs _section_cstart, $3  }
0xd6: {  	[dreg:$0x1] =	wrdreg $0xFFFFFFFF  }
0xd7: {  	_ =	task.clear_ibuf [dreg:s22], $0x2FFFF;
	_ =	strace $0x9FFFFFFF  }
0xd8: {  	(tm) =	ssettm $0x7FFFFFFF  }
0xd9: {  	_ =	shalt  }
tec
execute0_lowered:
.L_overlay_start_1:
0x0: {  	(tag) =	ssettag $0x1  }
0x1: {  	s9 =	rddreg [dreg:$0x0]  }
0x2: {  	s4 =	rddreg [dreg:$0x1]  }
0x3: {  	s1 =	srdreg.scid;
	s0 =	stileid.u32  }
0x4: {  	s2 =	rddreg [dreg:$0x2];
	s6 =	smul.u32 $0x2780, s0  }
0x5: {  	s3 =	simm.s32 $0x0;
	s16 =	simm.s32 $0x0;
	s8 =	smul.u32 $0x4F000, s0  }
0x6: {  	s5 =	sand.u32 $0x1, s1;
	s1 =	rddreg [dreg:$0x3];
	s13 =	smul.u32 $0x500, s0  }
0x7: {  	[smem:$0x7FF] =	sst s3;
	s14 =	sshll.u32 s0, $0x6;
	s7 =	smul.u32 $0x27800, s5  }
0x8: {  	_ =	strace $0x8000004A;
	s29 =	ssub.s32 $0x2, s5;
	s12 =	smul.u32 $0x5000, s5  }
0x9: {  	s14 =	sor.u32 $0x1C01, s14;
	s31 =	sshrl.u32 s8, $0x2;
	s6 =	sadd.s32 s6, s7  }
0xa: {  	s30 =	sshrl.u32 s29, $0x1;
	s10 =	sadd.s32 s6, s4;
	s4 =	sadd.s32 s31, s2  }
0xb: {  	s11 =	ssub.s32 s29, s30;
	s12 =	sadd.s32 s12, s9;
	s5 =	sadd.s32 $0x4000, s4  }
0xc: {  	s6 =	sadd.s32 $0x8000, s4;
	s7 =	sadd.s32 $0xC000, s4;
	s8 =	sadd.s32 $0x10000, s4  }
0xd: {  	s9 =	sadd.s32 $0x65A00, s10;
	s10 =	smax.u32 s11, $0x1;
	s11 =	sadd.s32 s13, s12  }
0xe: {  	v0 =	vimm.f32 $0.0e+00;
	v1 =	vimm.f32 $1.000000000e+00;
	s12 =	simm.s32 $0x80;
	s13 =	simm.s32 $0x1;
	s15 =	sshrl.u32 s4, $0x3  }
.LBB2_1:
0xf: {  	s17 =	simm.s32 $0x0;
	s18 =	simm.s32 $0x200  }
.LBB2_2:
0x10: {  	p0 =	sne.s32 s18, $0xFE00;
	[tilespmem:s17+$0xF0] =	vst v0  }
0x11: {  	[tilespmem:s17+$0x80] =	vst v0  }
0x12: {  	[tilespmem:s17+$0x90] =	vst v0  }
.Ltmp0:
0x13: {  	[tilespmem:s17+$0xA0] =	vst v0;
	(pc) =	sbr.rel @p0 .LBB2_2-.Ltmp0, $4  }
0x14: {  	[tilespmem:s17+$0xB0] =	vst v0  }
0x15: {  	[tilespmem:s17+$0xC0] =	vst v0  }
0x16: {  	[tilespmem:s17+$0xD0] =	vst v0  }
0x17: {  	[tilespmem:s17+$0xE0] =	vst v0;
	s17 =	sshra.s32 s18, $0x2;
	s18 =	sadd.s32 $0x200, s18  }
0x18: {  	[tilespmem:s17+$0xF0] =	vst v0  }
0x19: {  	[tilespmem:s17+$0x80] =	vst v0  }
0x1a: {  	[tilespmem:s17+$0x90] =	vst v0  }
0x1b: {  	[tilespmem:s17+$0xA0] =	vst v0  }
0x1c: {  	[tilespmem:s17+$0xB0] =	vst v0  }
0x1d: {  	[tilespmem:s17+$0xC0] =	vst v0  }
0x1e: {  	[tilespmem:s17+$0xD0] =	vst v0  }
0x1f: {  	[tilespmem:s17+$0xE0] =	vst v0  }
0x20: {  	[spmem:s4] =	stream.linear.scatter [tilespmem:s12], [sflag:$0x1], $0x4000, $0x38;
	[tilespmem:$0x17C80] =	vst v63  }
0x21: {  	_ =	swait.ge [sflag:s13], $0x4000  }
0x22: {  	[sflag:s13] =	ssyncset.done $0x0  }
0x23: {  	[sflag:s13] =	ssyncadd.s32 $0xFFFFC000  }
0x24: {  	[spmem:s5] =	stream.linear.scatter [tilespmem:s12], [sflag:$0x1], $0x4000, $0x38;
	[tilespmem:$0x17C80] =	vst v63  }
0x25: {  	_ =	swait.ge [sflag:s13], $0x4000  }
0x26: {  	[sflag:s13] =	ssyncset.done $0x0  }
0x27: {  	[sflag:s13] =	ssyncadd.s32 $0xFFFFC000  }
0x28: {  	[spmem:s6] =	stream.linear.scatter [tilespmem:s12], [sflag:$0x1], $0x4000, $0x38;
	[tilespmem:$0x17C80] =	vst v63  }
0x29: {  	_ =	swait.ge [sflag:s13], $0x4000  }
0x2a: {  	[sflag:s13] =	ssyncset.done $0x0  }
0x2b: {  	[sflag:s13] =	ssyncadd.s32 $0xFFFFC000  }
0x2c: {  	[spmem:s7] =	stream.linear.scatter [tilespmem:s12], [sflag:$0x1], $0x4000, $0x38;
	[tilespmem:$0x17C80] =	vst v63  }
0x2d: {  	_ =	swait.ge [sflag:s13], $0x4000  }
0x2e: {  	[sflag:s13] =	ssyncset.done $0x0  }
0x2f: {  	[sflag:s13] =	ssyncadd.s32 $0xFFFFC000  }
0x30: {  	[spmem:s8] =	stream.linear.scatter [tilespmem:s12], [sflag:$0x1], $0x3C00, $0x38;
	[tilespmem:$0x17C80] =	vst v63  }
0x31: {  	_ =	swait.ge [sflag:s13], $0x3C00  }
0x32: {  	[sflag:s13] =	ssyncset.done $0x0  }
0x33: {  	s17 =	simm.s32 $0x0;
	s18 =	simm.s32 $0x200;
	[sflag:s13] =	ssyncadd.s32 $0xFFFFC400  }
.LBB2_4:
0x34: {  	p0 =	sne.s32 s18, $0xFE00;
	[tilespmem:s17+$0xF0] =	vst v1  }
0x35: {  	[tilespmem:s17+$0x80] =	vst v1  }
0x36: {  	[tilespmem:s17+$0x90] =	vst v1  }
.Ltmp1:
0x37: {  	[tilespmem:s17+$0xA0] =	vst v1;
	(pc) =	sbr.rel @p0 .LBB2_4-.Ltmp1, $4  }
0x38: {  	[tilespmem:s17+$0xB0] =	vst v1  }
0x39: {  	[tilespmem:s17+$0xC0] =	vst v1  }
0x3a: {  	[tilespmem:s17+$0xD0] =	vst v1  }
0x3b: {  	[tilespmem:s17+$0xE0] =	vst v1;
	s17 =	sshra.s32 s18, $0x2;
	s18 =	sadd.s32 $0x200, s18  }
0x3c: {  	[tilespmem:s17+$0xF0] =	vst v1  }
0x3d: {  	[tilespmem:s17+$0x80] =	vst v1  }
0x3e: {  	[tilespmem:s17+$0x90] =	vst v1  }
0x3f: {  	[tilespmem:s17+$0xA0] =	vst v1  }
0x40: {  	[tilespmem:s17+$0xB0] =	vst v1  }
0x41: {  	[tilespmem:s17+$0xC0] =	vst v1  }
0x42: {  	[tilespmem:s17+$0xD0] =	vst v1  }
0x43: {  	[tilespmem:s17+$0xE0] =	vst v1  }
0x44: {  	s31 =	sadd.s32 $0x0, s11;
	[bflag:$0x0] =	sbarrier.arrive $0xFFFF  }
0x45: {  	[tilespmem:s3], [sflag:$0x1] =	stream.linear.gather [hbm4b:s31+s3], $0x80, $0x38;
	[tilespmem:$0x17C80] =	vst v63  }
0x46: {  	_ =	swait.ge [sflag:s13], $0x80  }
0x47: {  	[sflag:s13] =	ssyncset.done $0x0  }
0x48: {  	[sflag:s13] =	ssyncadd.s32 $0xFFFFFF80  }
0x49: {  	[spmem:s2] =	stream.indirect.scatter.add.f32 [tilespmem:s12], [sflag:$0x1], $0x80, s3, s12, $0xb8;
	[tilespmem:$0x17C80] =	vst v63  }
0x4a: {  	_ =	swait.ge [sflag:s13], $0x4000  }
0x4b: {  	s17 =	simm.s32 $0x10;
	s18 =	simm.s32 $0x20;
	[sflag:s13] =	ssyncset.done $0x0  }
.LBB2_6:
0x4c: {  	s19 =	sadd.s32 s17, s11  }
0x4d: {  	[sflag:s13] =	ssyncadd.s32 $0xFFFFC000;
	s17 =	smov.u32 s18;
	s20 =	sadd.s32 $0x10, s18  }
0x4e: {  	[tilespmem:s3], [sflag:$0x1] =	stream.linear.gather [hbm4b:s19+s3], $0x80, $0x38;
	[tilespmem:$0x17C80] =	vst v63  }
0x4f: {  	p0 =	sne.s32 s18, $0x4F0;
	_ =	swait.ge [sflag:s13], $0x80  }
.Ltmp2:
0x50: {  	[sflag:s13] =	ssyncset.done $0x0;
	(pc) =	sbr.rel @p0 .LBB2_6-.Ltmp2, $4  }
0x51: {  	[sflag:s13] =	ssyncadd.s32 $0xFFFFFF80  }
0x52: {  	[spmem:s2] =	stream.indirect.scatter.add.f32 [tilespmem:s12], [sflag:$0x1], $0x80, s3, s12, $0xb8;
	[tilespmem:$0x17C80] =	vst v63  }
0x53: {  	_ =	swait.ge [sflag:s13], $0x4000  }
0x54: {  	s18 =	smov.u32 s20;
	[sflag:s13] =	ssyncset.done $0x0  }
0x55: {  	s17 =	sadd.s32 s17, s11;
	[sflag:s13] =	ssyncadd.s32 $0xFFFFC000  }
0x56: {  	[tilespmem:s3], [sflag:$0x1] =	stream.linear.gather [hbm4b:s17+s3], $0x80, $0x38;
	[tilespmem:$0x17C80] =	vst v63  }
0x57: {  	_ =	swait.ge [sflag:s13], $0x80  }
0x58: {  	[sflag:s13] =	ssyncset.done $0x0  }
0x59: {  	[sflag:s13] =	ssyncadd.s32 $0xFFFFFF80  }
0x5a: {  	[spmem:s2] =	stream.indirect.scatter.add.f32 [tilespmem:s12], [sflag:$0x1], $0x80, s3, s12, $0xb8;
	[tilespmem:$0x17C80] =	vst v63  }
0x5b: {  	_ =	swait.ge [sflag:s13], $0x4000  }
0x5c: {  	s16 =	sadd.s32 $0x1, s16;
	[sflag:s13] =	ssyncset.done $0x0  }
0x5d: {  	p0 =	sne.s32 s16, s10;
	[sflag:s13] =	ssyncadd.s32 $0xFFFFC000  }
.Ltmp3:
0x5e: {  	[bflag:$0x0] =	sbarrier.arrive $0xFFFF;
	(pc) =	sbr.rel @p0 .LBB2_1-.Ltmp3, $4  }
0x5f: {  	[hbm:s9], [sflag:s14] =	dma.local [spmem:s15], $0x2780  }
0x60: {  	_ =	swait.ge [sflag:s13], $0x2780  }
0x61: {  	[sflag:s13] =	ssyncset.done $0x0  }
0x62: {  	[sflag:s13] =	ssyncadd.s32 $0xFFFFD880  }
0x63: {  	_ =	sfence.sel $0x180000  }
0x64: {  	[bflag:$0x0] =	sbarrier.arrive $0xFFFF  }
0x65: {  	p0 =	sne.s32 s0, $0x0;
	_ =	strace $0x9000004A  }
0x66: {  	s0 =	sadd.s32 @!p0 $0x100000, s1;
	[bflag:$0x2] =	sbarrier.arrive $0xFFFF  }
0x67: {  	[sflag:s0] =	ssyncadd.tile.s32 @!p0 $0x1;
	_ =	shalt  }
.Lfunc_end2:
_tile_overlayer_lowered:
.L_overlay_start_2:
0x68: {  	(tag) =	ssettag $0x2  }
0x69: {  	s0 =	rddreg [dreg:$0x0];
	s2 =	stileid.u32  }
0x6a: {  	s1 =	rddreg [dreg:$0x1];
	p0 =	sne.s32 s2, $0x0  }
0x6b: {  	s3 =	rddreg [dreg:$0x2];
	[bflag:$0x3] =	sbarrier.arrive $0xFFFF;
	s2 =	simm.s32 @!p0 $0x1C01  }
0x6c: {  	[timem:s3], [sflag:s2] =	dma.local @!p0 [hbm:s0], s1  }
0x6d: {  	s0 =	simm.s32 @!p0 $0x1  }
0x6e: {  	_ =	swait.ge @!p0 [sflag:s0], s1  }
0x6f: {  	s1 =	ssub.s32 @!p0 $0x0, s1;
	[sflag:s0] =	ssyncset.done @!p0 $0x0  }
0x70: {  	[sflag:s0] =	ssyncadd.s32 @!p0 s1  }
0x71: {  	[bflag:$0x3] =	sbarrier.arrive $0xFFFF  }
0x72: {  	_ =	shalt  }

</sc_bundles>
